<compile_context>
chip_gen: v7x
topology: tpu7x:2x2x1
jax: 0.10.2.dev20260603
libtpu: 0.0.44.dev20260713+nightly
codegen_flags: <defaults>
</compile_context>

<pallas_src>
import functools

import jax
import jax.numpy as jnp
from jax import lax
from jax.experimental import pallas as pl
from jax.experimental.pallas import tpu as pltpu
from jax.experimental.pallas import tpu_sc as plsc

B, TOPK, E, D_MODEL, D_FF = 512, 2, 64, 1024, 64
KA = E * D_FF
EPB = 32
GRID = E // EPB
KBLK = EPB * D_FF
NW = 32
TPW = B // NW
XROWS = TOPK * D_FF + 2 * TOPK


def _sc_dispatch_body(x_hbm, a_hbm, x_v, a_v):
    wid = lax.axis_index("s") * 2 + lax.axis_index("c")
    base = wid * TPW
    pltpu.sync_copy(x_hbm.at[wid], x_v)

    w0 = x_v[128, :]
    w1 = x_v[129, :]
    idx0 = x_v[130, :].astype(jnp.int32)
    idx1 = x_v[131, :].astype(jnp.int32)
    eqf = jnp.where(idx0 == idx1, 1.0, 0.0)

    zero16 = jnp.zeros((16,), jnp.float32)

    def _zbody(j, carry):
        for i in range(16):
            a_v[pl.ds(j * 256 + i * 16, 16)] = zero16
        return carry

    lax.fori_loop(0, TPW * KA // 256, _zbody, 0)

    row_base = lax.iota(jnp.int32, 16) * KA
    for t in range(TOPK):
        idx_t = idx0 if t == 0 else idx1
        w_t = w0 if t == 0 else w1
        w_o = w1 if t == 0 else w0
        for c in range(D_FF):
            av = x_v[t * D_FF + c, :]
            ov = x_v[(1 - t) * D_FF + c, :]
            val = av * w_t + eqf * ov * w_o
            cols = row_base + idx_t * D_FF + c
            plsc.store_scatter(a_v, [cols], val)

    pltpu.sync_copy(a_v, a_hbm.at[pl.ds(base * KA, TPW * KA)])


_sc_dispatch = functools.partial(
    pl.kernel,
    mesh=plsc.VectorSubcoreMesh(core_axis_name="c", subcore_axis_name="s"),
    out_type=jax.ShapeDtypeStruct((B * KA,), jnp.float32),
    compiler_params=pltpu.CompilerParams(needs_layout_passes=False),
    scratch_types=[
        pltpu.VMEM((XROWS, TPW), jnp.float32),
        pltpu.VMEM((TPW * KA,), jnp.float32),
    ],
)(_sc_dispatch_body)


def _moe_body(a_ref, idx_ref, wgt_ref, w_ref, bias_ref, resid_ref, out_ref):
    g = pl.program_id(0)

    @pl.when(g == 0)
    def _init():
        wgt = wgt_ref[...]
        idx = idx_ref[...]
        eids = lax.broadcasted_iota(jnp.int32, (B, TOPK, E), 2)
        cb = jnp.sum(jnp.where(idx[:, :, None] == eids,
                               wgt[:, :, None], 0.0),
                     axis=1).astype(jnp.bfloat16)
        out_ref[...] = resid_ref[...] + jnp.dot(
            cb, bias_ref[...], preferred_element_type=jnp.float32)

    a_blk = a_ref[...].astype(jnp.bfloat16)
    out_ref[...] += jnp.dot(a_blk, w_ref[...],
                            preferred_element_type=jnp.float32)


def kernel(activated, expert_indices, expert_weights, mlp2_weight, mlp2_bias,
           residual_x):
    idx32 = expert_indices.astype(jnp.int32)
    x = jnp.concatenate(
        [activated.reshape(B, TOPK * D_FF).T,
         expert_weights.T,
         expert_indices.astype(jnp.float32).T], axis=0)
    x = x.reshape(XROWS, NW, TPW).transpose(1, 0, 2)
    a = _sc_dispatch(x).reshape(B, KA)
    w2 = jnp.swapaxes(mlp2_weight, 1, 2).reshape(E * D_FF, D_MODEL)
    w2_bf = w2.astype(jnp.bfloat16)
    bias_bf = mlp2_bias.astype(jnp.bfloat16)
    return pl.pallas_call(
        _moe_body,
        grid=(GRID,),
        in_specs=[
            pl.BlockSpec((B, KBLK), lambda g: (0, g)),
            pl.BlockSpec((B, TOPK), lambda g: (0, 0)),
            pl.BlockSpec((B, TOPK), lambda g: (0, 0)),
            pl.BlockSpec((KBLK, D_MODEL), lambda g: (g, 0)),
            pl.BlockSpec((E, D_MODEL), lambda g: (0, 0)),
            pl.BlockSpec((B, D_MODEL), lambda g: (0, 0)),
        ],
        out_specs=pl.BlockSpec((B, D_MODEL), lambda g: (0, 0)),
        out_shape=jax.ShapeDtypeStruct((B, D_MODEL), jnp.float32),
    )(a, idx32, expert_weights, w2_bf, bias_bf, residual_x)

# --- scband reference (transcript-rebuilt; emitter-appended) ---
"""Pipeline reference for scband-model-2619930051518 (READ-ONLY COPY).

The authoritative reference and input builder live on the scoring server;
editing this copy changes nothing except your own understanding.
"""

import jax, jax.numpy as jnp
import numpy as np


def setup_inputs(seed: int = 0) -> dict:
    key = jax.random.key(seed)
    k1, k2, k3, k4, k5, k6 = jax.random.split(key, 6)
    B, TOPK, E, D_MODEL, D_FF = 512, 2, 64, 1024, 64
    activated = jax.random.normal(k1, (B, TOPK, D_FF), dtype=jnp.float32)
    expert_indices = jax.random.randint(k2, (B, TOPK), 0, E, dtype=jnp.int64)
    expert_weights = jax.random.uniform(k3, (B, TOPK), dtype=jnp.float32)
    mlp2_weight = jax.random.normal(k4, (E, D_MODEL, D_FF), dtype=jnp.float32)
    mlp2_bias = jax.random.normal(k5, (E, D_MODEL), dtype=jnp.float32)
    residual_x = jax.random.normal(k6, (B, D_MODEL), dtype=jnp.float32)
    return {
        "activated": activated,
        "expert_indices": expert_indices,
        "expert_weights": expert_weights,
        "mlp2_weight": mlp2_weight,
        "mlp2_bias": mlp2_bias,
        "residual_x": residual_x,
    }


def reference(activated, expert_indices, expert_weights, mlp2_weight, mlp2_bias, residual_x):
    # gather per-token expert weight matrices and biases
    w = jnp.take(mlp2_weight, expert_indices, axis=0)  # [B, e, c, k]
    b = jnp.take(mlp2_bias, expert_indices, axis=0)    # [B, e, c]
    t = jnp.einsum('beck,bek->bec', w, activated)
    t = t + b
    t = jnp.einsum('bec,be->bc', t, expert_weights)
    return residual_x + t

if __name__ == "__main__":
    import jax
    _d = setup_inputs()
    print(jax.jit(kernel)(*tuple(_d.values())))

</pallas_src>

<mosaic_0001>
#map = affine_map<(d0, d1) -> (0, 0, 0)>
#map1 = affine_map<(d0, d1) -> (0)>
module attributes {stable_mosaic.version = 14 : i64} {
  func.func @_sc_dispatch_body(%arg0: i32, %arg1: i32, %arg2: memref<32x132x16xf32, #tpu.memory_space<hbm>>, %arg3: memref<2097152xf32, #tpu.memory_space<hbm>>, %arg4: memref<132x16xf32, #tpu.memory_space<vmem>>, %arg5: memref<65536xf32, #tpu.memory_space<vmem>>) attributes {dimension_semantics = [#tpu.dimension_semantics<core_parallel>, #tpu.dimension_semantics<subcore_parallel>], iteration_bounds = array<i64: 2, 16>, scalar_prefetch = 0 : i64, scratch_operands = 2 : i64, tpu.core_type = #tpu.core_type<sc_vector_subcore>, window_params = [{transform_indices = #map}, {transform_indices = #map1}]} {
    %mul3A = arith.constant 2 : i32
    %mul3A_0 = arith.muli %arg1, %mul3A : i32
    %add3A = arith.addi %mul3A_0, %arg0 : i32
    %mul3A_1 = arith.constant 16 : i32
    %mul3A_2 = arith.muli %add3A, %mul3A_1 : i32
    "tpu.region"() ({
      %run_scoped3A = tpu.sem_alloc : memref<!tpu.dma_semaphore, #tpu.memory_space<semaphore_mem>>
      %dma_start3A = arith.constant 0 : i32
      %dma_start3A_2465 = arith.constant 0 : i32
      %dma_start3A_2466 = tpu.memref_slice %arg2[%add3A, %dma_start3A, %dma_start3A_2465] : memref<32x132x16xf32, #tpu.memory_space<hbm>> -> memref<1x132x16xf32, #tpu.memory_space<hbm>>
      %dma_start3A_2467 = tpu.memref_squeeze %dma_start3A_2466 : memref<1x132x16xf32, #tpu.memory_space<hbm>> -> memref<132x16xf32, #tpu.memory_space<hbm>>
      %dma_start3A_2468 = arith.constant 0 : i32
      %dma_start3A_2469 = arith.constant 0 : i32
      %dma_start3A_2470 = tpu.memref_slice %arg2[%add3A, %dma_start3A_2468, %dma_start3A_2469] : memref<32x132x16xf32, #tpu.memory_space<hbm>> -> memref<1x132x16xf32, #tpu.memory_space<hbm>>
      %dma_start3A_2471 = tpu.memref_squeeze %dma_start3A_2470 : memref<1x132x16xf32, #tpu.memory_space<hbm>> -> memref<132x16xf32, #tpu.memory_space<hbm>>
      tpu.enqueue_dma source(%dma_start3A_2471 : memref<132x16xf32, #tpu.memory_space<hbm>>) target(%arg4 : memref<132x16xf32, #tpu.memory_space<vmem>>) target_semaphore(%run_scoped3A : memref<!tpu.dma_semaphore, #tpu.memory_space<semaphore_mem>>)
      %dma_wait3A = arith.constant 0 : i32
      %dma_wait3A_2472 = arith.constant 0 : i32
      %dma_wait3A_2473 = tpu.memref_slice %arg2[%add3A, %dma_wait3A, %dma_wait3A_2472] : memref<32x132x16xf32, #tpu.memory_space<hbm>> -> memref<1x132x16xf32, #tpu.memory_space<hbm>>
      %dma_wait3A_2474 = tpu.memref_squeeze %dma_wait3A_2473 : memref<1x132x16xf32, #tpu.memory_space<hbm>> -> memref<132x16xf32, #tpu.memory_space<hbm>>
      %dma_wait3A_2475 = arith.constant 0 : i32
      %dma_wait3A_2476 = arith.constant 0 : i32
      %dma_wait3A_2477 = tpu.memref_slice %arg2[%add3A, %dma_wait3A_2475, %dma_wait3A_2476] : memref<32x132x16xf32, #tpu.memory_space<hbm>> -> memref<1x132x16xf32, #tpu.memory_space<hbm>>
      %dma_wait3A_2478 = tpu.memref_squeeze %dma_wait3A_2477 : memref<1x132x16xf32, #tpu.memory_space<hbm>> -> memref<132x16xf32, #tpu.memory_space<hbm>>
      tpu.wait_dma2 semaphore(%run_scoped3A : memref<!tpu.dma_semaphore, #tpu.memory_space<semaphore_mem>>) src(%dma_wait3A_2478 : memref<132x16xf32, #tpu.memory_space<hbm>>) dst(%arg4 : memref<132x16xf32, #tpu.memory_space<vmem>>)
      tpu.yield
    }) : () -> ()
    %get3A = arith.constant 128 : i32
    %get3A_3 = arith.index_cast %get3A : i32 to index
    %get3A_4 = arith.constant 0 : index
    %get3A_5 = tpu.vector_load %arg4[%get3A_3, %get3A_4] {strides = array<i32>} : memref<132x16xf32, #tpu.memory_space<vmem>>, vector<16xf32>,
    %get3A_6 = arith.constant 129 : i32
    %get3A_7 = arith.index_cast %get3A_6 : i32 to index
    %get3A_8 = arith.constant 0 : index
    %get3A_9 = tpu.vector_load %arg4[%get3A_7, %get3A_8] {strides = array<i32>} : memref<132x16xf32, #tpu.memory_space<vmem>>, vector<16xf32>,
    %get3A_10 = arith.constant 130 : i32
    %get3A_11 = arith.index_cast %get3A_10 : i32 to index
    %get3A_12 = arith.constant 0 : index
    %get3A_13 = tpu.vector_load %arg4[%get3A_11, %get3A_12] {strides = array<i32>} : memref<132x16xf32, #tpu.memory_space<vmem>>, vector<16xf32>,
    %convert_element_type3A = arith.fptosi %get3A_13 : vector<16xf32> to vector<16xi32>
    %get3A_14 = arith.constant 131 : i32
    %get3A_15 = arith.index_cast %get3A_14 : i32 to index
    %get3A_16 = arith.constant 0 : index
    %get3A_17 = tpu.vector_load %arg4[%get3A_15, %get3A_16] {strides = array<i32>} : memref<132x16xf32, #tpu.memory_space<vmem>>, vector<16xf32>,
    %convert_element_type3A_18 = arith.fptosi %get3A_17 : vector<16xf32> to vector<16xi32>
    %eq3A = arith.cmpi eq, %convert_element_type3A, %convert_element_type3A_18 : vector<16xi32>
    %jit3A = arith.constant 1.000000e+00 : f32
    %jit3A_19 = arith.constant 0.000000e+00 : f32
    %broadcast_in_dim3A = vector.broadcast %jit3A : f32 to vector<16xf32>
    %broadcast_in_dim3A_20 = vector.broadcast %jit3A_19 : f32 to vector<16xf32>
    %select_n3A = arith.select %eq3A, %broadcast_in_dim3A, %broadcast_in_dim3A_20 : vector<16xi1>, vector<16xf32>
    %broadcast_in_dim3A_21 = arith.constant 0.000000e+00 : f32
    %broadcast_in_dim3A_22 = vector.broadcast %broadcast_in_dim3A_21 : f32 to vector<16xf32>
    %scan3A = arith.constant 0 : i32
    %scan3A_23 = arith.constant 0 : i32
    %scan3A_24 = arith.constant 256 : i32
    %scan3A_25 = arith.addi %scan3A_23, %scan3A_24 : i32
    %scan3A_26 = arith.constant 1 : i32
    scf.for %scan3A_2465 = %scan3A_23 to %scan3A_25 step %scan3A_26  : i32 {
      %mul3A_2466 = arith.constant 256 : i32
      %mul3A_2467 = arith.muli %scan3A_2465, %mul3A_2466 : i32
      %add3A_2468 = arith.constant 0 : i32
      %add3A_2469 = arith.addi %mul3A_2467, %add3A_2468 : i32
      %swap3A = arith.index_cast %add3A_2469 : i32 to index
      %swap3A_2470 = tpu.vector_load %arg5[%swap3A] {strides = array<i32>} : memref<65536xf32, #tpu.memory_space<vmem>>, vector<16xf32>,
      tpu.vector_store %arg5[%swap3A], %broadcast_in_dim3A_22 {strides = array<i32>} : memref<65536xf32, #tpu.memory_space<vmem>>, vector<16xf32>,
      %mul3A_2471 = arith.constant 256 : i32
      %mul3A_2472 = arith.muli %scan3A_2465, %mul3A_2471 : i32
      %add3A_2473 = arith.constant 16 : i32
      %add3A_2474 = arith.addi %mul3A_2472, %add3A_2473 : i32
      %swap3A_2475 = arith.index_cast %add3A_2474 : i32 to index
      %swap3A_2476 = tpu.vector_load %arg5[%swap3A_2475] {strides = array<i32>} : memref<65536xf32, #tpu.memory_space<vmem>>, vector<16xf32>,
      tpu.vector_store %arg5[%swap3A_2475], %broadcast_in_dim3A_22 {strides = array<i32>} : memref<65536xf32, #tpu.memory_space<vmem>>, vector<16xf32>,
      %mul3A_2477 = arith.constant 256 : i32
      %mul3A_2478 = arith.muli %scan3A_2465, %mul3A_2477 : i32
      %add3A_2479 = arith.constant 32 : i32
      %add3A_2480 = arith.addi %mul3A_2478, %add3A_2479 : i32
      %swap3A_2481 = arith.index_cast %add3A_2480 : i32 to index
      %swap3A_2482 = tpu.vector_load %arg5[%swap3A_2481] {strides = array<i32>} : memref<65536xf32, #tpu.memory_space<vmem>>, vector<16xf32>,
      tpu.vector_store %arg5[%swap3A_2481], %broadcast_in_dim3A_22 {strides = array<i32>} : memref<65536xf32, #tpu.memory_space<vmem>>, vector<16xf32>,
      %mul3A_2483 = arith.constant 256 : i32
      %mul3A_2484 = arith.muli %scan3A_2465, %mul3A_2483 : i32
      %add3A_2485 = arith.constant 48 : i32
      %add3A_2486 = arith.addi %mul3A_2484, %add3A_2485 : i32
      %swap3A_2487 = arith.index_cast %add3A_2486 : i32 to index
      %swap3A_2488 = tpu.vector_load %arg5[%swap3A_2487] {strides = array<i32>} : memref<65536xf32, #tpu.memory_space<vmem>>, vector<16xf32>,
      tpu.vector_store %arg5[%swap3A_2487], %broadcast_in_dim3A_22 {strides = array<i32>} : memref<65536xf32, #tpu.memory_space<vmem>>, vector<16xf32>,
      %mul3A_2489 = arith.constant 256 : i32
      %mul3A_2490 = arith.muli %scan3A_2465, %mul3A_2489 : i32
      %add3A_2491 = arith.constant 64 : i32
      %add3A_2492 = arith.addi %mul3A_2490, %add3A_2491 : i32
      %swap3A_2493 = arith.index_cast %add3A_2492 : i32 to index
      %swap3A_2494 = tpu.vector_load %arg5[%swap3A_2493] {strides = array<i32>} : memref<65536xf32, #tpu.memory_space<vmem>>, vector<16xf32>,
      tpu.vector_store %arg5[%swap3A_2493], %broadcast_in_dim3A_22 {strides = array<i32>} : memref<65536xf32, #tpu.memory_space<vmem>>, vector<16xf32>,
      %mul3A_2495 = arith.constant 256 : i32
      %mul3A_2496 = arith.muli %scan3A_2465, %mul3A_2495 : i32
      %add3A_2497 = arith.constant 80 : i32
      %add3A_2498 = arith.addi %mul3A_2496, %add3A_2497 : i32
      %swap3A_2499 = arith.index_cast %add3A_2498 : i32 to index
      %swap3A_2500 = tpu.vector_load %arg5[%swap3A_2499] {strides = array<i32>} : memref<65536xf32, #tpu.memory_space<vmem>>, vector<16xf32>,
      tpu.vector_store %arg5[%swap3A_2499], %broadcast_in_dim3A_22 {strides = array<i32>} : memref<65536xf32, #tpu.memory_space<vmem>>, vector<16xf32>,
      %mul3A_2501 = arith.constant 256 : i32
      %mul3A_2502 = arith.muli %scan3A_2465, %mul3A_2501 : i32
      %add3A_2503 = arith.constant 96 : i32
      %add3A_2504 = arith.addi %mul3A_2502, %add3A_2503 : i32
      %swap3A_2505 = arith.index_cast %add3A_2504 : i32 to index
      %swap3A_2506 = tpu.vector_load %arg5[%swap3A_2505] {strides = array<i32>} : memref<65536xf32, #tpu.memory_space<vmem>>, vector<16xf32>,
      tpu.vector_store %arg5[%swap3A_2505], %broadcast_in_dim3A_22 {strides = array<i32>} : memref<65536xf32, #tpu.memory_space<vmem>>, vector<16xf32>,
      %mul3A_2507 = arith.constant 256 : i32
      %mul3A_2508 = arith.muli %scan3A_2465, %mul3A_2507 : i32
      %add3A_2509 = arith.constant 112 : i32
      %add3A_2510 = arith.addi %mul3A_2508, %add3A_2509 : i32
      %swap3A_2511 = arith.index_cast %add3A_2510 : i32 to index
      %swap3A_2512 = tpu.vector_load %arg5[%swap3A_2511] {strides = array<i32>} : memref<65536xf32, #tpu.memory_space<vmem>>, vector<16xf32>,
      tpu.vector_store %arg5[%swap3A_2511], %broadcast_in_dim3A_22 {strides = array<i32>} : memref<65536xf32, #tpu.memory_space<vmem>>, vector<16xf32>,
      %mul3A_2513 = arith.constant 256 : i32
      %mul3A_2514 = arith.muli %scan3A_2465, %mul3A_2513 : i32
      %add3A_2515 = arith.constant 128 : i32
      %add3A_2516 = arith.addi %mul3A_2514, %add3A_2515 : i32
      %swap3A_2517 = arith.index_cast %add3A_2516 : i32 to index
      %swap3A_2518 = tpu.vector_load %arg5[%swap3A_2517] {strides = array<i32>} : memref<65536xf32, #tpu.memory_space<vmem>>, vector<16xf32>,
      tpu.vector_store %arg5[%swap3A_2517], %broadcast_in_dim3A_22 {strides = array<i32>} : memref<65536xf32, #tpu.memory_space<vmem>>, vector<16xf32>,
      %mul3A_2519 = arith.constant 256 : i32
      %mul3A_2520 = arith.muli %scan3A_2465, %mul3A_2519 : i32
      %add3A_2521 = arith.constant 144 : i32
      %add3A_2522 = arith.addi %mul3A_2520, %add3A_2521 : i32
      %swap3A_2523 = arith.index_cast %add3A_2522 : i32 to index
      %swap3A_2524 = tpu.vector_load %arg5[%swap3A_2523] {strides = array<i32>} : memref<65536xf32, #tpu.memory_space<vmem>>, vector<16xf32>,
      tpu.vector_store %arg5[%swap3A_2523], %broadcast_in_dim3A_22 {strides = array<i32>} : memref<65536xf32, #tpu.memory_space<vmem>>, vector<16xf32>,
      %mul3A_2525 = arith.constant 256 : i32
      %mul3A_2526 = arith.muli %scan3A_2465, %mul3A_2525 : i32
      %add3A_2527 = arith.constant 160 : i32
      %add3A_2528 = arith.addi %mul3A_2526, %add3A_2527 : i32
      %swap3A_2529 = arith.index_cast %add3A_2528 : i32 to index
      %swap3A_2530 = tpu.vector_load %arg5[%swap3A_2529] {strides = array<i32>} : memref<65536xf32, #tpu.memory_space<vmem>>, vector<16xf32>,
      tpu.vector_store %arg5[%swap3A_2529], %broadcast_in_dim3A_22 {strides = array<i32>} : memref<65536xf32, #tpu.memory_space<vmem>>, vector<16xf32>,
      %mul3A_2531 = arith.constant 256 : i32
      %mul3A_2532 = arith.muli %scan3A_2465, %mul3A_2531 : i32
      %add3A_2533 = arith.constant 176 : i32
      %add3A_2534 = arith.addi %mul3A_2532, %add3A_2533 : i32
      %swap3A_2535 = arith.index_cast %add3A_2534 : i32 to index
      %swap3A_2536 = tpu.vector_load %arg5[%swap3A_2535] {strides = array<i32>} : memref<65536xf32, #tpu.memory_space<vmem>>, vector<16xf32>,
      tpu.vector_store %arg5[%swap3A_2535], %broadcast_in_dim3A_22 {strides = array<i32>} : memref<65536xf32, #tpu.memory_space<vmem>>, vector<16xf32>,
      %mul3A_2537 = arith.constant 256 : i32
      %mul3A_2538 = arith.muli %scan3A_2465, %mul3A_2537 : i32
      %add3A_2539 = arith.constant 192 : i32
      %add3A_2540 = arith.addi %mul3A_2538, %add3A_2539 : i32
      %swap3A_2541 = arith.index_cast %add3A_2540 : i32 to index
      %swap3A_2542 = tpu.vector_load %arg5[%swap3A_2541] {strides = array<i32>} : memref<65536xf32, #tpu.memory_space<vmem>>, vector<16xf32>,
      tpu.vector_store %arg5[%swap3A_2541], %broadcast_in_dim3A_22 {strides = array<i32>} : memref<65536xf32, #tpu.memory_space<vmem>>, vector<16xf32>,
      %mul3A_2543 = arith.constant 256 : i32
      %mul3A_2544 = arith.muli %scan3A_2465, %mul3A_2543 : i32
      %add3A_2545 = arith.constant 208 : i32
      %add3A_2546 = arith.addi %mul3A_2544, %add3A_2545 : i32
      %swap3A_2547 = arith.index_cast %add3A_2546 : i32 to index
      %swap3A_2548 = tpu.vector_load %arg5[%swap3A_2547] {strides = array<i32>} : memref<65536xf32, #tpu.memory_space<vmem>>, vector<16xf32>,
      tpu.vector_store %arg5[%swap3A_2547], %broadcast_in_dim3A_22 {strides = array<i32>} : memref<65536xf32, #tpu.memory_space<vmem>>, vector<16xf32>,
      %mul3A_2549 = arith.constant 256 : i32
      %mul3A_2550 = arith.muli %scan3A_2465, %mul3A_2549 : i32
      %add3A_2551 = arith.constant 224 : i32
      %add3A_2552 = arith.addi %mul3A_2550, %add3A_2551 : i32
      %swap3A_2553 = arith.index_cast %add3A_2552 : i32 to index
      %swap3A_2554 = tpu.vector_load %arg5[%swap3A_2553] {strides = array<i32>} : memref<65536xf32, #tpu.memory_space<vmem>>, vector<16xf32>,
      tpu.vector_store %arg5[%swap3A_2553], %broadcast_in_dim3A_22 {strides = array<i32>} : memref<65536xf32, #tpu.memory_space<vmem>>, vector<16xf32>,
      %mul3A_2555 = arith.constant 256 : i32
      %mul3A_2556 = arith.muli %scan3A_2465, %mul3A_2555 : i32
      %add3A_2557 = arith.constant 240 : i32
      %add3A_2558 = arith.addi %mul3A_2556, %add3A_2557 : i32
      %swap3A_2559 = arith.index_cast %add3A_2558 : i32 to index
      %swap3A_2560 = tpu.vector_load %arg5[%swap3A_2559] {strides = array<i32>} : memref<65536xf32, #tpu.memory_space<vmem>>, vector<16xf32>,
      tpu.vector_store %arg5[%swap3A_2559], %broadcast_in_dim3A_22 {strides = array<i32>} : memref<65536xf32, #tpu.memory_space<vmem>>, vector<16xf32>,
    }
    %scan3A_27 = arith.constant 256 : i32
    %iota3A = tpu.iota {dimensions = array<i32: 0>} : vector<16xi32>
    %mul3A_28 = arith.constant 4096 : i32
    %mul3A_29 = vector.broadcast %mul3A_28 : i32 to vector<16xi32>
    %mul3A_30 = arith.muli %iota3A, %mul3A_29 : vector<16xi32>
    %get3A_31 = arith.constant 0 : i32
    %get3A_32 = arith.index_cast %get3A_31 : i32 to index
    %get3A_33 = arith.constant 0 : index
    %get3A_34 = tpu.vector_load %arg4[%get3A_32, %get3A_33] {strides = array<i32>} : memref<132x16xf32, #tpu.memory_space<vmem>>, vector<16xf32>,
    %get3A_35 = arith.constant 64 : i32
    %get3A_36 = arith.index_cast %get3A_35 : i32 to index
    %get3A_37 = arith.constant 0 : index
    %get3A_38 = tpu.vector_load %arg4[%get3A_36, %get3A_37] {strides = array<i32>} : memref<132x16xf32, #tpu.memory_space<vmem>>, vector<16xf32>,
    %mul3A_39 = arith.mulf %get3A_34, %get3A_5 : vector<16xf32>
    %mul3A_40 = arith.mulf %select_n3A, %get3A_38 : vector<16xf32>
    %mul3A_41 = arith.mulf %mul3A_40, %get3A_9 : vector<16xf32>
    %add3A_42 = arith.addf %mul3A_39, %mul3A_41 : vector<16xf32>
    %mul3A_43 = arith.constant 64 : i32
    %mul3A_44 = vector.broadcast %mul3A_43 : i32 to vector<16xi32>
    %mul3A_45 = arith.muli %convert_element_type3A, %mul3A_44 : vector<16xi32>
    %add3A_46 = arith.addi %mul3A_30, %mul3A_45 : vector<16xi32>
    %add3A_47 = arith.constant 0 : i32
    %add3A_48 = vector.broadcast %add3A_47 : i32 to vector<16xi32>
    %add3A_49 = arith.addi %add3A_46, %add3A_48 : vector<16xi32>
    tpu.vector_store_idx %arg5[%add3A_49], %add3A_42 : memref<65536xf32, #tpu.memory_space<vmem>>[vector<16xi32>], vector<16xf32>,
    %get3A_50 = arith.constant 1 : i32
    %get3A_51 = arith.index_cast %get3A_50 : i32 to index
    %get3A_52 = arith.constant 0 : index
    %get3A_53 = tpu.vector_load %arg4[%get3A_51, %get3A_52] {strides = array<i32>} : memref<132x16xf32, #tpu.memory_space<vmem>>, vector<16xf32>,
    %get3A_54 = arith.constant 65 : i32
    %get3A_55 = arith.index_cast %get3A_54 : i32 to index
    %get3A_56 = arith.constant 0 : index
    %get3A_57 = tpu.vector_load %arg4[%get3A_55, %get3A_56] {strides = array<i32>} : memref<132x16xf32, #tpu.memory_space<vmem>>, vector<16xf32>,
    %mul3A_58 = arith.mulf %get3A_53, %get3A_5 : vector<16xf32>
    %mul3A_59 = arith.mulf %select_n3A, %get3A_57 : vector<16xf32>
    %mul3A_60 = arith.mulf %mul3A_59, %get3A_9 : vector<16xf32>
    %add3A_61 = arith.addf %mul3A_58, %mul3A_60 : vector<16xf32>
    %mul3A_62 = arith.constant 64 : i32
    %mul3A_63 = vector.broadcast %mul3A_62 : i32 to vector<16xi32>
    %mul3A_64 = arith.muli %convert_element_type3A, %mul3A_63 : vector<16xi32>
    %add3A_65 = arith.addi %mul3A_30, %mul3A_64 : vector<16xi32>
    %add3A_66 = arith.constant 1 : i32
    %add3A_67 = vector.broadcast %add3A_66 : i32 to vector<16xi32>
    %add3A_68 = arith.addi %add3A_65, %add3A_67 : vector<16xi32>
    tpu.vector_store_idx %arg5[%add3A_68], %add3A_61 : memref<65536xf32, #tpu.memory_space<vmem>>[vector<16xi32>], vector<16xf32>,
    %get3A_69 = arith.constant 2 : i32
    %get3A_70 = arith.index_cast %get3A_69 : i32 to index
    %get3A_71 = arith.constant 0 : index
    %get3A_72 = tpu.vector_load %arg4[%get3A_70, %get3A_71] {strides = array<i32>} : memref<132x16xf32, #tpu.memory_space<vmem>>, vector<16xf32>,
    %get3A_73 = arith.constant 66 : i32
    %get3A_74 = arith.index_cast %get3A_73 : i32 to index
    %get3A_75 = arith.constant 0 : index
    %get3A_76 = tpu.vector_load %arg4[%get3A_74, %get3A_75] {strides = array<i32>} : memref<132x16xf32, #tpu.memory_space<vmem>>, vector<16xf32>,
    %mul3A_77 = arith.mulf %get3A_72, %get3A_5 : vector<16xf32>
    %mul3A_78 = arith.mulf %select_n3A, %get3A_76 : vector<16xf32>
    %mul3A_79 = arith.mulf %mul3A_78, %get3A_9 : vector<16xf32>
    %add3A_80 = arith.addf %mul3A_77, %mul3A_79 : vector<16xf32>
    %mul3A_81 = arith.constant 64 : i32
    %mul3A_82 = vector.broadcast %mul3A_81 : i32 to vector<16xi32>
    %mul3A_83 = arith.muli %convert_element_type3A, %mul3A_82 : vector<16xi32>
    %add3A_84 = arith.addi %mul3A_30, %mul3A_83 : vector<16xi32>
    %add3A_85 = arith.constant 2 : i32
    %add3A_86 = vector.broadcast %add3A_85 : i32 to vector<16xi32>
    %add3A_87 = arith.addi %add3A_84, %add3A_86 : vector<16xi32>
    tpu.vector_store_idx %arg5[%add3A_87], %add3A_80 : memref<65536xf32, #tpu.memory_space<vmem>>[vector<16xi32>], vector<16xf32>,
    %get3A_88 = arith.constant 3 : i32
    %get3A_89 = arith.index_cast %get3A_88 : i32 to index
    %get3A_90 = arith.constant 0 : index
    %get3A_91 = tpu.vector_load %arg4[%get3A_89, %get3A_90] {strides = array<i32>} : memref<132x16xf32, #tpu.memory_space<vmem>>, vector<16xf32>,
    %get3A_92 = arith.constant 67 : i32
    %get3A_93 = arith.index_cast %get3A_92 : i32 to index
    %get3A_94 = arith.constant 0 : index
    %get3A_95 = tpu.vector_load %arg4[%get3A_93, %get3A_94] {strides = array<i32>} : memref<132x16xf32, #tpu.memory_space<vmem>>, vector<16xf32>,
    %mul3A_96 = arith.mulf %get3A_91, %get3A_5 : vector<16xf32>
    %mul3A_97 = arith.mulf %select_n3A, %get3A_95 : vector<16xf32>
    %mul3A_98 = arith.mulf %mul3A_97, %get3A_9 : vector<16xf32>
    %add3A_99 = arith.addf %mul3A_96, %mul3A_98 : vector<16xf32>
    %mul3A_100 = arith.constant 64 : i32
    %mul3A_101 = vector.broadcast %mul3A_100 : i32 to vector<16xi32>
    %mul3A_102 = arith.muli %convert_element_type3A, %mul3A_101 : vector<16xi32>
    %add3A_103 = arith.addi %mul3A_30, %mul3A_102 : vector<16xi32>
    %add3A_104 = arith.constant 3 : i32
    %add3A_105 = vector.broadcast %add3A_104 : i32 to vector<16xi32>
    %add3A_106 = arith.addi %add3A_103, %add3A_105 : vector<16xi32>
    tpu.vector_store_idx %arg5[%add3A_106], %add3A_99 : memref<65536xf32, #tpu.memory_space<vmem>>[vector<16xi32>], vector<16xf32>,
    %get3A_107 = arith.constant 4 : i32
    %get3A_108 = arith.index_cast %get3A_107 : i32 to index
    %get3A_109 = arith.constant 0 : index
    %get3A_110 = tpu.vector_load %arg4[%get3A_108, %get3A_109] {strides = array<i32>} : memref<132x16xf32, #tpu.memory_space<vmem>>, vector<16xf32>,
    %get3A_111 = arith.constant 68 : i32
    %get3A_112 = arith.index_cast %get3A_111 : i32 to index
    %get3A_113 = arith.constant 0 : index
    %get3A_114 = tpu.vector_load %arg4[%get3A_112, %get3A_113] {strides = array<i32>} : memref<132x16xf32, #tpu.memory_space<vmem>>, vector<16xf32>,
    %mul3A_115 = arith.mulf %get3A_110, %get3A_5 : vector<16xf32>
    %mul3A_116 = arith.mulf %select_n3A, %get3A_114 : vector<16xf32>
    %mul3A_117 = arith.mulf %mul3A_116, %get3A_9 : vector<16xf32>
    %add3A_118 = arith.addf %mul3A_115, %mul3A_117 : vector<16xf32>
    %mul3A_119 = arith.constant 64 : i32
    %mul3A_120 = vector.broadcast %mul3A_119 : i32 to vector<16xi32>
    %mul3A_121 = arith.muli %convert_element_type3A, %mul3A_120 : vector<16xi32>
    %add3A_122 = arith.addi %mul3A_30, %mul3A_121 : vector<16xi32>
    %add3A_123 = arith.constant 4 : i32
    %add3A_124 = vector.broadcast %add3A_123 : i32 to vector<16xi32>
    %add3A_125 = arith.addi %add3A_122, %add3A_124 : vector<16xi32>
    tpu.vector_store_idx %arg5[%add3A_125], %add3A_118 : memref<65536xf32, #tpu.memory_space<vmem>>[vector<16xi32>], vector<16xf32>,
    %get3A_126 = arith.constant 5 : i32
    %get3A_127 = arith.index_cast %get3A_126 : i32 to index
    %get3A_128 = arith.constant 0 : index
    %get3A_129 = tpu.vector_load %arg4[%get3A_127, %get3A_128] {strides = array<i32>} : memref<132x16xf32, #tpu.memory_space<vmem>>, vector<16xf32>,
    %get3A_130 = arith.constant 69 : i32
    %get3A_131 = arith.index_cast %get3A_130 : i32 to index
    %get3A_132 = arith.constant 0 : index
    %get3A_133 = tpu.vector_load %arg4[%get3A_131, %get3A_132] {strides = array<i32>} : memref<132x16xf32, #tpu.memory_space<vmem>>, vector<16xf32>,
    %mul3A_134 = arith.mulf %get3A_129, %get3A_5 : vector<16xf32>
    %mul3A_135 = arith.mulf %select_n3A, %get3A_133 : vector<16xf32>
    %mul3A_136 = arith.mulf %mul3A_135, %get3A_9 : vector<16xf32>
    %add3A_137 = arith.addf %mul3A_134, %mul3A_136 : vector<16xf32>
    %mul3A_138 = arith.constant 64 : i32
    %mul3A_139 = vector.broadcast %mul3A_138 : i32 to vector<16xi32>
    %mul3A_140 = arith.muli %convert_element_type3A, %mul3A_139 : vector<16xi32>
    %add3A_141 = arith.addi %mul3A_30, %mul3A_140 : vector<16xi32>
    %add3A_142 = arith.constant 5 : i32
    %add3A_143 = vector.broadcast %add3A_142 : i32 to vector<16xi32>
    %add3A_144 = arith.addi %add3A_141, %add3A_143 : vector<16xi32>
    tpu.vector_store_idx %arg5[%add3A_144], %add3A_137 : memref<65536xf32, #tpu.memory_space<vmem>>[vector<16xi32>], vector<16xf32>,
    %get3A_145 = arith.constant 6 : i32
    %get3A_146 = arith.index_cast %get3A_145 : i32 to index
    %get3A_147 = arith.constant 0 : index
    %get3A_148 = tpu.vector_load %arg4[%get3A_146, %get3A_147] {strides = array<i32>} : memref<132x16xf32, #tpu.memory_space<vmem>>, vector<16xf32>,
    %get3A_149 = arith.constant 70 : i32
    %get3A_150 = arith.index_cast %get3A_149 : i32 to index
    %get3A_151 = arith.constant 0 : index
    %get3A_152 = tpu.vector_load %arg4[%get3A_150, %get3A_151] {strides = array<i32>} : memref<132x16xf32, #tpu.memory_space<vmem>>, vector<16xf32>,
    %mul3A_153 = arith.mulf %get3A_148, %get3A_5 : vector<16xf32>
    %mul3A_154 = arith.mulf %select_n3A, %get3A_152 : vector<16xf32>
    %mul3A_155 = arith.mulf %mul3A_154, %get3A_9 : vector<16xf32>
    %add3A_156 = arith.addf %mul3A_153, %mul3A_155 : vector<16xf32>
    %mul3A_157 = arith.constant 64 : i32
    %mul3A_158 = vector.broadcast %mul3A_157 : i32 to vector<16xi32>
    %mul3A_159 = arith.muli %convert_element_type3A, %mul3A_158 : vector<16xi32>
    %add3A_160 = arith.addi %mul3A_30, %mul3A_159 : vector<16xi32>
    %add3A_161 = arith.constant 6 : i32
    %add3A_162 = vector.broadcast %add3A_161 : i32 to vector<16xi32>
    %add3A_163 = arith.addi %add3A_160, %add3A_162 : vector<16xi32>
    tpu.vector_store_idx %arg5[%add3A_163], %add3A_156 : memref<65536xf32, #tpu.memory_space<vmem>>[vector<16xi32>], vector<16xf32>,
    %get3A_164 = arith.constant 7 : i32
    %get3A_165 = arith.index_cast %get3A_164 : i32 to index
    %get3A_166 = arith.constant 0 : index
    %get3A_167 = tpu.vector_load %arg4[%get3A_165, %get3A_166] {strides = array<i32>} : memref<132x16xf32, #tpu.memory_space<vmem>>, vector<16xf32>,
    %get3A_168 = arith.constant 71 : i32
    %get3A_169 = arith.index_cast %get3A_168 : i32 to index
    %get3A_170 = arith.constant 0 : index
    %get3A_171 = tpu.vector_load %arg4[%get3A_169, %get3A_170] {strides = array<i32>} : memref<132x16xf32, #tpu.memory_space<vmem>>, vector<16xf32>,
    %mul3A_172 = arith.mulf %get3A_167, %get3A_5 : vector<16xf32>
    %mul3A_173 = arith.mulf %select_n3A, %get3A_171 : vector<16xf32>
    %mul3A_174 = arith.mulf %mul3A_173, %get3A_9 : vector<16xf32>
    %add3A_175 = arith.addf %mul3A_172, %mul3A_174 : vector<16xf32>
    %mul3A_176 = arith.constant 64 : i32
    %mul3A_177 = vector.broadcast %mul3A_176 : i32 to vector<16xi32>
    %mul3A_178 = arith.muli %convert_element_type3A, %mul3A_177 : vector<16xi32>
    %add3A_179 = arith.addi %mul3A_30, %mul3A_178 : vector<16xi32>
    %add3A_180 = arith.constant 7 : i32
    %add3A_181 = vector.broadcast %add3A_180 : i32 to vector<16xi32>
    %add3A_182 = arith.addi %add3A_179, %add3A_181 : vector<16xi32>
    tpu.vector_store_idx %arg5[%add3A_182], %add3A_175 : memref<65536xf32, #tpu.memory_space<vmem>>[vector<16xi32>], vector<16xf32>,
    %get3A_183 = arith.constant 8 : i32
    %get3A_184 = arith.index_cast %get3A_183 : i32 to index
    %get3A_185 = arith.constant 0 : index
    %get3A_186 = tpu.vector_load %arg4[%get3A_184, %get3A_185] {strides = array<i32>} : memref<132x16xf32, #tpu.memory_space<vmem>>, vector<16xf32>,
    %get3A_187 = arith.constant 72 : i32
    %get3A_188 = arith.index_cast %get3A_187 : i32 to index
    %get3A_189 = arith.constant 0 : index
    %get3A_190 = tpu.vector_load %arg4[%get3A_188, %get3A_189] {strides = array<i32>} : memref<132x16xf32, #tpu.memory_space<vmem>>, vector<16xf32>,
    %mul3A_191 = arith.mulf %get3A_186, %get3A_5 : vector<16xf32>
    %mul3A_192 = arith.mulf %select_n3A, %get3A_190 : vector<16xf32>
    %mul3A_193 = arith.mulf %mul3A_192, %get3A_9 : vector<16xf32>
    %add3A_194 = arith.addf %mul3A_191, %mul3A_193 : vector<16xf32>
    %mul3A_195 = arith.constant 64 : i32
    %mul3A_196 = vector.broadcast %mul3A_195 : i32 to vector<16xi32>
    %mul3A_197 = arith.muli %convert_element_type3A, %mul3A_196 : vector<16xi32>
    %add3A_198 = arith.addi %mul3A_30, %mul3A_197 : vector<16xi32>
    %add3A_199 = arith.constant 8 : i32
    %add3A_200 = vector.broadcast %add3A_199 : i32 to vector<16xi32>
    %add3A_201 = arith.addi %add3A_198, %add3A_200 : vector<16xi32>
    tpu.vector_store_idx %arg5[%add3A_201], %add3A_194 : memref<65536xf32, #tpu.memory_space<vmem>>[vector<16xi32>], vector<16xf32>,
    %get3A_202 = arith.constant 9 : i32
    %get3A_203 = arith.index_cast %get3A_202 : i32 to index
    %get3A_204 = arith.constant 0 : index
    %get3A_205 = tpu.vector_load %arg4[%get3A_203, %get3A_204] {strides = array<i32>} : memref<132x16xf32, #tpu.memory_space<vmem>>, vector<16xf32>,
    %get3A_206 = arith.constant 73 : i32
    %get3A_207 = arith.index_cast %get3A_206 : i32 to index
    %get3A_208 = arith.constant 0 : index
    %get3A_209 = tpu.vector_load %arg4[%get3A_207, %get3A_208] {strides = array<i32>} : memref<132x16xf32, #tpu.memory_space<vmem>>, vector<16xf32>,
    %mul3A_210 = arith.mulf %get3A_205, %get3A_5 : vector<16xf32>
    %mul3A_211 = arith.mulf %select_n3A, %get3A_209 : vector<16xf32>
    %mul3A_212 = arith.mulf %mul3A_211, %get3A_9 : vector<16xf32>
    %add3A_213 = arith.addf %mul3A_210, %mul3A_212 : vector<16xf32>
    %mul3A_214 = arith.constant 64 : i32
    %mul3A_215 = vector.broadcast %mul3A_214 : i32 to vector<16xi32>
    %mul3A_216 = arith.muli %convert_element_type3A, %mul3A_215 : vector<16xi32>
    %add3A_217 = arith.addi %mul3A_30, %mul3A_216 : vector<16xi32>
    %add3A_218 = arith.constant 9 : i32
    %add3A_219 = vector.broadcast %add3A_218 : i32 to vector<16xi32>
    %add3A_220 = arith.addi %add3A_217, %add3A_219 : vector<16xi32>
    tpu.vector_store_idx %arg5[%add3A_220], %add3A_213 : memref<65536xf32, #tpu.memory_space<vmem>>[vector<16xi32>], vector<16xf32>,
    %get3A_221 = arith.constant 10 : i32
    %get3A_222 = arith.index_cast %get3A_221 : i32 to index
    %get3A_223 = arith.constant 0 : index
    %get3A_224 = tpu.vector_load %arg4[%get3A_222, %get3A_223] {strides = array<i32>} : memref<132x16xf32, #tpu.memory_space<vmem>>, vector<16xf32>,
    %get3A_225 = arith.constant 74 : i32
    %get3A_226 = arith.index_cast %get3A_225 : i32 to index
    %get3A_227 = arith.constant 0 : index
    %get3A_228 = tpu.vector_load %arg4[%get3A_226, %get3A_227] {strides = array<i32>} : memref<132x16xf32, #tpu.memory_space<vmem>>, vector<16xf32>,
    %mul3A_229 = arith.mulf %get3A_224, %get3A_5 : vector<16xf32>
    %mul3A_230 = arith.mulf %select_n3A, %get3A_228 : vector<16xf32>
    %mul3A_231 = arith.mulf %mul3A_230, %get3A_9 : vector<16xf32>
    %add3A_232 = arith.addf %mul3A_229, %mul3A_231 : vector<16xf32>
    %mul3A_233 = arith.constant 64 : i32
    %mul3A_234 = vector.broadcast %mul3A_233 : i32 to vector<16xi32>
    %mul3A_235 = arith.muli %convert_element_type3A, %mul3A_234 : vector<16xi32>
    %add3A_236 = arith.addi %mul3A_30, %mul3A_235 : vector<16xi32>
    %add3A_237 = arith.constant 10 : i32
    %add3A_238 = vector.broadcast %add3A_237 : i32 to vector<16xi32>
    %add3A_239 = arith.addi %add3A_236, %add3A_238 : vector<16xi32>
    tpu.vector_store_idx %arg5[%add3A_239], %add3A_232 : memref<65536xf32, #tpu.memory_space<vmem>>[vector<16xi32>], vector<16xf32>,
    %get3A_240 = arith.constant 11 : i32
    %get3A_241 = arith.index_cast %get3A_240 : i32 to index
    %get3A_242 = arith.constant 0 : index
    %get3A_243 = tpu.vector_load %arg4[%get3A_241, %get3A_242] {strides = array<i32>} : memref<132x16xf32, #tpu.memory_space<vmem>>, vector<16xf32>,
    %get3A_244 = arith.constant 75 : i32
    %get3A_245 = arith.index_cast %get3A_244 : i32 to index
    %get3A_246 = arith.constant 0 : index
    %get3A_247 = tpu.vector_load %arg4[%get3A_245, %get3A_246] {strides = array<i32>} : memref<132x16xf32, #tpu.memory_space<vmem>>, vector<16xf32>,
    %mul3A_248 = arith.mulf %get3A_243, %get3A_5 : vector<16xf32>
    %mul3A_249 = arith.mulf %select_n3A, %get3A_247 : vector<16xf32>
    %mul3A_250 = arith.mulf %mul3A_249, %get3A_9 : vector<16xf32>
    %add3A_251 = arith.addf %mul3A_248, %mul3A_250 : vector<16xf32>
    %mul3A_252 = arith.constant 64 : i32
    %mul3A_253 = vector.broadcast %mul3A_252 : i32 to vector<16xi32>
    %mul3A_254 = arith.muli %convert_element_type3A, %mul3A_253 : vector<16xi32>
    %add3A_255 = arith.addi %mul3A_30, %mul3A_254 : vector<16xi32>
    %add3A_256 = arith.constant 11 : i32
    %add3A_257 = vector.broadcast %add3A_256 : i32 to vector<16xi32>
    %add3A_258 = arith.addi %add3A_255, %add3A_257 : vector<16xi32>
    tpu.vector_store_idx %arg5[%add3A_258], %add3A_251 : memref<65536xf32, #tpu.memory_space<vmem>>[vector<16xi32>], vector<16xf32>,
    %get3A_259 = arith.constant 12 : i32
    %get3A_260 = arith.index_cast %get3A_259 : i32 to index
    %get3A_261 = arith.constant 0 : index
    %get3A_262 = tpu.vector_load %arg4[%get3A_260, %get3A_261] {strides = array<i32>} : memref<132x16xf32, #tpu.memory_space<vmem>>, vector<16xf32>,
    %get3A_263 = arith.constant 76 : i32
    %get3A_264 = arith.index_cast %get3A_263 : i32 to index
    %get3A_265 = arith.constant 0 : index
    %get3A_266 = tpu.vector_load %arg4[%get3A_264, %get3A_265] {strides = array<i32>} : memref<132x16xf32, #tpu.memory_space<vmem>>, vector<16xf32>,
    %mul3A_267 = arith.mulf %get3A_262, %get3A_5 : vector<16xf32>
    %mul3A_268 = arith.mulf %select_n3A, %get3A_266 : vector<16xf32>
    %mul3A_269 = arith.mulf %mul3A_268, %get3A_9 : vector<16xf32>
    %add3A_270 = arith.addf %mul3A_267, %mul3A_269 : vector<16xf32>
    %mul3A_271 = arith.constant 64 : i32
    %mul3A_272 = vector.broadcast %mul3A_271 : i32 to vector<16xi32>
    %mul3A_273 = arith.muli %convert_element_type3A, %mul3A_272 : vector<16xi32>
    %add3A_274 = arith.addi %mul3A_30, %mul3A_273 : vector<16xi32>
    %add3A_275 = arith.constant 12 : i32
    %add3A_276 = vector.broadcast %add3A_275 : i32 to vector<16xi32>
    %add3A_277 = arith.addi %add3A_274, %add3A_276 : vector<16xi32>
    tpu.vector_store_idx %arg5[%add3A_277], %add3A_270 : memref<65536xf32, #tpu.memory_space<vmem>>[vector<16xi32>], vector<16xf32>,
    %get3A_278 = arith.constant 13 : i32
    %get3A_279 = arith.index_cast %get3A_278 : i32 to index
    %get3A_280 = arith.constant 0 : index
    %get3A_281 = tpu.vector_load %arg4[%get3A_279, %get3A_280] {strides = array<i32>} : memref<132x16xf32, #tpu.memory_space<vmem>>, vector<16xf32>,
    %get3A_282 = arith.constant 77 : i32
    %get3A_283 = arith.index_cast %get3A_282 : i32 to index
    %get3A_284 = arith.constant 0 : index
    %get3A_285 = tpu.vector_load %arg4[%get3A_283, %get3A_284] {strides = array<i32>} : memref<132x16xf32, #tpu.memory_space<vmem>>, vector<16xf32>,
    %mul3A_286 = arith.mulf %get3A_281, %get3A_5 : vector<16xf32>
    %mul3A_287 = arith.mulf %select_n3A, %get3A_285 : vector<16xf32>
    %mul3A_288 = arith.mulf %mul3A_287, %get3A_9 : vector<16xf32>
    %add3A_289 = arith.addf %mul3A_286, %mul3A_288 : vector<16xf32>
    %mul3A_290 = arith.constant 64 : i32
    %mul3A_291 = vector.broadcast %mul3A_290 : i32 to vector<16xi32>
    %mul3A_292 = arith.muli %convert_element_type3A, %mul3A_291 : vector<16xi32>
    %add3A_293 = arith.addi %mul3A_30, %mul3A_292 : vector<16xi32>
    %add3A_294 = arith.constant 13 : i32
    %add3A_295 = vector.broadcast %add3A_294 : i32 to vector<16xi32>
    %add3A_296 = arith.addi %add3A_293, %add3A_295 : vector<16xi32>
    tpu.vector_store_idx %arg5[%add3A_296], %add3A_289 : memref<65536xf32, #tpu.memory_space<vmem>>[vector<16xi32>], vector<16xf32>,
    %get3A_297 = arith.constant 14 : i32
    %get3A_298 = arith.index_cast %get3A_297 : i32 to index
    %get3A_299 = arith.constant 0 : index
    %get3A_300 = tpu.vector_load %arg4[%get3A_298, %get3A_299] {strides = array<i32>} : memref<132x16xf32, #tpu.memory_space<vmem>>, vector<16xf32>,
    %get3A_301 = arith.constant 78 : i32
    %get3A_302 = arith.index_cast %get3A_301 : i32 to index
    %get3A_303 = arith.constant 0 : index
    %get3A_304 = tpu.vector_load %arg4[%get3A_302, %get3A_303] {strides = array<i32>} : memref<132x16xf32, #tpu.memory_space<vmem>>, vector<16xf32>,
    %mul3A_305 = arith.mulf %get3A_300, %get3A_5 : vector<16xf32>
    %mul3A_306 = arith.mulf %select_n3A, %get3A_304 : vector<16xf32>
    %mul3A_307 = arith.mulf %mul3A_306, %get3A_9 : vector<16xf32>
    %add3A_308 = arith.addf %mul3A_305, %mul3A_307 : vector<16xf32>
    %mul3A_309 = arith.constant 64 : i32
    %mul3A_310 = vector.broadcast %mul3A_309 : i32 to vector<16xi32>
    %mul3A_311 = arith.muli %convert_element_type3A, %mul3A_310 : vector<16xi32>
    %add3A_312 = arith.addi %mul3A_30, %mul3A_311 : vector<16xi32>
    %add3A_313 = arith.constant 14 : i32
    %add3A_314 = vector.broadcast %add3A_313 : i32 to vector<16xi32>
    %add3A_315 = arith.addi %add3A_312, %add3A_314 : vector<16xi32>
    tpu.vector_store_idx %arg5[%add3A_315], %add3A_308 : memref<65536xf32, #tpu.memory_space<vmem>>[vector<16xi32>], vector<16xf32>,
    %get3A_316 = arith.constant 15 : i32
    %get3A_317 = arith.index_cast %get3A_316 : i32 to index
    %get3A_318 = arith.constant 0 : index
    %get3A_319 = tpu.vector_load %arg4[%get3A_317, %get3A_318] {strides = array<i32>} : memref<132x16xf32, #tpu.memory_space<vmem>>, vector<16xf32>,
    %get3A_320 = arith.constant 79 : i32
    %get3A_321 = arith.index_cast %get3A_320 : i32 to index
    %get3A_322 = arith.constant 0 : index
    %get3A_323 = tpu.vector_load %arg4[%get3A_321, %get3A_322] {strides = array<i32>} : memref<132x16xf32, #tpu.memory_space<vmem>>, vector<16xf32>,
    %mul3A_324 = arith.mulf %get3A_319, %get3A_5 : vector<16xf32>
    %mul3A_325 = arith.mulf %select_n3A, %get3A_323 : vector<16xf32>
    %mul3A_326 = arith.mulf %mul3A_325, %get3A_9 : vector<16xf32>
    %add3A_327 = arith.addf %mul3A_324, %mul3A_326 : vector<16xf32>
    %mul3A_328 = arith.constant 64 : i32
    %mul3A_329 = vector.broadcast %mul3A_328 : i32 to vector<16xi32>
    %mul3A_330 = arith.muli %convert_element_type3A, %mul3A_329 : vector<16xi32>
    %add3A_331 = arith.addi %mul3A_30, %mul3A_330 : vector<16xi32>
    %add3A_332 = arith.constant 15 : i32
    %add3A_333 = vector.broadcast %add3A_332 : i32 to vector<16xi32>
    %add3A_334 = arith.addi %add3A_331, %add3A_333 : vector<16xi32>
    tpu.vector_store_idx %arg5[%add3A_334], %add3A_327 : memref<65536xf32, #tpu.memory_space<vmem>>[vector<16xi32>], vector<16xf32>,
    %get3A_335 = arith.constant 16 : i32
    %get3A_336 = arith.index_cast %get3A_335 : i32 to index
    %get3A_337 = arith.constant 0 : index
    %get3A_338 = tpu.vector_load %arg4[%get3A_336, %get3A_337] {strides = array<i32>} : memref<132x16xf32, #tpu.memory_space<vmem>>, vector<16xf32>,
    %get3A_339 = arith.constant 80 : i32
    %get3A_340 = arith.index_cast %get3A_339 : i32 to index
    %get3A_341 = arith.constant 0 : index
    %get3A_342 = tpu.vector_load %arg4[%get3A_340, %get3A_341] {strides = array<i32>} : memref<132x16xf32, #tpu.memory_space<vmem>>, vector<16xf32>,
    %mul3A_343 = arith.mulf %get3A_338, %get3A_5 : vector<16xf32>
    %mul3A_344 = arith.mulf %select_n3A, %get3A_342 : vector<16xf32>
    %mul3A_345 = arith.mulf %mul3A_344, %get3A_9 : vector<16xf32>
    %add3A_346 = arith.addf %mul3A_343, %mul3A_345 : vector<16xf32>
    %mul3A_347 = arith.constant 64 : i32
    %mul3A_348 = vector.broadcast %mul3A_347 : i32 to vector<16xi32>
    %mul3A_349 = arith.muli %convert_element_type3A, %mul3A_348 : vector<16xi32>
    %add3A_350 = arith.addi %mul3A_30, %mul3A_349 : vector<16xi32>
    %add3A_351 = arith.constant 16 : i32
    %add3A_352 = vector.broadcast %add3A_351 : i32 to vector<16xi32>
    %add3A_353 = arith.addi %add3A_350, %add3A_352 : vector<16xi32>
    tpu.vector_store_idx %arg5[%add3A_353], %add3A_346 : memref<65536xf32, #tpu.memory_space<vmem>>[vector<16xi32>], vector<16xf32>,
    %get3A_354 = arith.constant 17 : i32
    %get3A_355 = arith.index_cast %get3A_354 : i32 to index
    %get3A_356 = arith.constant 0 : index
    %get3A_357 = tpu.vector_load %arg4[%get3A_355, %get3A_356] {strides = array<i32>} : memref<132x16xf32, #tpu.memory_space<vmem>>, vector<16xf32>,
    %get3A_358 = arith.constant 81 : i32
    %get3A_359 = arith.index_cast %get3A_358 : i32 to index
    %get3A_360 = arith.constant 0 : index
    %get3A_361 = tpu.vector_load %arg4[%get3A_359, %get3A_360] {strides = array<i32>} : memref<132x16xf32, #tpu.memory_space<vmem>>, vector<16xf32>,
    %mul3A_362 = arith.mulf %get3A_357, %get3A_5 : vector<16xf32>
    %mul3A_363 = arith.mulf %select_n3A, %get3A_361 : vector<16xf32>
    %mul3A_364 = arith.mulf %mul3A_363, %get3A_9 : vector<16xf32>
    %add3A_365 = arith.addf %mul3A_362, %mul3A_364 : vector<16xf32>
    %mul3A_366 = arith.constant 64 : i32
    %mul3A_367 = vector.broadcast %mul3A_366 : i32 to vector<16xi32>
    %mul3A_368 = arith.muli %convert_element_type3A, %mul3A_367 : vector<16xi32>
    %add3A_369 = arith.addi %mul3A_30, %mul3A_368 : vector<16xi32>
    %add3A_370 = arith.constant 17 : i32
    %add3A_371 = vector.broadcast %add3A_370 : i32 to vector<16xi32>
    %add3A_372 = arith.addi %add3A_369, %add3A_371 : vector<16xi32>
    tpu.vector_store_idx %arg5[%add3A_372], %add3A_365 : memref<65536xf32, #tpu.memory_space<vmem>>[vector<16xi32>], vector<16xf32>,
    %get3A_373 = arith.constant 18 : i32
    %get3A_374 = arith.index_cast %get3A_373 : i32 to index
    %get3A_375 = arith.constant 0 : index
    %get3A_376 = tpu.vector_load %arg4[%get3A_374, %get3A_375] {strides = array<i32>} : memref<132x16xf32, #tpu.memory_space<vmem>>, vector<16xf32>,
    %get3A_377 = arith.constant 82 : i32
    %get3A_378 = arith.index_cast %get3A_377 : i32 to index
    %get3A_379 = arith.constant 0 : index
    %get3A_380 = tpu.vector_load %arg4[%get3A_378, %get3A_379] {strides = array<i32>} : memref<132x16xf32, #tpu.memory_space<vmem>>, vector<16xf32>,
    %mul3A_381 = arith.mulf %get3A_376, %get3A_5 : vector<16xf32>
    %mul3A_382 = arith.mulf %select_n3A, %get3A_380 : vector<16xf32>
    %mul3A_383 = arith.mulf %mul3A_382, %get3A_9 : vector<16xf32>
    %add3A_384 = arith.addf %mul3A_381, %mul3A_383 : vector<16xf32>
    %mul3A_385 = arith.constant 64 : i32
    %mul3A_386 = vector.broadcast %mul3A_385 : i32 to vector<16xi32>
    %mul3A_387 = arith.muli %convert_element_type3A, %mul3A_386 : vector<16xi32>
    %add3A_388 = arith.addi %mul3A_30, %mul3A_387 : vector<16xi32>
    %add3A_389 = arith.constant 18 : i32
    %add3A_390 = vector.broadcast %add3A_389 : i32 to vector<16xi32>
    %add3A_391 = arith.addi %add3A_388, %add3A_390 : vector<16xi32>
    tpu.vector_store_idx %arg5[%add3A_391], %add3A_384 : memref<65536xf32, #tpu.memory_space<vmem>>[vector<16xi32>], vector<16xf32>,
    %get3A_392 = arith.constant 19 : i32
    %get3A_393 = arith.index_cast %get3A_392 : i32 to index
    %get3A_394 = arith.constant 0 : index
    %get3A_395 = tpu.vector_load %arg4[%get3A_393, %get3A_394] {strides = array<i32>} : memref<132x16xf32, #tpu.memory_space<vmem>>, vector<16xf32>,
    %get3A_396 = arith.constant 83 : i32
    %get3A_397 = arith.index_cast %get3A_396 : i32 to index
    %get3A_398 = arith.constant 0 : index
    %get3A_399 = tpu.vector_load %arg4[%get3A_397, %get3A_398] {strides = array<i32>} : memref<132x16xf32, #tpu.memory_space<vmem>>, vector<16xf32>,
    %mul3A_400 = arith.mulf %get3A_395, %get3A_5 : vector<16xf32>
    %mul3A_401 = arith.mulf %select_n3A, %get3A_399 : vector<16xf32>
    %mul3A_402 = arith.mulf %mul3A_401, %get3A_9 : vector<16xf32>
    %add3A_403 = arith.addf %mul3A_400, %mul3A_402 : vector<16xf32>
    %mul3A_404 = arith.constant 64 : i32
    %mul3A_405 = vector.broadcast %mul3A_404 : i32 to vector<16xi32>
    %mul3A_406 = arith.muli %convert_element_type3A, %mul3A_405 : vector<16xi32>
    %add3A_407 = arith.addi %mul3A_30, %mul3A_406 : vector<16xi32>
    %add3A_408 = arith.constant 19 : i32
    %add3A_409 = vector.broadcast %add3A_408 : i32 to vector<16xi32>
    %add3A_410 = arith.addi %add3A_407, %add3A_409 : vector<16xi32>
    tpu.vector_store_idx %arg5[%add3A_410], %add3A_403 : memref<65536xf32, #tpu.memory_space<vmem>>[vector<16xi32>], vector<16xf32>,
    %get3A_411 = arith.constant 20 : i32
    %get3A_412 = arith.index_cast %get3A_411 : i32 to index
    %get3A_413 = arith.constant 0 : index
    %get3A_414 = tpu.vector_load %arg4[%get3A_412, %get3A_413] {strides = array<i32>} : memref<132x16xf32, #tpu.memory_space<vmem>>, vector<16xf32>,
    %get3A_415 = arith.constant 84 : i32
    %get3A_416 = arith.index_cast %get3A_415 : i32 to index
    %get3A_417 = arith.constant 0 : index
    %get3A_418 = tpu.vector_load %arg4[%get3A_416, %get3A_417] {strides = array<i32>} : memref<132x16xf32, #tpu.memory_space<vmem>>, vector<16xf32>,
    %mul3A_419 = arith.mulf %get3A_414, %get3A_5 : vector<16xf32>
    %mul3A_420 = arith.mulf %select_n3A, %get3A_418 : vector<16xf32>
    %mul3A_421 = arith.mulf %mul3A_420, %get3A_9 : vector<16xf32>
    %add3A_422 = arith.addf %mul3A_419, %mul3A_421 : vector<16xf32>
    %mul3A_423 = arith.constant 64 : i32
    %mul3A_424 = vector.broadcast %mul3A_423 : i32 to vector<16xi32>
    %mul3A_425 = arith.muli %convert_element_type3A, %mul3A_424 : vector<16xi32>
    %add3A_426 = arith.addi %mul3A_30, %mul3A_425 : vector<16xi32>
    %add3A_427 = arith.constant 20 : i32
    %add3A_428 = vector.broadcast %add3A_427 : i32 to vector<16xi32>
    %add3A_429 = arith.addi %add3A_426, %add3A_428 : vector<16xi32>
    tpu.vector_store_idx %arg5[%add3A_429], %add3A_422 : memref<65536xf32, #tpu.memory_space<vmem>>[vector<16xi32>], vector<16xf32>,
    %get3A_430 = arith.constant 21 : i32
    %get3A_431 = arith.index_cast %get3A_430 : i32 to index
    %get3A_432 = arith.constant 0 : index
    %get3A_433 = tpu.vector_load %arg4[%get3A_431, %get3A_432] {strides = array<i32>} : memref<132x16xf32, #tpu.memory_space<vmem>>, vector<16xf32>,
    %get3A_434 = arith.constant 85 : i32
    %get3A_435 = arith.index_cast %get3A_434 : i32 to index
    %get3A_436 = arith.constant 0 : index
    %get3A_437 = tpu.vector_load %arg4[%get3A_435, %get3A_436] {strides = array<i32>} : memref<132x16xf32, #tpu.memory_space<vmem>>, vector<16xf32>,
    %mul3A_438 = arith.mulf %get3A_433, %get3A_5 : vector<16xf32>
    %mul3A_439 = arith.mulf %select_n3A, %get3A_437 : vector<16xf32>
    %mul3A_440 = arith.mulf %mul3A_439, %get3A_9 : vector<16xf32>
    %add3A_441 = arith.addf %mul3A_438, %mul3A_440 : vector<16xf32>
    %mul3A_442 = arith.constant 64 : i32
    %mul3A_443 = vector.broadcast %mul3A_442 : i32 to vector<16xi32>
    %mul3A_444 = arith.muli %convert_element_type3A, %mul3A_443 : vector<16xi32>
    %add3A_445 = arith.addi %mul3A_30, %mul3A_444 : vector<16xi32>
    %add3A_446 = arith.constant 21 : i32
    %add3A_447 = vector.broadcast %add3A_446 : i32 to vector<16xi32>
    %add3A_448 = arith.addi %add3A_445, %add3A_447 : vector<16xi32>
    tpu.vector_store_idx %arg5[%add3A_448], %add3A_441 : memref<65536xf32, #tpu.memory_space<vmem>>[vector<16xi32>], vector<16xf32>,
    %get3A_449 = arith.constant 22 : i32
    %get3A_450 = arith.index_cast %get3A_449 : i32 to index
    %get3A_451 = arith.constant 0 : index
    %get3A_452 = tpu.vector_load %arg4[%get3A_450, %get3A_451] {strides = array<i32>} : memref<132x16xf32, #tpu.memory_space<vmem>>, vector<16xf32>,
    %get3A_453 = arith.constant 86 : i32
    %get3A_454 = arith.index_cast %get3A_453 : i32 to index
    %get3A_455 = arith.constant 0 : index
    %get3A_456 = tpu.vector_load %arg4[%get3A_454, %get3A_455] {strides = array<i32>} : memref<132x16xf32, #tpu.memory_space<vmem>>, vector<16xf32>,
    %mul3A_457 = arith.mulf %get3A_452, %get3A_5 : vector<16xf32>
    %mul3A_458 = arith.mulf %select_n3A, %get3A_456 : vector<16xf32>
    %mul3A_459 = arith.mulf %mul3A_458, %get3A_9 : vector<16xf32>
    %add3A_460 = arith.addf %mul3A_457, %mul3A_459 : vector<16xf32>
    %mul3A_461 = arith.constant 64 : i32
    %mul3A_462 = vector.broadcast %mul3A_461 : i32 to vector<16xi32>
    %mul3A_463 = arith.muli %convert_element_type3A, %mul3A_462 : vector<16xi32>
    %add3A_464 = arith.addi %mul3A_30, %mul3A_463 : vector<16xi32>
    %add3A_465 = arith.constant 22 : i32
    %add3A_466 = vector.broadcast %add3A_465 : i32 to vector<16xi32>
    %add3A_467 = arith.addi %add3A_464, %add3A_466 : vector<16xi32>
    tpu.vector_store_idx %arg5[%add3A_467], %add3A_460 : memref<65536xf32, #tpu.memory_space<vmem>>[vector<16xi32>], vector<16xf32>,
    %get3A_468 = arith.constant 23 : i32
    %get3A_469 = arith.index_cast %get3A_468 : i32 to index
    %get3A_470 = arith.constant 0 : index
    %get3A_471 = tpu.vector_load %arg4[%get3A_469, %get3A_470] {strides = array<i32>} : memref<132x16xf32, #tpu.memory_space<vmem>>, vector<16xf32>,
    %get3A_472 = arith.constant 87 : i32
    %get3A_473 = arith.index_cast %get3A_472 : i32 to index
    %get3A_474 = arith.constant 0 : index
    %get3A_475 = tpu.vector_load %arg4[%get3A_473, %get3A_474] {strides = array<i32>} : memref<132x16xf32, #tpu.memory_space<vmem>>, vector<16xf32>,
    %mul3A_476 = arith.mulf %get3A_471, %get3A_5 : vector<16xf32>
    %mul3A_477 = arith.mulf %select_n3A, %get3A_475 : vector<16xf32>
    %mul3A_478 = arith.mulf %mul3A_477, %get3A_9 : vector<16xf32>
    %add3A_479 = arith.addf %mul3A_476, %mul3A_478 : vector<16xf32>
    %mul3A_480 = arith.constant 64 : i32
    %mul3A_481 = vector.broadcast %mul3A_480 : i32 to vector<16xi32>
    %mul3A_482 = arith.muli %convert_element_type3A, %mul3A_481 : vector<16xi32>
    %add3A_483 = arith.addi %mul3A_30, %mul3A_482 : vector<16xi32>
    %add3A_484 = arith.constant 23 : i32
    %add3A_485 = vector.broadcast %add3A_484 : i32 to vector<16xi32>
    %add3A_486 = arith.addi %add3A_483, %add3A_485 : vector<16xi32>
    tpu.vector_store_idx %arg5[%add3A_486], %add3A_479 : memref<65536xf32, #tpu.memory_space<vmem>>[vector<16xi32>], vector<16xf32>,
    %get3A_487 = arith.constant 24 : i32
    %get3A_488 = arith.index_cast %get3A_487 : i32 to index
    %get3A_489 = arith.constant 0 : index
    %get3A_490 = tpu.vector_load %arg4[%get3A_488, %get3A_489] {strides = array<i32>} : memref<132x16xf32, #tpu.memory_space<vmem>>, vector<16xf32>,
    %get3A_491 = arith.constant 88 : i32
    %get3A_492 = arith.index_cast %get3A_491 : i32 to index
    %get3A_493 = arith.constant 0 : index
    %get3A_494 = tpu.vector_load %arg4[%get3A_492, %get3A_493] {strides = array<i32>} : memref<132x16xf32, #tpu.memory_space<vmem>>, vector<16xf32>,
    %mul3A_495 = arith.mulf %get3A_490, %get3A_5 : vector<16xf32>
    %mul3A_496 = arith.mulf %select_n3A, %get3A_494 : vector<16xf32>
    %mul3A_497 = arith.mulf %mul3A_496, %get3A_9 : vector<16xf32>
    %add3A_498 = arith.addf %mul3A_495, %mul3A_497 : vector<16xf32>
    %mul3A_499 = arith.constant 64 : i32
    %mul3A_500 = vector.broadcast %mul3A_499 : i32 to vector<16xi32>
    %mul3A_501 = arith.muli %convert_element_type3A, %mul3A_500 : vector<16xi32>
    %add3A_502 = arith.addi %mul3A_30, %mul3A_501 : vector<16xi32>
    %add3A_503 = arith.constant 24 : i32
    %add3A_504 = vector.broadcast %add3A_503 : i32 to vector<16xi32>
    %add3A_505 = arith.addi %add3A_502, %add3A_504 : vector<16xi32>
    tpu.vector_store_idx %arg5[%add3A_505], %add3A_498 : memref<65536xf32, #tpu.memory_space<vmem>>[vector<16xi32>], vector<16xf32>,
    %get3A_506 = arith.constant 25 : i32
    %get3A_507 = arith.index_cast %get3A_506 : i32 to index
    %get3A_508 = arith.constant 0 : index
    %get3A_509 = tpu.vector_load %arg4[%get3A_507, %get3A_508] {strides = array<i32>} : memref<132x16xf32, #tpu.memory_space<vmem>>, vector<16xf32>,
    %get3A_510 = arith.constant 89 : i32
    %get3A_511 = arith.index_cast %get3A_510 : i32 to index
    %get3A_512 = arith.constant 0 : index
    %get3A_513 = tpu.vector_load %arg4[%get3A_511, %get3A_512] {strides = array<i32>} : memref<132x16xf32, #tpu.memory_space<vmem>>, vector<16xf32>,
    %mul3A_514 = arith.mulf %get3A_509, %get3A_5 : vector<16xf32>
    %mul3A_515 = arith.mulf %select_n3A, %get3A_513 : vector<16xf32>
    %mul3A_516 = arith.mulf %mul3A_515, %get3A_9 : vector<16xf32>
    %add3A_517 = arith.addf %mul3A_514, %mul3A_516 : vector<16xf32>
    %mul3A_518 = arith.constant 64 : i32
    %mul3A_519 = vector.broadcast %mul3A_518 : i32 to vector<16xi32>
    %mul3A_520 = arith.muli %convert_element_type3A, %mul3A_519 : vector<16xi32>
    %add3A_521 = arith.addi %mul3A_30, %mul3A_520 : vector<16xi32>
    %add3A_522 = arith.constant 25 : i32
    %add3A_523 = vector.broadcast %add3A_522 : i32 to vector<16xi32>
    %add3A_524 = arith.addi %add3A_521, %add3A_523 : vector<16xi32>
    tpu.vector_store_idx %arg5[%add3A_524], %add3A_517 : memref<65536xf32, #tpu.memory_space<vmem>>[vector<16xi32>], vector<16xf32>,
    %get3A_525 = arith.constant 26 : i32
    %get3A_526 = arith.index_cast %get3A_525 : i32 to index
    %get3A_527 = arith.constant 0 : index
    %get3A_528 = tpu.vector_load %arg4[%get3A_526, %get3A_527] {strides = array<i32>} : memref<132x16xf32, #tpu.memory_space<vmem>>, vector<16xf32>,
    %get3A_529 = arith.constant 90 : i32
    %get3A_530 = arith.index_cast %get3A_529 : i32 to index
    %get3A_531 = arith.constant 0 : index
    %get3A_532 = tpu.vector_load %arg4[%get3A_530, %get3A_531] {strides = array<i32>} : memref<132x16xf32, #tpu.memory_space<vmem>>, vector<16xf32>,
    %mul3A_533 = arith.mulf %get3A_528, %get3A_5 : vector<16xf32>
    %mul3A_534 = arith.mulf %select_n3A, %get3A_532 : vector<16xf32>
    %mul3A_535 = arith.mulf %mul3A_534, %get3A_9 : vector<16xf32>
    %add3A_536 = arith.addf %mul3A_533, %mul3A_535 : vector<16xf32>
    %mul3A_537 = arith.constant 64 : i32
    %mul3A_538 = vector.broadcast %mul3A_537 : i32 to vector<16xi32>
    %mul3A_539 = arith.muli %convert_element_type3A, %mul3A_538 : vector<16xi32>
    %add3A_540 = arith.addi %mul3A_30, %mul3A_539 : vector<16xi32>
    %add3A_541 = arith.constant 26 : i32
    %add3A_542 = vector.broadcast %add3A_541 : i32 to vector<16xi32>
    %add3A_543 = arith.addi %add3A_540, %add3A_542 : vector<16xi32>
    tpu.vector_store_idx %arg5[%add3A_543], %add3A_536 : memref<65536xf32, #tpu.memory_space<vmem>>[vector<16xi32>], vector<16xf32>,
    %get3A_544 = arith.constant 27 : i32
    %get3A_545 = arith.index_cast %get3A_544 : i32 to index
    %get3A_546 = arith.constant 0 : index
    %get3A_547 = tpu.vector_load %arg4[%get3A_545, %get3A_546] {strides = array<i32>} : memref<132x16xf32, #tpu.memory_space<vmem>>, vector<16xf32>,
    %get3A_548 = arith.constant 91 : i32
    %get3A_549 = arith.index_cast %get3A_548 : i32 to index
    %get3A_550 = arith.constant 0 : index
    %get3A_551 = tpu.vector_load %arg4[%get3A_549, %get3A_550] {strides = array<i32>} : memref<132x16xf32, #tpu.memory_space<vmem>>, vector<16xf32>,
    %mul3A_552 = arith.mulf %get3A_547, %get3A_5 : vector<16xf32>
    %mul3A_553 = arith.mulf %select_n3A, %get3A_551 : vector<16xf32>
    %mul3A_554 = arith.mulf %mul3A_553, %get3A_9 : vector<16xf32>
    %add3A_555 = arith.addf %mul3A_552, %mul3A_554 : vector<16xf32>
    %mul3A_556 = arith.constant 64 : i32
    %mul3A_557 = vector.broadcast %mul3A_556 : i32 to vector<16xi32>
    %mul3A_558 = arith.muli %convert_element_type3A, %mul3A_557 : vector<16xi32>
    %add3A_559 = arith.addi %mul3A_30, %mul3A_558 : vector<16xi32>
    %add3A_560 = arith.constant 27 : i32
    %add3A_561 = vector.broadcast %add3A_560 : i32 to vector<16xi32>
    %add3A_562 = arith.addi %add3A_559, %add3A_561 : vector<16xi32>
    tpu.vector_store_idx %arg5[%add3A_562], %add3A_555 : memref<65536xf32, #tpu.memory_space<vmem>>[vector<16xi32>], vector<16xf32>,
    %get3A_563 = arith.constant 28 : i32
    %get3A_564 = arith.index_cast %get3A_563 : i32 to index
    %get3A_565 = arith.constant 0 : index
    %get3A_566 = tpu.vector_load %arg4[%get3A_564, %get3A_565] {strides = array<i32>} : memref<132x16xf32, #tpu.memory_space<vmem>>, vector<16xf32>,
    %get3A_567 = arith.constant 92 : i32
    %get3A_568 = arith.index_cast %get3A_567 : i32 to index
    %get3A_569 = arith.constant 0 : index
    %get3A_570 = tpu.vector_load %arg4[%get3A_568, %get3A_569] {strides = array<i32>} : memref<132x16xf32, #tpu.memory_space<vmem>>, vector<16xf32>,
    %mul3A_571 = arith.mulf %get3A_566, %get3A_5 : vector<16xf32>
    %mul3A_572 = arith.mulf %select_n3A, %get3A_570 : vector<16xf32>
    %mul3A_573 = arith.mulf %mul3A_572, %get3A_9 : vector<16xf32>
    %add3A_574 = arith.addf %mul3A_571, %mul3A_573 : vector<16xf32>
    %mul3A_575 = arith.constant 64 : i32
    %mul3A_576 = vector.broadcast %mul3A_575 : i32 to vector<16xi32>
    %mul3A_577 = arith.muli %convert_element_type3A, %mul3A_576 : vector<16xi32>
    %add3A_578 = arith.addi %mul3A_30, %mul3A_577 : vector<16xi32>
    %add3A_579 = arith.constant 28 : i32
    %add3A_580 = vector.broadcast %add3A_579 : i32 to vector<16xi32>
    %add3A_581 = arith.addi %add3A_578, %add3A_580 : vector<16xi32>
    tpu.vector_store_idx %arg5[%add3A_581], %add3A_574 : memref<65536xf32, #tpu.memory_space<vmem>>[vector<16xi32>], vector<16xf32>,
    %get3A_582 = arith.constant 29 : i32
    %get3A_583 = arith.index_cast %get3A_582 : i32 to index
    %get3A_584 = arith.constant 0 : index
    %get3A_585 = tpu.vector_load %arg4[%get3A_583, %get3A_584] {strides = array<i32>} : memref<132x16xf32, #tpu.memory_space<vmem>>, vector<16xf32>,
    %get3A_586 = arith.constant 93 : i32
    %get3A_587 = arith.index_cast %get3A_586 : i32 to index
    %get3A_588 = arith.constant 0 : index
    %get3A_589 = tpu.vector_load %arg4[%get3A_587, %get3A_588] {strides = array<i32>} : memref<132x16xf32, #tpu.memory_space<vmem>>, vector<16xf32>,
    %mul3A_590 = arith.mulf %get3A_585, %get3A_5 : vector<16xf32>
    %mul3A_591 = arith.mulf %select_n3A, %get3A_589 : vector<16xf32>
    %mul3A_592 = arith.mulf %mul3A_591, %get3A_9 : vector<16xf32>
    %add3A_593 = arith.addf %mul3A_590, %mul3A_592 : vector<16xf32>
    %mul3A_594 = arith.constant 64 : i32
    %mul3A_595 = vector.broadcast %mul3A_594 : i32 to vector<16xi32>
    %mul3A_596 = arith.muli %convert_element_type3A, %mul3A_595 : vector<16xi32>
    %add3A_597 = arith.addi %mul3A_30, %mul3A_596 : vector<16xi32>
    %add3A_598 = arith.constant 29 : i32
    %add3A_599 = vector.broadcast %add3A_598 : i32 to vector<16xi32>
    %add3A_600 = arith.addi %add3A_597, %add3A_599 : vector<16xi32>
    tpu.vector_store_idx %arg5[%add3A_600], %add3A_593 : memref<65536xf32, #tpu.memory_space<vmem>>[vector<16xi32>], vector<16xf32>,
    %get3A_601 = arith.constant 30 : i32
    %get3A_602 = arith.index_cast %get3A_601 : i32 to index
    %get3A_603 = arith.constant 0 : index
    %get3A_604 = tpu.vector_load %arg4[%get3A_602, %get3A_603] {strides = array<i32>} : memref<132x16xf32, #tpu.memory_space<vmem>>, vector<16xf32>,
    %get3A_605 = arith.constant 94 : i32
    %get3A_606 = arith.index_cast %get3A_605 : i32 to index
    %get3A_607 = arith.constant 0 : index
    %get3A_608 = tpu.vector_load %arg4[%get3A_606, %get3A_607] {strides = array<i32>} : memref<132x16xf32, #tpu.memory_space<vmem>>, vector<16xf32>,
    %mul3A_609 = arith.mulf %get3A_604, %get3A_5 : vector<16xf32>
    %mul3A_610 = arith.mulf %select_n3A, %get3A_608 : vector<16xf32>
    %mul3A_611 = arith.mulf %mul3A_610, %get3A_9 : vector<16xf32>
    %add3A_612 = arith.addf %mul3A_609, %mul3A_611 : vector<16xf32>
    %mul3A_613 = arith.constant 64 : i32
    %mul3A_614 = vector.broadcast %mul3A_613 : i32 to vector<16xi32>
    %mul3A_615 = arith.muli %convert_element_type3A, %mul3A_614 : vector<16xi32>
    %add3A_616 = arith.addi %mul3A_30, %mul3A_615 : vector<16xi32>
    %add3A_617 = arith.constant 30 : i32
    %add3A_618 = vector.broadcast %add3A_617 : i32 to vector<16xi32>
    %add3A_619 = arith.addi %add3A_616, %add3A_618 : vector<16xi32>
    tpu.vector_store_idx %arg5[%add3A_619], %add3A_612 : memref<65536xf32, #tpu.memory_space<vmem>>[vector<16xi32>], vector<16xf32>,
    %get3A_620 = arith.constant 31 : i32
    %get3A_621 = arith.index_cast %get3A_620 : i32 to index
    %get3A_622 = arith.constant 0 : index
    %get3A_623 = tpu.vector_load %arg4[%get3A_621, %get3A_622] {strides = array<i32>} : memref<132x16xf32, #tpu.memory_space<vmem>>, vector<16xf32>,
    %get3A_624 = arith.constant 95 : i32
    %get3A_625 = arith.index_cast %get3A_624 : i32 to index
    %get3A_626 = arith.constant 0 : index
    %get3A_627 = tpu.vector_load %arg4[%get3A_625, %get3A_626] {strides = array<i32>} : memref<132x16xf32, #tpu.memory_space<vmem>>, vector<16xf32>,
    %mul3A_628 = arith.mulf %get3A_623, %get3A_5 : vector<16xf32>
    %mul3A_629 = arith.mulf %select_n3A, %get3A_627 : vector<16xf32>
    %mul3A_630 = arith.mulf %mul3A_629, %get3A_9 : vector<16xf32>
    %add3A_631 = arith.addf %mul3A_628, %mul3A_630 : vector<16xf32>
    %mul3A_632 = arith.constant 64 : i32
    %mul3A_633 = vector.broadcast %mul3A_632 : i32 to vector<16xi32>
    %mul3A_634 = arith.muli %convert_element_type3A, %mul3A_633 : vector<16xi32>
    %add3A_635 = arith.addi %mul3A_30, %mul3A_634 : vector<16xi32>
    %add3A_636 = arith.constant 31 : i32
    %add3A_637 = vector.broadcast %add3A_636 : i32 to vector<16xi32>
    %add3A_638 = arith.addi %add3A_635, %add3A_637 : vector<16xi32>
    tpu.vector_store_idx %arg5[%add3A_638], %add3A_631 : memref<65536xf32, #tpu.memory_space<vmem>>[vector<16xi32>], vector<16xf32>,
    %get3A_639 = arith.constant 32 : i32
    %get3A_640 = arith.index_cast %get3A_639 : i32 to index
    %get3A_641 = arith.constant 0 : index
    %get3A_642 = tpu.vector_load %arg4[%get3A_640, %get3A_641] {strides = array<i32>} : memref<132x16xf32, #tpu.memory_space<vmem>>, vector<16xf32>,
    %get3A_643 = arith.constant 96 : i32
    %get3A_644 = arith.index_cast %get3A_643 : i32 to index
    %get3A_645 = arith.constant 0 : index
    %get3A_646 = tpu.vector_load %arg4[%get3A_644, %get3A_645] {strides = array<i32>} : memref<132x16xf32, #tpu.memory_space<vmem>>, vector<16xf32>,
    %mul3A_647 = arith.mulf %get3A_642, %get3A_5 : vector<16xf32>
    %mul3A_648 = arith.mulf %select_n3A, %get3A_646 : vector<16xf32>
    %mul3A_649 = arith.mulf %mul3A_648, %get3A_9 : vector<16xf32>
    %add3A_650 = arith.addf %mul3A_647, %mul3A_649 : vector<16xf32>
    %mul3A_651 = arith.constant 64 : i32
    %mul3A_652 = vector.broadcast %mul3A_651 : i32 to vector<16xi32>
    %mul3A_653 = arith.muli %convert_element_type3A, %mul3A_652 : vector<16xi32>
    %add3A_654 = arith.addi %mul3A_30, %mul3A_653 : vector<16xi32>
    %add3A_655 = arith.constant 32 : i32
    %add3A_656 = vector.broadcast %add3A_655 : i32 to vector<16xi32>
    %add3A_657 = arith.addi %add3A_654, %add3A_656 : vector<16xi32>
    tpu.vector_store_idx %arg5[%add3A_657], %add3A_650 : memref<65536xf32, #tpu.memory_space<vmem>>[vector<16xi32>], vector<16xf32>,
    %get3A_658 = arith.constant 33 : i32
    %get3A_659 = arith.index_cast %get3A_658 : i32 to index
    %get3A_660 = arith.constant 0 : index
    %get3A_661 = tpu.vector_load %arg4[%get3A_659, %get3A_660] {strides = array<i32>} : memref<132x16xf32, #tpu.memory_space<vmem>>, vector<16xf32>,
    %get3A_662 = arith.constant 97 : i32
    %get3A_663 = arith.index_cast %get3A_662 : i32 to index
    %get3A_664 = arith.constant 0 : index
    %get3A_665 = tpu.vector_load %arg4[%get3A_663, %get3A_664] {strides = array<i32>} : memref<132x16xf32, #tpu.memory_space<vmem>>, vector<16xf32>,
    %mul3A_666 = arith.mulf %get3A_661, %get3A_5 : vector<16xf32>
    %mul3A_667 = arith.mulf %select_n3A, %get3A_665 : vector<16xf32>
    %mul3A_668 = arith.mulf %mul3A_667, %get3A_9 : vector<16xf32>
    %add3A_669 = arith.addf %mul3A_666, %mul3A_668 : vector<16xf32>
    %mul3A_670 = arith.constant 64 : i32
    %mul3A_671 = vector.broadcast %mul3A_670 : i32 to vector<16xi32>
    %mul3A_672 = arith.muli %convert_element_type3A, %mul3A_671 : vector<16xi32>
    %add3A_673 = arith.addi %mul3A_30, %mul3A_672 : vector<16xi32>
    %add3A_674 = arith.constant 33 : i32
    %add3A_675 = vector.broadcast %add3A_674 : i32 to vector<16xi32>
    %add3A_676 = arith.addi %add3A_673, %add3A_675 : vector<16xi32>
    tpu.vector_store_idx %arg5[%add3A_676], %add3A_669 : memref<65536xf32, #tpu.memory_space<vmem>>[vector<16xi32>], vector<16xf32>,
    %get3A_677 = arith.constant 34 : i32
    %get3A_678 = arith.index_cast %get3A_677 : i32 to index
    %get3A_679 = arith.constant 0 : index
    %get3A_680 = tpu.vector_load %arg4[%get3A_678, %get3A_679] {strides = array<i32>} : memref<132x16xf32, #tpu.memory_space<vmem>>, vector<16xf32>,
    %get3A_681 = arith.constant 98 : i32
    %get3A_682 = arith.index_cast %get3A_681 : i32 to index
    %get3A_683 = arith.constant 0 : index
    %get3A_684 = tpu.vector_load %arg4[%get3A_682, %get3A_683] {strides = array<i32>} : memref<132x16xf32, #tpu.memory_space<vmem>>, vector<16xf32>,
    %mul3A_685 = arith.mulf %get3A_680, %get3A_5 : vector<16xf32>
    %mul3A_686 = arith.mulf %select_n3A, %get3A_684 : vector<16xf32>
    %mul3A_687 = arith.mulf %mul3A_686, %get3A_9 : vector<16xf32>
    %add3A_688 = arith.addf %mul3A_685, %mul3A_687 : vector<16xf32>
    %mul3A_689 = arith.constant 64 : i32
    %mul3A_690 = vector.broadcast %mul3A_689 : i32 to vector<16xi32>
    %mul3A_691 = arith.muli %convert_element_type3A, %mul3A_690 : vector<16xi32>
    %add3A_692 = arith.addi %mul3A_30, %mul3A_691 : vector<16xi32>
    %add3A_693 = arith.constant 34 : i32
    %add3A_694 = vector.broadcast %add3A_693 : i32 to vector<16xi32>
    %add3A_695 = arith.addi %add3A_692, %add3A_694 : vector<16xi32>
    tpu.vector_store_idx %arg5[%add3A_695], %add3A_688 : memref<65536xf32, #tpu.memory_space<vmem>>[vector<16xi32>], vector<16xf32>,
    %get3A_696 = arith.constant 35 : i32
    %get3A_697 = arith.index_cast %get3A_696 : i32 to index
    %get3A_698 = arith.constant 0 : index
    %get3A_699 = tpu.vector_load %arg4[%get3A_697, %get3A_698] {strides = array<i32>} : memref<132x16xf32, #tpu.memory_space<vmem>>, vector<16xf32>,
    %get3A_700 = arith.constant 99 : i32
    %get3A_701 = arith.index_cast %get3A_700 : i32 to index
    %get3A_702 = arith.constant 0 : index
    %get3A_703 = tpu.vector_load %arg4[%get3A_701, %get3A_702] {strides = array<i32>} : memref<132x16xf32, #tpu.memory_space<vmem>>, vector<16xf32>,
    %mul3A_704 = arith.mulf %get3A_699, %get3A_5 : vector<16xf32>
    %mul3A_705 = arith.mulf %select_n3A, %get3A_703 : vector<16xf32>
    %mul3A_706 = arith.mulf %mul3A_705, %get3A_9 : vector<16xf32>
    %add3A_707 = arith.addf %mul3A_704, %mul3A_706 : vector<16xf32>
    %mul3A_708 = arith.constant 64 : i32
    %mul3A_709 = vector.broadcast %mul3A_708 : i32 to vector<16xi32>
    %mul3A_710 = arith.muli %convert_element_type3A, %mul3A_709 : vector<16xi32>
    %add3A_711 = arith.addi %mul3A_30, %mul3A_710 : vector<16xi32>
    %add3A_712 = arith.constant 35 : i32
    %add3A_713 = vector.broadcast %add3A_712 : i32 to vector<16xi32>
    %add3A_714 = arith.addi %add3A_711, %add3A_713 : vector<16xi32>
    tpu.vector_store_idx %arg5[%add3A_714], %add3A_707 : memref<65536xf32, #tpu.memory_space<vmem>>[vector<16xi32>], vector<16xf32>,
    %get3A_715 = arith.constant 36 : i32
    %get3A_716 = arith.index_cast %get3A_715 : i32 to index
    %get3A_717 = arith.constant 0 : index
    %get3A_718 = tpu.vector_load %arg4[%get3A_716, %get3A_717] {strides = array<i32>} : memref<132x16xf32, #tpu.memory_space<vmem>>, vector<16xf32>,
    %get3A_719 = arith.constant 100 : i32
    %get3A_720 = arith.index_cast %get3A_719 : i32 to index
    %get3A_721 = arith.constant 0 : index
    %get3A_722 = tpu.vector_load %arg4[%get3A_720, %get3A_721] {strides = array<i32>} : memref<132x16xf32, #tpu.memory_space<vmem>>, vector<16xf32>,
    %mul3A_723 = arith.mulf %get3A_718, %get3A_5 : vector<16xf32>
    %mul3A_724 = arith.mulf %select_n3A, %get3A_722 : vector<16xf32>
    %mul3A_725 = arith.mulf %mul3A_724, %get3A_9 : vector<16xf32>
    %add3A_726 = arith.addf %mul3A_723, %mul3A_725 : vector<16xf32>
    %mul3A_727 = arith.constant 64 : i32
    %mul3A_728 = vector.broadcast %mul3A_727 : i32 to vector<16xi32>
    %mul3A_729 = arith.muli %convert_element_type3A, %mul3A_728 : vector<16xi32>
    %add3A_730 = arith.addi %mul3A_30, %mul3A_729 : vector<16xi32>
    %add3A_731 = arith.constant 36 : i32
    %add3A_732 = vector.broadcast %add3A_731 : i32 to vector<16xi32>
    %add3A_733 = arith.addi %add3A_730, %add3A_732 : vector<16xi32>
    tpu.vector_store_idx %arg5[%add3A_733], %add3A_726 : memref<65536xf32, #tpu.memory_space<vmem>>[vector<16xi32>], vector<16xf32>,
    %get3A_734 = arith.constant 37 : i32
    %get3A_735 = arith.index_cast %get3A_734 : i32 to index
    %get3A_736 = arith.constant 0 : index
    %get3A_737 = tpu.vector_load %arg4[%get3A_735, %get3A_736] {strides = array<i32>} : memref<132x16xf32, #tpu.memory_space<vmem>>, vector<16xf32>,
    %get3A_738 = arith.constant 101 : i32
    %get3A_739 = arith.index_cast %get3A_738 : i32 to index
    %get3A_740 = arith.constant 0 : index
    %get3A_741 = tpu.vector_load %arg4[%get3A_739, %get3A_740] {strides = array<i32>} : memref<132x16xf32, #tpu.memory_space<vmem>>, vector<16xf32>,
    %mul3A_742 = arith.mulf %get3A_737, %get3A_5 : vector<16xf32>
    %mul3A_743 = arith.mulf %select_n3A, %get3A_741 : vector<16xf32>
    %mul3A_744 = arith.mulf %mul3A_743, %get3A_9 : vector<16xf32>
    %add3A_745 = arith.addf %mul3A_742, %mul3A_744 : vector<16xf32>
    %mul3A_746 = arith.constant 64 : i32
    %mul3A_747 = vector.broadcast %mul3A_746 : i32 to vector<16xi32>
    %mul3A_748 = arith.muli %convert_element_type3A, %mul3A_747 : vector<16xi32>
    %add3A_749 = arith.addi %mul3A_30, %mul3A_748 : vector<16xi32>
    %add3A_750 = arith.constant 37 : i32
    %add3A_751 = vector.broadcast %add3A_750 : i32 to vector<16xi32>
    %add3A_752 = arith.addi %add3A_749, %add3A_751 : vector<16xi32>
    tpu.vector_store_idx %arg5[%add3A_752], %add3A_745 : memref<65536xf32, #tpu.memory_space<vmem>>[vector<16xi32>], vector<16xf32>,
    %get3A_753 = arith.constant 38 : i32
    %get3A_754 = arith.index_cast %get3A_753 : i32 to index
    %get3A_755 = arith.constant 0 : index
    %get3A_756 = tpu.vector_load %arg4[%get3A_754, %get3A_755] {strides = array<i32>} : memref<132x16xf32, #tpu.memory_space<vmem>>, vector<16xf32>,
    %get3A_757 = arith.constant 102 : i32
    %get3A_758 = arith.index_cast %get3A_757 : i32 to index
    %get3A_759 = arith.constant 0 : index
    %get3A_760 = tpu.vector_load %arg4[%get3A_758, %get3A_759] {strides = array<i32>} : memref<132x16xf32, #tpu.memory_space<vmem>>, vector<16xf32>,
    %mul3A_761 = arith.mulf %get3A_756, %get3A_5 : vector<16xf32>
    %mul3A_762 = arith.mulf %select_n3A, %get3A_760 : vector<16xf32>
    %mul3A_763 = arith.mulf %mul3A_762, %get3A_9 : vector<16xf32>
    %add3A_764 = arith.addf %mul3A_761, %mul3A_763 : vector<16xf32>
    %mul3A_765 = arith.constant 64 : i32
    %mul3A_766 = vector.broadcast %mul3A_765 : i32 to vector<16xi32>
    %mul3A_767 = arith.muli %convert_element_type3A, %mul3A_766 : vector<16xi32>
    %add3A_768 = arith.addi %mul3A_30, %mul3A_767 : vector<16xi32>
    %add3A_769 = arith.constant 38 : i32
    %add3A_770 = vector.broadcast %add3A_769 : i32 to vector<16xi32>
    %add3A_771 = arith.addi %add3A_768, %add3A_770 : vector<16xi32>
    tpu.vector_store_idx %arg5[%add3A_771], %add3A_764 : memref<65536xf32, #tpu.memory_space<vmem>>[vector<16xi32>], vector<16xf32>,
    %get3A_772 = arith.constant 39 : i32
    %get3A_773 = arith.index_cast %get3A_772 : i32 to index
    %get3A_774 = arith.constant 0 : index
    %get3A_775 = tpu.vector_load %arg4[%get3A_773, %get3A_774] {strides = array<i32>} : memref<132x16xf32, #tpu.memory_space<vmem>>, vector<16xf32>,
    %get3A_776 = arith.constant 103 : i32
    %get3A_777 = arith.index_cast %get3A_776 : i32 to index
    %get3A_778 = arith.constant 0 : index
    %get3A_779 = tpu.vector_load %arg4[%get3A_777, %get3A_778] {strides = array<i32>} : memref<132x16xf32, #tpu.memory_space<vmem>>, vector<16xf32>,
    %mul3A_780 = arith.mulf %get3A_775, %get3A_5 : vector<16xf32>
    %mul3A_781 = arith.mulf %select_n3A, %get3A_779 : vector<16xf32>
    %mul3A_782 = arith.mulf %mul3A_781, %get3A_9 : vector<16xf32>
    %add3A_783 = arith.addf %mul3A_780, %mul3A_782 : vector<16xf32>
    %mul3A_784 = arith.constant 64 : i32
    %mul3A_785 = vector.broadcast %mul3A_784 : i32 to vector<16xi32>
    %mul3A_786 = arith.muli %convert_element_type3A, %mul3A_785 : vector<16xi32>
    %add3A_787 = arith.addi %mul3A_30, %mul3A_786 : vector<16xi32>
    %add3A_788 = arith.constant 39 : i32
    %add3A_789 = vector.broadcast %add3A_788 : i32 to vector<16xi32>
    %add3A_790 = arith.addi %add3A_787, %add3A_789 : vector<16xi32>
    tpu.vector_store_idx %arg5[%add3A_790], %add3A_783 : memref<65536xf32, #tpu.memory_space<vmem>>[vector<16xi32>], vector<16xf32>,
    %get3A_791 = arith.constant 40 : i32
    %get3A_792 = arith.index_cast %get3A_791 : i32 to index
    %get3A_793 = arith.constant 0 : index
    %get3A_794 = tpu.vector_load %arg4[%get3A_792, %get3A_793] {strides = array<i32>} : memref<132x16xf32, #tpu.memory_space<vmem>>, vector<16xf32>,
    %get3A_795 = arith.constant 104 : i32
    %get3A_796 = arith.index_cast %get3A_795 : i32 to index
    %get3A_797 = arith.constant 0 : index
    %get3A_798 = tpu.vector_load %arg4[%get3A_796, %get3A_797] {strides = array<i32>} : memref<132x16xf32, #tpu.memory_space<vmem>>, vector<16xf32>,
    %mul3A_799 = arith.mulf %get3A_794, %get3A_5 : vector<16xf32>
    %mul3A_800 = arith.mulf %select_n3A, %get3A_798 : vector<16xf32>
    %mul3A_801 = arith.mulf %mul3A_800, %get3A_9 : vector<16xf32>
    %add3A_802 = arith.addf %mul3A_799, %mul3A_801 : vector<16xf32>
    %mul3A_803 = arith.constant 64 : i32
    %mul3A_804 = vector.broadcast %mul3A_803 : i32 to vector<16xi32>
    %mul3A_805 = arith.muli %convert_element_type3A, %mul3A_804 : vector<16xi32>
    %add3A_806 = arith.addi %mul3A_30, %mul3A_805 : vector<16xi32>
    %add3A_807 = arith.constant 40 : i32
    %add3A_808 = vector.broadcast %add3A_807 : i32 to vector<16xi32>
    %add3A_809 = arith.addi %add3A_806, %add3A_808 : vector<16xi32>
    tpu.vector_store_idx %arg5[%add3A_809], %add3A_802 : memref<65536xf32, #tpu.memory_space<vmem>>[vector<16xi32>], vector<16xf32>,
    %get3A_810 = arith.constant 41 : i32
    %get3A_811 = arith.index_cast %get3A_810 : i32 to index
    %get3A_812 = arith.constant 0 : index
    %get3A_813 = tpu.vector_load %arg4[%get3A_811, %get3A_812] {strides = array<i32>} : memref<132x16xf32, #tpu.memory_space<vmem>>, vector<16xf32>,
    %get3A_814 = arith.constant 105 : i32
    %get3A_815 = arith.index_cast %get3A_814 : i32 to index
    %get3A_816 = arith.constant 0 : index
    %get3A_817 = tpu.vector_load %arg4[%get3A_815, %get3A_816] {strides = array<i32>} : memref<132x16xf32, #tpu.memory_space<vmem>>, vector<16xf32>,
    %mul3A_818 = arith.mulf %get3A_813, %get3A_5 : vector<16xf32>
    %mul3A_819 = arith.mulf %select_n3A, %get3A_817 : vector<16xf32>
    %mul3A_820 = arith.mulf %mul3A_819, %get3A_9 : vector<16xf32>
    %add3A_821 = arith.addf %mul3A_818, %mul3A_820 : vector<16xf32>
    %mul3A_822 = arith.constant 64 : i32
    %mul3A_823 = vector.broadcast %mul3A_822 : i32 to vector<16xi32>
    %mul3A_824 = arith.muli %convert_element_type3A, %mul3A_823 : vector<16xi32>
    %add3A_825 = arith.addi %mul3A_30, %mul3A_824 : vector<16xi32>
    %add3A_826 = arith.constant 41 : i32
    %add3A_827 = vector.broadcast %add3A_826 : i32 to vector<16xi32>
    %add3A_828 = arith.addi %add3A_825, %add3A_827 : vector<16xi32>
    tpu.vector_store_idx %arg5[%add3A_828], %add3A_821 : memref<65536xf32, #tpu.memory_space<vmem>>[vector<16xi32>], vector<16xf32>,
    %get3A_829 = arith.constant 42 : i32
    %get3A_830 = arith.index_cast %get3A_829 : i32 to index
    %get3A_831 = arith.constant 0 : index
    %get3A_832 = tpu.vector_load %arg4[%get3A_830, %get3A_831] {strides = array<i32>} : memref<132x16xf32, #tpu.memory_space<vmem>>, vector<16xf32>,
    %get3A_833 = arith.constant 106 : i32
    %get3A_834 = arith.index_cast %get3A_833 : i32 to index
    %get3A_835 = arith.constant 0 : index
    %get3A_836 = tpu.vector_load %arg4[%get3A_834, %get3A_835] {strides = array<i32>} : memref<132x16xf32, #tpu.memory_space<vmem>>, vector<16xf32>,
    %mul3A_837 = arith.mulf %get3A_832, %get3A_5 : vector<16xf32>
    %mul3A_838 = arith.mulf %select_n3A, %get3A_836 : vector<16xf32>
    %mul3A_839 = arith.mulf %mul3A_838, %get3A_9 : vector<16xf32>
    %add3A_840 = arith.addf %mul3A_837, %mul3A_839 : vector<16xf32>
    %mul3A_841 = arith.constant 64 : i32
    %mul3A_842 = vector.broadcast %mul3A_841 : i32 to vector<16xi32>
    %mul3A_843 = arith.muli %convert_element_type3A, %mul3A_842 : vector<16xi32>
    %add3A_844 = arith.addi %mul3A_30, %mul3A_843 : vector<16xi32>
    %add3A_845 = arith.constant 42 : i32
    %add3A_846 = vector.broadcast %add3A_845 : i32 to vector<16xi32>
    %add3A_847 = arith.addi %add3A_844, %add3A_846 : vector<16xi32>
    tpu.vector_store_idx %arg5[%add3A_847], %add3A_840 : memref<65536xf32, #tpu.memory_space<vmem>>[vector<16xi32>], vector<16xf32>,
    %get3A_848 = arith.constant 43 : i32
    %get3A_849 = arith.index_cast %get3A_848 : i32 to index
    %get3A_850 = arith.constant 0 : index
    %get3A_851 = tpu.vector_load %arg4[%get3A_849, %get3A_850] {strides = array<i32>} : memref<132x16xf32, #tpu.memory_space<vmem>>, vector<16xf32>,
    %get3A_852 = arith.constant 107 : i32
    %get3A_853 = arith.index_cast %get3A_852 : i32 to index
    %get3A_854 = arith.constant 0 : index
    %get3A_855 = tpu.vector_load %arg4[%get3A_853, %get3A_854] {strides = array<i32>} : memref<132x16xf32, #tpu.memory_space<vmem>>, vector<16xf32>,
    %mul3A_856 = arith.mulf %get3A_851, %get3A_5 : vector<16xf32>
    %mul3A_857 = arith.mulf %select_n3A, %get3A_855 : vector<16xf32>
    %mul3A_858 = arith.mulf %mul3A_857, %get3A_9 : vector<16xf32>
    %add3A_859 = arith.addf %mul3A_856, %mul3A_858 : vector<16xf32>
    %mul3A_860 = arith.constant 64 : i32
    %mul3A_861 = vector.broadcast %mul3A_860 : i32 to vector<16xi32>
    %mul3A_862 = arith.muli %convert_element_type3A, %mul3A_861 : vector<16xi32>
    %add3A_863 = arith.addi %mul3A_30, %mul3A_862 : vector<16xi32>
    %add3A_864 = arith.constant 43 : i32
    %add3A_865 = vector.broadcast %add3A_864 : i32 to vector<16xi32>
    %add3A_866 = arith.addi %add3A_863, %add3A_865 : vector<16xi32>
    tpu.vector_store_idx %arg5[%add3A_866], %add3A_859 : memref<65536xf32, #tpu.memory_space<vmem>>[vector<16xi32>], vector<16xf32>,
    %get3A_867 = arith.constant 44 : i32
    %get3A_868 = arith.index_cast %get3A_867 : i32 to index
    %get3A_869 = arith.constant 0 : index
    %get3A_870 = tpu.vector_load %arg4[%get3A_868, %get3A_869] {strides = array<i32>} : memref<132x16xf32, #tpu.memory_space<vmem>>, vector<16xf32>,
    %get3A_871 = arith.constant 108 : i32
    %get3A_872 = arith.index_cast %get3A_871 : i32 to index
    %get3A_873 = arith.constant 0 : index
    %get3A_874 = tpu.vector_load %arg4[%get3A_872, %get3A_873] {strides = array<i32>} : memref<132x16xf32, #tpu.memory_space<vmem>>, vector<16xf32>,
    %mul3A_875 = arith.mulf %get3A_870, %get3A_5 : vector<16xf32>
    %mul3A_876 = arith.mulf %select_n3A, %get3A_874 : vector<16xf32>
    %mul3A_877 = arith.mulf %mul3A_876, %get3A_9 : vector<16xf32>
    %add3A_878 = arith.addf %mul3A_875, %mul3A_877 : vector<16xf32>
    %mul3A_879 = arith.constant 64 : i32
    %mul3A_880 = vector.broadcast %mul3A_879 : i32 to vector<16xi32>
    %mul3A_881 = arith.muli %convert_element_type3A, %mul3A_880 : vector<16xi32>
    %add3A_882 = arith.addi %mul3A_30, %mul3A_881 : vector<16xi32>
    %add3A_883 = arith.constant 44 : i32
    %add3A_884 = vector.broadcast %add3A_883 : i32 to vector<16xi32>
    %add3A_885 = arith.addi %add3A_882, %add3A_884 : vector<16xi32>
    tpu.vector_store_idx %arg5[%add3A_885], %add3A_878 : memref<65536xf32, #tpu.memory_space<vmem>>[vector<16xi32>], vector<16xf32>,
    %get3A_886 = arith.constant 45 : i32
    %get3A_887 = arith.index_cast %get3A_886 : i32 to index
    %get3A_888 = arith.constant 0 : index
    %get3A_889 = tpu.vector_load %arg4[%get3A_887, %get3A_888] {strides = array<i32>} : memref<132x16xf32, #tpu.memory_space<vmem>>, vector<16xf32>,
    %get3A_890 = arith.constant 109 : i32
    %get3A_891 = arith.index_cast %get3A_890 : i32 to index
    %get3A_892 = arith.constant 0 : index
    %get3A_893 = tpu.vector_load %arg4[%get3A_891, %get3A_892] {strides = array<i32>} : memref<132x16xf32, #tpu.memory_space<vmem>>, vector<16xf32>,
    %mul3A_894 = arith.mulf %get3A_889, %get3A_5 : vector<16xf32>
    %mul3A_895 = arith.mulf %select_n3A, %get3A_893 : vector<16xf32>
    %mul3A_896 = arith.mulf %mul3A_895, %get3A_9 : vector<16xf32>
    %add3A_897 = arith.addf %mul3A_894, %mul3A_896 : vector<16xf32>
    %mul3A_898 = arith.constant 64 : i32
    %mul3A_899 = vector.broadcast %mul3A_898 : i32 to vector<16xi32>
    %mul3A_900 = arith.muli %convert_element_type3A, %mul3A_899 : vector<16xi32>
    %add3A_901 = arith.addi %mul3A_30, %mul3A_900 : vector<16xi32>
    %add3A_902 = arith.constant 45 : i32
    %add3A_903 = vector.broadcast %add3A_902 : i32 to vector<16xi32>
    %add3A_904 = arith.addi %add3A_901, %add3A_903 : vector<16xi32>
    tpu.vector_store_idx %arg5[%add3A_904], %add3A_897 : memref<65536xf32, #tpu.memory_space<vmem>>[vector<16xi32>], vector<16xf32>,
    %get3A_905 = arith.constant 46 : i32
    %get3A_906 = arith.index_cast %get3A_905 : i32 to index
    %get3A_907 = arith.constant 0 : index
    %get3A_908 = tpu.vector_load %arg4[%get3A_906, %get3A_907] {strides = array<i32>} : memref<132x16xf32, #tpu.memory_space<vmem>>, vector<16xf32>,
    %get3A_909 = arith.constant 110 : i32
    %get3A_910 = arith.index_cast %get3A_909 : i32 to index
    %get3A_911 = arith.constant 0 : index
    %get3A_912 = tpu.vector_load %arg4[%get3A_910, %get3A_911] {strides = array<i32>} : memref<132x16xf32, #tpu.memory_space<vmem>>, vector<16xf32>,
    %mul3A_913 = arith.mulf %get3A_908, %get3A_5 : vector<16xf32>
    %mul3A_914 = arith.mulf %select_n3A, %get3A_912 : vector<16xf32>
    %mul3A_915 = arith.mulf %mul3A_914, %get3A_9 : vector<16xf32>
    %add3A_916 = arith.addf %mul3A_913, %mul3A_915 : vector<16xf32>
    %mul3A_917 = arith.constant 64 : i32
    %mul3A_918 = vector.broadcast %mul3A_917 : i32 to vector<16xi32>
    %mul3A_919 = arith.muli %convert_element_type3A, %mul3A_918 : vector<16xi32>
    %add3A_920 = arith.addi %mul3A_30, %mul3A_919 : vector<16xi32>
    %add3A_921 = arith.constant 46 : i32
    %add3A_922 = vector.broadcast %add3A_921 : i32 to vector<16xi32>
    %add3A_923 = arith.addi %add3A_920, %add3A_922 : vector<16xi32>
    tpu.vector_store_idx %arg5[%add3A_923], %add3A_916 : memref<65536xf32, #tpu.memory_space<vmem>>[vector<16xi32>], vector<16xf32>,
    %get3A_924 = arith.constant 47 : i32
    %get3A_925 = arith.index_cast %get3A_924 : i32 to index
    %get3A_926 = arith.constant 0 : index
    %get3A_927 = tpu.vector_load %arg4[%get3A_925, %get3A_926] {strides = array<i32>} : memref<132x16xf32, #tpu.memory_space<vmem>>, vector<16xf32>,
    %get3A_928 = arith.constant 111 : i32
    %get3A_929 = arith.index_cast %get3A_928 : i32 to index
    %get3A_930 = arith.constant 0 : index
    %get3A_931 = tpu.vector_load %arg4[%get3A_929, %get3A_930] {strides = array<i32>} : memref<132x16xf32, #tpu.memory_space<vmem>>, vector<16xf32>,
    %mul3A_932 = arith.mulf %get3A_927, %get3A_5 : vector<16xf32>
    %mul3A_933 = arith.mulf %select_n3A, %get3A_931 : vector<16xf32>
    %mul3A_934 = arith.mulf %mul3A_933, %get3A_9 : vector<16xf32>
    %add3A_935 = arith.addf %mul3A_932, %mul3A_934 : vector<16xf32>
    %mul3A_936 = arith.constant 64 : i32
    %mul3A_937 = vector.broadcast %mul3A_936 : i32 to vector<16xi32>
    %mul3A_938 = arith.muli %convert_element_type3A, %mul3A_937 : vector<16xi32>
    %add3A_939 = arith.addi %mul3A_30, %mul3A_938 : vector<16xi32>
    %add3A_940 = arith.constant 47 : i32
    %add3A_941 = vector.broadcast %add3A_940 : i32 to vector<16xi32>
    %add3A_942 = arith.addi %add3A_939, %add3A_941 : vector<16xi32>
    tpu.vector_store_idx %arg5[%add3A_942], %add3A_935 : memref<65536xf32, #tpu.memory_space<vmem>>[vector<16xi32>], vector<16xf32>,
    %get3A_943 = arith.constant 48 : i32
    %get3A_944 = arith.index_cast %get3A_943 : i32 to index
    %get3A_945 = arith.constant 0 : index
    %get3A_946 = tpu.vector_load %arg4[%get3A_944, %get3A_945] {strides = array<i32>} : memref<132x16xf32, #tpu.memory_space<vmem>>, vector<16xf32>,
    %get3A_947 = arith.constant 112 : i32
    %get3A_948 = arith.index_cast %get3A_947 : i32 to index
    %get3A_949 = arith.constant 0 : index
    %get3A_950 = tpu.vector_load %arg4[%get3A_948, %get3A_949] {strides = array<i32>} : memref<132x16xf32, #tpu.memory_space<vmem>>, vector<16xf32>,
    %mul3A_951 = arith.mulf %get3A_946, %get3A_5 : vector<16xf32>
    %mul3A_952 = arith.mulf %select_n3A, %get3A_950 : vector<16xf32>
    %mul3A_953 = arith.mulf %mul3A_952, %get3A_9 : vector<16xf32>
    %add3A_954 = arith.addf %mul3A_951, %mul3A_953 : vector<16xf32>
    %mul3A_955 = arith.constant 64 : i32
    %mul3A_956 = vector.broadcast %mul3A_955 : i32 to vector<16xi32>
    %mul3A_957 = arith.muli %convert_element_type3A, %mul3A_956 : vector<16xi32>
    %add3A_958 = arith.addi %mul3A_30, %mul3A_957 : vector<16xi32>
    %add3A_959 = arith.constant 48 : i32
    %add3A_960 = vector.broadcast %add3A_959 : i32 to vector<16xi32>
    %add3A_961 = arith.addi %add3A_958, %add3A_960 : vector<16xi32>
    tpu.vector_store_idx %arg5[%add3A_961], %add3A_954 : memref<65536xf32, #tpu.memory_space<vmem>>[vector<16xi32>], vector<16xf32>,
    %get3A_962 = arith.constant 49 : i32
    %get3A_963 = arith.index_cast %get3A_962 : i32 to index
    %get3A_964 = arith.constant 0 : index
    %get3A_965 = tpu.vector_load %arg4[%get3A_963, %get3A_964] {strides = array<i32>} : memref<132x16xf32, #tpu.memory_space<vmem>>, vector<16xf32>,
    %get3A_966 = arith.constant 113 : i32
    %get3A_967 = arith.index_cast %get3A_966 : i32 to index
    %get3A_968 = arith.constant 0 : index
    %get3A_969 = tpu.vector_load %arg4[%get3A_967, %get3A_968] {strides = array<i32>} : memref<132x16xf32, #tpu.memory_space<vmem>>, vector<16xf32>,
    %mul3A_970 = arith.mulf %get3A_965, %get3A_5 : vector<16xf32>
    %mul3A_971 = arith.mulf %select_n3A, %get3A_969 : vector<16xf32>
    %mul3A_972 = arith.mulf %mul3A_971, %get3A_9 : vector<16xf32>
    %add3A_973 = arith.addf %mul3A_970, %mul3A_972 : vector<16xf32>
    %mul3A_974 = arith.constant 64 : i32
    %mul3A_975 = vector.broadcast %mul3A_974 : i32 to vector<16xi32>
    %mul3A_976 = arith.muli %convert_element_type3A, %mul3A_975 : vector<16xi32>
    %add3A_977 = arith.addi %mul3A_30, %mul3A_976 : vector<16xi32>
    %add3A_978 = arith.constant 49 : i32
    %add3A_979 = vector.broadcast %add3A_978 : i32 to vector<16xi32>
    %add3A_980 = arith.addi %add3A_977, %add3A_979 : vector<16xi32>
    tpu.vector_store_idx %arg5[%add3A_980], %add3A_973 : memref<65536xf32, #tpu.memory_space<vmem>>[vector<16xi32>], vector<16xf32>,
    %get3A_981 = arith.constant 50 : i32
    %get3A_982 = arith.index_cast %get3A_981 : i32 to index
    %get3A_983 = arith.constant 0 : index
    %get3A_984 = tpu.vector_load %arg4[%get3A_982, %get3A_983] {strides = array<i32>} : memref<132x16xf32, #tpu.memory_space<vmem>>, vector<16xf32>,
    %get3A_985 = arith.constant 114 : i32
    %get3A_986 = arith.index_cast %get3A_985 : i32 to index
    %get3A_987 = arith.constant 0 : index
    %get3A_988 = tpu.vector_load %arg4[%get3A_986, %get3A_987] {strides = array<i32>} : memref<132x16xf32, #tpu.memory_space<vmem>>, vector<16xf32>,
    %mul3A_989 = arith.mulf %get3A_984, %get3A_5 : vector<16xf32>
    %mul3A_990 = arith.mulf %select_n3A, %get3A_988 : vector<16xf32>
    %mul3A_991 = arith.mulf %mul3A_990, %get3A_9 : vector<16xf32>
    %add3A_992 = arith.addf %mul3A_989, %mul3A_991 : vector<16xf32>
    %mul3A_993 = arith.constant 64 : i32
    %mul3A_994 = vector.broadcast %mul3A_993 : i32 to vector<16xi32>
    %mul3A_995 = arith.muli %convert_element_type3A, %mul3A_994 : vector<16xi32>
    %add3A_996 = arith.addi %mul3A_30, %mul3A_995 : vector<16xi32>
    %add3A_997 = arith.constant 50 : i32
    %add3A_998 = vector.broadcast %add3A_997 : i32 to vector<16xi32>
    %add3A_999 = arith.addi %add3A_996, %add3A_998 : vector<16xi32>
    tpu.vector_store_idx %arg5[%add3A_999], %add3A_992 : memref<65536xf32, #tpu.memory_space<vmem>>[vector<16xi32>], vector<16xf32>,
    %get3A_1000 = arith.constant 51 : i32
    %get3A_1001 = arith.index_cast %get3A_1000 : i32 to index
    %get3A_1002 = arith.constant 0 : index
    %get3A_1003 = tpu.vector_load %arg4[%get3A_1001, %get3A_1002] {strides = array<i32>} : memref<132x16xf32, #tpu.memory_space<vmem>>, vector<16xf32>,
    %get3A_1004 = arith.constant 115 : i32
    %get3A_1005 = arith.index_cast %get3A_1004 : i32 to index
    %get3A_1006 = arith.constant 0 : index
    %get3A_1007 = tpu.vector_load %arg4[%get3A_1005, %get3A_1006] {strides = array<i32>} : memref<132x16xf32, #tpu.memory_space<vmem>>, vector<16xf32>,
    %mul3A_1008 = arith.mulf %get3A_1003, %get3A_5 : vector<16xf32>
    %mul3A_1009 = arith.mulf %select_n3A, %get3A_1007 : vector<16xf32>
    %mul3A_1010 = arith.mulf %mul3A_1009, %get3A_9 : vector<16xf32>
    %add3A_1011 = arith.addf %mul3A_1008, %mul3A_1010 : vector<16xf32>
    %mul3A_1012 = arith.constant 64 : i32
    %mul3A_1013 = vector.broadcast %mul3A_1012 : i32 to vector<16xi32>
    %mul3A_1014 = arith.muli %convert_element_type3A, %mul3A_1013 : vector<16xi32>
    %add3A_1015 = arith.addi %mul3A_30, %mul3A_1014 : vector<16xi32>
    %add3A_1016 = arith.constant 51 : i32
    %add3A_1017 = vector.broadcast %add3A_1016 : i32 to vector<16xi32>
    %add3A_1018 = arith.addi %add3A_1015, %add3A_1017 : vector<16xi32>
    tpu.vector_store_idx %arg5[%add3A_1018], %add3A_1011 : memref<65536xf32, #tpu.memory_space<vmem>>[vector<16xi32>], vector<16xf32>,
    %get3A_1019 = arith.constant 52 : i32
    %get3A_1020 = arith.index_cast %get3A_1019 : i32 to index
    %get3A_1021 = arith.constant 0 : index
    %get3A_1022 = tpu.vector_load %arg4[%get3A_1020, %get3A_1021] {strides = array<i32>} : memref<132x16xf32, #tpu.memory_space<vmem>>, vector<16xf32>,
    %get3A_1023 = arith.constant 116 : i32
    %get3A_1024 = arith.index_cast %get3A_1023 : i32 to index
    %get3A_1025 = arith.constant 0 : index
    %get3A_1026 = tpu.vector_load %arg4[%get3A_1024, %get3A_1025] {strides = array<i32>} : memref<132x16xf32, #tpu.memory_space<vmem>>, vector<16xf32>,
    %mul3A_1027 = arith.mulf %get3A_1022, %get3A_5 : vector<16xf32>
    %mul3A_1028 = arith.mulf %select_n3A, %get3A_1026 : vector<16xf32>
    %mul3A_1029 = arith.mulf %mul3A_1028, %get3A_9 : vector<16xf32>
    %add3A_1030 = arith.addf %mul3A_1027, %mul3A_1029 : vector<16xf32>
    %mul3A_1031 = arith.constant 64 : i32
    %mul3A_1032 = vector.broadcast %mul3A_1031 : i32 to vector<16xi32>
    %mul3A_1033 = arith.muli %convert_element_type3A, %mul3A_1032 : vector<16xi32>
    %add3A_1034 = arith.addi %mul3A_30, %mul3A_1033 : vector<16xi32>
    %add3A_1035 = arith.constant 52 : i32
    %add3A_1036 = vector.broadcast %add3A_1035 : i32 to vector<16xi32>
    %add3A_1037 = arith.addi %add3A_1034, %add3A_1036 : vector<16xi32>
    tpu.vector_store_idx %arg5[%add3A_1037], %add3A_1030 : memref<65536xf32, #tpu.memory_space<vmem>>[vector<16xi32>], vector<16xf32>,
    %get3A_1038 = arith.constant 53 : i32
    %get3A_1039 = arith.index_cast %get3A_1038 : i32 to index
    %get3A_1040 = arith.constant 0 : index
    %get3A_1041 = tpu.vector_load %arg4[%get3A_1039, %get3A_1040] {strides = array<i32>} : memref<132x16xf32, #tpu.memory_space<vmem>>, vector<16xf32>,
    %get3A_1042 = arith.constant 117 : i32
    %get3A_1043 = arith.index_cast %get3A_1042 : i32 to index
    %get3A_1044 = arith.constant 0 : index
    %get3A_1045 = tpu.vector_load %arg4[%get3A_1043, %get3A_1044] {strides = array<i32>} : memref<132x16xf32, #tpu.memory_space<vmem>>, vector<16xf32>,
    %mul3A_1046 = arith.mulf %get3A_1041, %get3A_5 : vector<16xf32>
    %mul3A_1047 = arith.mulf %select_n3A, %get3A_1045 : vector<16xf32>
    %mul3A_1048 = arith.mulf %mul3A_1047, %get3A_9 : vector<16xf32>
    %add3A_1049 = arith.addf %mul3A_1046, %mul3A_1048 : vector<16xf32>
    %mul3A_1050 = arith.constant 64 : i32
    %mul3A_1051 = vector.broadcast %mul3A_1050 : i32 to vector<16xi32>
    %mul3A_1052 = arith.muli %convert_element_type3A, %mul3A_1051 : vector<16xi32>
    %add3A_1053 = arith.addi %mul3A_30, %mul3A_1052 : vector<16xi32>
    %add3A_1054 = arith.constant 53 : i32
    %add3A_1055 = vector.broadcast %add3A_1054 : i32 to vector<16xi32>
    %add3A_1056 = arith.addi %add3A_1053, %add3A_1055 : vector<16xi32>
    tpu.vector_store_idx %arg5[%add3A_1056], %add3A_1049 : memref<65536xf32, #tpu.memory_space<vmem>>[vector<16xi32>], vector<16xf32>,
    %get3A_1057 = arith.constant 54 : i32
    %get3A_1058 = arith.index_cast %get3A_1057 : i32 to index
    %get3A_1059 = arith.constant 0 : index
    %get3A_1060 = tpu.vector_load %arg4[%get3A_1058, %get3A_1059] {strides = array<i32>} : memref<132x16xf32, #tpu.memory_space<vmem>>, vector<16xf32>,
    %get3A_1061 = arith.constant 118 : i32
    %get3A_1062 = arith.index_cast %get3A_1061 : i32 to index
    %get3A_1063 = arith.constant 0 : index
    %get3A_1064 = tpu.vector_load %arg4[%get3A_1062, %get3A_1063] {strides = array<i32>} : memref<132x16xf32, #tpu.memory_space<vmem>>, vector<16xf32>,
    %mul3A_1065 = arith.mulf %get3A_1060, %get3A_5 : vector<16xf32>
    %mul3A_1066 = arith.mulf %select_n3A, %get3A_1064 : vector<16xf32>
    %mul3A_1067 = arith.mulf %mul3A_1066, %get3A_9 : vector<16xf32>
    %add3A_1068 = arith.addf %mul3A_1065, %mul3A_1067 : vector<16xf32>
    %mul3A_1069 = arith.constant 64 : i32
    %mul3A_1070 = vector.broadcast %mul3A_1069 : i32 to vector<16xi32>
    %mul3A_1071 = arith.muli %convert_element_type3A, %mul3A_1070 : vector<16xi32>
    %add3A_1072 = arith.addi %mul3A_30, %mul3A_1071 : vector<16xi32>
    %add3A_1073 = arith.constant 54 : i32
    %add3A_1074 = vector.broadcast %add3A_1073 : i32 to vector<16xi32>
    %add3A_1075 = arith.addi %add3A_1072, %add3A_1074 : vector<16xi32>
    tpu.vector_store_idx %arg5[%add3A_1075], %add3A_1068 : memref<65536xf32, #tpu.memory_space<vmem>>[vector<16xi32>], vector<16xf32>,
    %get3A_1076 = arith.constant 55 : i32
    %get3A_1077 = arith.index_cast %get3A_1076 : i32 to index
    %get3A_1078 = arith.constant 0 : index
    %get3A_1079 = tpu.vector_load %arg4[%get3A_1077, %get3A_1078] {strides = array<i32>} : memref<132x16xf32, #tpu.memory_space<vmem>>, vector<16xf32>,
    %get3A_1080 = arith.constant 119 : i32
    %get3A_1081 = arith.index_cast %get3A_1080 : i32 to index
    %get3A_1082 = arith.constant 0 : index
    %get3A_1083 = tpu.vector_load %arg4[%get3A_1081, %get3A_1082] {strides = array<i32>} : memref<132x16xf32, #tpu.memory_space<vmem>>, vector<16xf32>,
    %mul3A_1084 = arith.mulf %get3A_1079, %get3A_5 : vector<16xf32>
    %mul3A_1085 = arith.mulf %select_n3A, %get3A_1083 : vector<16xf32>
    %mul3A_1086 = arith.mulf %mul3A_1085, %get3A_9 : vector<16xf32>
    %add3A_1087 = arith.addf %mul3A_1084, %mul3A_1086 : vector<16xf32>
    %mul3A_1088 = arith.constant 64 : i32
    %mul3A_1089 = vector.broadcast %mul3A_1088 : i32 to vector<16xi32>
    %mul3A_1090 = arith.muli %convert_element_type3A, %mul3A_1089 : vector<16xi32>
    %add3A_1091 = arith.addi %mul3A_30, %mul3A_1090 : vector<16xi32>
    %add3A_1092 = arith.constant 55 : i32
    %add3A_1093 = vector.broadcast %add3A_1092 : i32 to vector<16xi32>
    %add3A_1094 = arith.addi %add3A_1091, %add3A_1093 : vector<16xi32>
    tpu.vector_store_idx %arg5[%add3A_1094], %add3A_1087 : memref<65536xf32, #tpu.memory_space<vmem>>[vector<16xi32>], vector<16xf32>,
    %get3A_1095 = arith.constant 56 : i32
    %get3A_1096 = arith.index_cast %get3A_1095 : i32 to index
    %get3A_1097 = arith.constant 0 : index
    %get3A_1098 = tpu.vector_load %arg4[%get3A_1096, %get3A_1097] {strides = array<i32>} : memref<132x16xf32, #tpu.memory_space<vmem>>, vector<16xf32>,
    %get3A_1099 = arith.constant 120 : i32
    %get3A_1100 = arith.index_cast %get3A_1099 : i32 to index
    %get3A_1101 = arith.constant 0 : index
    %get3A_1102 = tpu.vector_load %arg4[%get3A_1100, %get3A_1101] {strides = array<i32>} : memref<132x16xf32, #tpu.memory_space<vmem>>, vector<16xf32>,
    %mul3A_1103 = arith.mulf %get3A_1098, %get3A_5 : vector<16xf32>
    %mul3A_1104 = arith.mulf %select_n3A, %get3A_1102 : vector<16xf32>
    %mul3A_1105 = arith.mulf %mul3A_1104, %get3A_9 : vector<16xf32>
    %add3A_1106 = arith.addf %mul3A_1103, %mul3A_1105 : vector<16xf32>
    %mul3A_1107 = arith.constant 64 : i32
    %mul3A_1108 = vector.broadcast %mul3A_1107 : i32 to vector<16xi32>
    %mul3A_1109 = arith.muli %convert_element_type3A, %mul3A_1108 : vector<16xi32>
    %add3A_1110 = arith.addi %mul3A_30, %mul3A_1109 : vector<16xi32>
    %add3A_1111 = arith.constant 56 : i32
    %add3A_1112 = vector.broadcast %add3A_1111 : i32 to vector<16xi32>
    %add3A_1113 = arith.addi %add3A_1110, %add3A_1112 : vector<16xi32>
    tpu.vector_store_idx %arg5[%add3A_1113], %add3A_1106 : memref<65536xf32, #tpu.memory_space<vmem>>[vector<16xi32>], vector<16xf32>,
    %get3A_1114 = arith.constant 57 : i32
    %get3A_1115 = arith.index_cast %get3A_1114 : i32 to index
    %get3A_1116 = arith.constant 0 : index
    %get3A_1117 = tpu.vector_load %arg4[%get3A_1115, %get3A_1116] {strides = array<i32>} : memref<132x16xf32, #tpu.memory_space<vmem>>, vector<16xf32>,
    %get3A_1118 = arith.constant 121 : i32
    %get3A_1119 = arith.index_cast %get3A_1118 : i32 to index
    %get3A_1120 = arith.constant 0 : index
    %get3A_1121 = tpu.vector_load %arg4[%get3A_1119, %get3A_1120] {strides = array<i32>} : memref<132x16xf32, #tpu.memory_space<vmem>>, vector<16xf32>,
    %mul3A_1122 = arith.mulf %get3A_1117, %get3A_5 : vector<16xf32>
    %mul3A_1123 = arith.mulf %select_n3A, %get3A_1121 : vector<16xf32>
    %mul3A_1124 = arith.mulf %mul3A_1123, %get3A_9 : vector<16xf32>
    %add3A_1125 = arith.addf %mul3A_1122, %mul3A_1124 : vector<16xf32>
    %mul3A_1126 = arith.constant 64 : i32
    %mul3A_1127 = vector.broadcast %mul3A_1126 : i32 to vector<16xi32>
    %mul3A_1128 = arith.muli %convert_element_type3A, %mul3A_1127 : vector<16xi32>
    %add3A_1129 = arith.addi %mul3A_30, %mul3A_1128 : vector<16xi32>
    %add3A_1130 = arith.constant 57 : i32
    %add3A_1131 = vector.broadcast %add3A_1130 : i32 to vector<16xi32>
    %add3A_1132 = arith.addi %add3A_1129, %add3A_1131 : vector<16xi32>
    tpu.vector_store_idx %arg5[%add3A_1132], %add3A_1125 : memref<65536xf32, #tpu.memory_space<vmem>>[vector<16xi32>], vector<16xf32>,
    %get3A_1133 = arith.constant 58 : i32
    %get3A_1134 = arith.index_cast %get3A_1133 : i32 to index
    %get3A_1135 = arith.constant 0 : index
    %get3A_1136 = tpu.vector_load %arg4[%get3A_1134, %get3A_1135] {strides = array<i32>} : memref<132x16xf32, #tpu.memory_space<vmem>>, vector<16xf32>,
    %get3A_1137 = arith.constant 122 : i32
    %get3A_1138 = arith.index_cast %get3A_1137 : i32 to index
    %get3A_1139 = arith.constant 0 : index
    %get3A_1140 = tpu.vector_load %arg4[%get3A_1138, %get3A_1139] {strides = array<i32>} : memref<132x16xf32, #tpu.memory_space<vmem>>, vector<16xf32>,
    %mul3A_1141 = arith.mulf %get3A_1136, %get3A_5 : vector<16xf32>
    %mul3A_1142 = arith.mulf %select_n3A, %get3A_1140 : vector<16xf32>
    %mul3A_1143 = arith.mulf %mul3A_1142, %get3A_9 : vector<16xf32>
    %add3A_1144 = arith.addf %mul3A_1141, %mul3A_1143 : vector<16xf32>
    %mul3A_1145 = arith.constant 64 : i32
    %mul3A_1146 = vector.broadcast %mul3A_1145 : i32 to vector<16xi32>
    %mul3A_1147 = arith.muli %convert_element_type3A, %mul3A_1146 : vector<16xi32>
    %add3A_1148 = arith.addi %mul3A_30, %mul3A_1147 : vector<16xi32>
    %add3A_1149 = arith.constant 58 : i32
    %add3A_1150 = vector.broadcast %add3A_1149 : i32 to vector<16xi32>
    %add3A_1151 = arith.addi %add3A_1148, %add3A_1150 : vector<16xi32>
    tpu.vector_store_idx %arg5[%add3A_1151], %add3A_1144 : memref<65536xf32, #tpu.memory_space<vmem>>[vector<16xi32>], vector<16xf32>,
    %get3A_1152 = arith.constant 59 : i32
    %get3A_1153 = arith.index_cast %get3A_1152 : i32 to index
    %get3A_1154 = arith.constant 0 : index
    %get3A_1155 = tpu.vector_load %arg4[%get3A_1153, %get3A_1154] {strides = array<i32>} : memref<132x16xf32, #tpu.memory_space<vmem>>, vector<16xf32>,
    %get3A_1156 = arith.constant 123 : i32
    %get3A_1157 = arith.index_cast %get3A_1156 : i32 to index
    %get3A_1158 = arith.constant 0 : index
    %get3A_1159 = tpu.vector_load %arg4[%get3A_1157, %get3A_1158] {strides = array<i32>} : memref<132x16xf32, #tpu.memory_space<vmem>>, vector<16xf32>,
    %mul3A_1160 = arith.mulf %get3A_1155, %get3A_5 : vector<16xf32>
    %mul3A_1161 = arith.mulf %select_n3A, %get3A_1159 : vector<16xf32>
    %mul3A_1162 = arith.mulf %mul3A_1161, %get3A_9 : vector<16xf32>
    %add3A_1163 = arith.addf %mul3A_1160, %mul3A_1162 : vector<16xf32>
    %mul3A_1164 = arith.constant 64 : i32
    %mul3A_1165 = vector.broadcast %mul3A_1164 : i32 to vector<16xi32>
    %mul3A_1166 = arith.muli %convert_element_type3A, %mul3A_1165 : vector<16xi32>
    %add3A_1167 = arith.addi %mul3A_30, %mul3A_1166 : vector<16xi32>
    %add3A_1168 = arith.constant 59 : i32
    %add3A_1169 = vector.broadcast %add3A_1168 : i32 to vector<16xi32>
    %add3A_1170 = arith.addi %add3A_1167, %add3A_1169 : vector<16xi32>
    tpu.vector_store_idx %arg5[%add3A_1170], %add3A_1163 : memref<65536xf32, #tpu.memory_space<vmem>>[vector<16xi32>], vector<16xf32>,
    %get3A_1171 = arith.constant 60 : i32
    %get3A_1172 = arith.index_cast %get3A_1171 : i32 to index
    %get3A_1173 = arith.constant 0 : index
    %get3A_1174 = tpu.vector_load %arg4[%get3A_1172, %get3A_1173] {strides = array<i32>} : memref<132x16xf32, #tpu.memory_space<vmem>>, vector<16xf32>,
    %get3A_1175 = arith.constant 124 : i32
    %get3A_1176 = arith.index_cast %get3A_1175 : i32 to index
    %get3A_1177 = arith.constant 0 : index
    %get3A_1178 = tpu.vector_load %arg4[%get3A_1176, %get3A_1177] {strides = array<i32>} : memref<132x16xf32, #tpu.memory_space<vmem>>, vector<16xf32>,
    %mul3A_1179 = arith.mulf %get3A_1174, %get3A_5 : vector<16xf32>
    %mul3A_1180 = arith.mulf %select_n3A, %get3A_1178 : vector<16xf32>
    %mul3A_1181 = arith.mulf %mul3A_1180, %get3A_9 : vector<16xf32>
    %add3A_1182 = arith.addf %mul3A_1179, %mul3A_1181 : vector<16xf32>
    %mul3A_1183 = arith.constant 64 : i32
    %mul3A_1184 = vector.broadcast %mul3A_1183 : i32 to vector<16xi32>
    %mul3A_1185 = arith.muli %convert_element_type3A, %mul3A_1184 : vector<16xi32>
    %add3A_1186 = arith.addi %mul3A_30, %mul3A_1185 : vector<16xi32>
    %add3A_1187 = arith.constant 60 : i32
    %add3A_1188 = vector.broadcast %add3A_1187 : i32 to vector<16xi32>
    %add3A_1189 = arith.addi %add3A_1186, %add3A_1188 : vector<16xi32>
    tpu.vector_store_idx %arg5[%add3A_1189], %add3A_1182 : memref<65536xf32, #tpu.memory_space<vmem>>[vector<16xi32>], vector<16xf32>,
    %get3A_1190 = arith.constant 61 : i32
    %get3A_1191 = arith.index_cast %get3A_1190 : i32 to index
    %get3A_1192 = arith.constant 0 : index
    %get3A_1193 = tpu.vector_load %arg4[%get3A_1191, %get3A_1192] {strides = array<i32>} : memref<132x16xf32, #tpu.memory_space<vmem>>, vector<16xf32>,
    %get3A_1194 = arith.constant 125 : i32
    %get3A_1195 = arith.index_cast %get3A_1194 : i32 to index
    %get3A_1196 = arith.constant 0 : index
    %get3A_1197 = tpu.vector_load %arg4[%get3A_1195, %get3A_1196] {strides = array<i32>} : memref<132x16xf32, #tpu.memory_space<vmem>>, vector<16xf32>,
    %mul3A_1198 = arith.mulf %get3A_1193, %get3A_5 : vector<16xf32>
    %mul3A_1199 = arith.mulf %select_n3A, %get3A_1197 : vector<16xf32>
    %mul3A_1200 = arith.mulf %mul3A_1199, %get3A_9 : vector<16xf32>
    %add3A_1201 = arith.addf %mul3A_1198, %mul3A_1200 : vector<16xf32>
    %mul3A_1202 = arith.constant 64 : i32
    %mul3A_1203 = vector.broadcast %mul3A_1202 : i32 to vector<16xi32>
    %mul3A_1204 = arith.muli %convert_element_type3A, %mul3A_1203 : vector<16xi32>
    %add3A_1205 = arith.addi %mul3A_30, %mul3A_1204 : vector<16xi32>
    %add3A_1206 = arith.constant 61 : i32
    %add3A_1207 = vector.broadcast %add3A_1206 : i32 to vector<16xi32>
    %add3A_1208 = arith.addi %add3A_1205, %add3A_1207 : vector<16xi32>
    tpu.vector_store_idx %arg5[%add3A_1208], %add3A_1201 : memref<65536xf32, #tpu.memory_space<vmem>>[vector<16xi32>], vector<16xf32>,
    %get3A_1209 = arith.constant 62 : i32
    %get3A_1210 = arith.index_cast %get3A_1209 : i32 to index
    %get3A_1211 = arith.constant 0 : index
    %get3A_1212 = tpu.vector_load %arg4[%get3A_1210, %get3A_1211] {strides = array<i32>} : memref<132x16xf32, #tpu.memory_space<vmem>>, vector<16xf32>,
    %get3A_1213 = arith.constant 126 : i32
    %get3A_1214 = arith.index_cast %get3A_1213 : i32 to index
    %get3A_1215 = arith.constant 0 : index
    %get3A_1216 = tpu.vector_load %arg4[%get3A_1214, %get3A_1215] {strides = array<i32>} : memref<132x16xf32, #tpu.memory_space<vmem>>, vector<16xf32>,
    %mul3A_1217 = arith.mulf %get3A_1212, %get3A_5 : vector<16xf32>
    %mul3A_1218 = arith.mulf %select_n3A, %get3A_1216 : vector<16xf32>
    %mul3A_1219 = arith.mulf %mul3A_1218, %get3A_9 : vector<16xf32>
    %add3A_1220 = arith.addf %mul3A_1217, %mul3A_1219 : vector<16xf32>
    %mul3A_1221 = arith.constant 64 : i32
    %mul3A_1222 = vector.broadcast %mul3A_1221 : i32 to vector<16xi32>
    %mul3A_1223 = arith.muli %convert_element_type3A, %mul3A_1222 : vector<16xi32>
    %add3A_1224 = arith.addi %mul3A_30, %mul3A_1223 : vector<16xi32>
    %add3A_1225 = arith.constant 62 : i32
    %add3A_1226 = vector.broadcast %add3A_1225 : i32 to vector<16xi32>
    %add3A_1227 = arith.addi %add3A_1224, %add3A_1226 : vector<16xi32>
    tpu.vector_store_idx %arg5[%add3A_1227], %add3A_1220 : memref<65536xf32, #tpu.memory_space<vmem>>[vector<16xi32>], vector<16xf32>,
    %get3A_1228 = arith.constant 63 : i32
    %get3A_1229 = arith.index_cast %get3A_1228 : i32 to index
    %get3A_1230 = arith.constant 0 : index
    %get3A_1231 = tpu.vector_load %arg4[%get3A_1229, %get3A_1230] {strides = array<i32>} : memref<132x16xf32, #tpu.memory_space<vmem>>, vector<16xf32>,
    %get3A_1232 = arith.constant 127 : i32
    %get3A_1233 = arith.index_cast %get3A_1232 : i32 to index
    %get3A_1234 = arith.constant 0 : index
    %get3A_1235 = tpu.vector_load %arg4[%get3A_1233, %get3A_1234] {strides = array<i32>} : memref<132x16xf32, #tpu.memory_space<vmem>>, vector<16xf32>,
    %mul3A_1236 = arith.mulf %get3A_1231, %get3A_5 : vector<16xf32>
    %mul3A_1237 = arith.mulf %select_n3A, %get3A_1235 : vector<16xf32>
    %mul3A_1238 = arith.mulf %mul3A_1237, %get3A_9 : vector<16xf32>
    %add3A_1239 = arith.addf %mul3A_1236, %mul3A_1238 : vector<16xf32>
    %mul3A_1240 = arith.constant 64 : i32
    %mul3A_1241 = vector.broadcast %mul3A_1240 : i32 to vector<16xi32>
    %mul3A_1242 = arith.muli %convert_element_type3A, %mul3A_1241 : vector<16xi32>
    %add3A_1243 = arith.addi %mul3A_30, %mul3A_1242 : vector<16xi32>
    %add3A_1244 = arith.constant 63 : i32
    %add3A_1245 = vector.broadcast %add3A_1244 : i32 to vector<16xi32>
    %add3A_1246 = arith.addi %add3A_1243, %add3A_1245 : vector<16xi32>
    tpu.vector_store_idx %arg5[%add3A_1246], %add3A_1239 : memref<65536xf32, #tpu.memory_space<vmem>>[vector<16xi32>], vector<16xf32>,
    %get3A_1247 = arith.constant 64 : i32
    %get3A_1248 = arith.index_cast %get3A_1247 : i32 to index
    %get3A_1249 = arith.constant 0 : index
    %get3A_1250 = tpu.vector_load %arg4[%get3A_1248, %get3A_1249] {strides = array<i32>} : memref<132x16xf32, #tpu.memory_space<vmem>>, vector<16xf32>,
    %get3A_1251 = arith.constant 0 : i32
    %get3A_1252 = arith.index_cast %get3A_1251 : i32 to index
    %get3A_1253 = arith.constant 0 : index
    %get3A_1254 = tpu.vector_load %arg4[%get3A_1252, %get3A_1253] {strides = array<i32>} : memref<132x16xf32, #tpu.memory_space<vmem>>, vector<16xf32>,
    %mul3A_1255 = arith.mulf %get3A_1250, %get3A_9 : vector<16xf32>
    %mul3A_1256 = arith.mulf %select_n3A, %get3A_1254 : vector<16xf32>
    %mul3A_1257 = arith.mulf %mul3A_1256, %get3A_5 : vector<16xf32>
    %add3A_1258 = arith.addf %mul3A_1255, %mul3A_1257 : vector<16xf32>
    %mul3A_1259 = arith.constant 64 : i32
    %mul3A_1260 = vector.broadcast %mul3A_1259 : i32 to vector<16xi32>
    %mul3A_1261 = arith.muli %convert_element_type3A_18, %mul3A_1260 : vector<16xi32>
    %add3A_1262 = arith.addi %mul3A_30, %mul3A_1261 : vector<16xi32>
    %add3A_1263 = arith.constant 0 : i32
    %add3A_1264 = vector.broadcast %add3A_1263 : i32 to vector<16xi32>
    %add3A_1265 = arith.addi %add3A_1262, %add3A_1264 : vector<16xi32>
    tpu.vector_store_idx %arg5[%add3A_1265], %add3A_1258 : memref<65536xf32, #tpu.memory_space<vmem>>[vector<16xi32>], vector<16xf32>,
    %get3A_1266 = arith.constant 65 : i32
    %get3A_1267 = arith.index_cast %get3A_1266 : i32 to index
    %get3A_1268 = arith.constant 0 : index
    %get3A_1269 = tpu.vector_load %arg4[%get3A_1267, %get3A_1268] {strides = array<i32>} : memref<132x16xf32, #tpu.memory_space<vmem>>, vector<16xf32>,
    %get3A_1270 = arith.constant 1 : i32
    %get3A_1271 = arith.index_cast %get3A_1270 : i32 to index
    %get3A_1272 = arith.constant 0 : index
    %get3A_1273 = tpu.vector_load %arg4[%get3A_1271, %get3A_1272] {strides = array<i32>} : memref<132x16xf32, #tpu.memory_space<vmem>>, vector<16xf32>,
    %mul3A_1274 = arith.mulf %get3A_1269, %get3A_9 : vector<16xf32>
    %mul3A_1275 = arith.mulf %select_n3A, %get3A_1273 : vector<16xf32>
    %mul3A_1276 = arith.mulf %mul3A_1275, %get3A_5 : vector<16xf32>
    %add3A_1277 = arith.addf %mul3A_1274, %mul3A_1276 : vector<16xf32>
    %mul3A_1278 = arith.constant 64 : i32
    %mul3A_1279 = vector.broadcast %mul3A_1278 : i32 to vector<16xi32>
    %mul3A_1280 = arith.muli %convert_element_type3A_18, %mul3A_1279 : vector<16xi32>
    %add3A_1281 = arith.addi %mul3A_30, %mul3A_1280 : vector<16xi32>
    %add3A_1282 = arith.constant 1 : i32
    %add3A_1283 = vector.broadcast %add3A_1282 : i32 to vector<16xi32>
    %add3A_1284 = arith.addi %add3A_1281, %add3A_1283 : vector<16xi32>
    tpu.vector_store_idx %arg5[%add3A_1284], %add3A_1277 : memref<65536xf32, #tpu.memory_space<vmem>>[vector<16xi32>], vector<16xf32>,
    %get3A_1285 = arith.constant 66 : i32
    %get3A_1286 = arith.index_cast %get3A_1285 : i32 to index
    %get3A_1287 = arith.constant 0 : index
    %get3A_1288 = tpu.vector_load %arg4[%get3A_1286, %get3A_1287] {strides = array<i32>} : memref<132x16xf32, #tpu.memory_space<vmem>>, vector<16xf32>,
    %get3A_1289 = arith.constant 2 : i32
    %get3A_1290 = arith.index_cast %get3A_1289 : i32 to index
    %get3A_1291 = arith.constant 0 : index
    %get3A_1292 = tpu.vector_load %arg4[%get3A_1290, %get3A_1291] {strides = array<i32>} : memref<132x16xf32, #tpu.memory_space<vmem>>, vector<16xf32>,
    %mul3A_1293 = arith.mulf %get3A_1288, %get3A_9 : vector<16xf32>
    %mul3A_1294 = arith.mulf %select_n3A, %get3A_1292 : vector<16xf32>
    %mul3A_1295 = arith.mulf %mul3A_1294, %get3A_5 : vector<16xf32>
    %add3A_1296 = arith.addf %mul3A_1293, %mul3A_1295 : vector<16xf32>
    %mul3A_1297 = arith.constant 64 : i32
    %mul3A_1298 = vector.broadcast %mul3A_1297 : i32 to vector<16xi32>
    %mul3A_1299 = arith.muli %convert_element_type3A_18, %mul3A_1298 : vector<16xi32>
    %add3A_1300 = arith.addi %mul3A_30, %mul3A_1299 : vector<16xi32>
    %add3A_1301 = arith.constant 2 : i32
    %add3A_1302 = vector.broadcast %add3A_1301 : i32 to vector<16xi32>
    %add3A_1303 = arith.addi %add3A_1300, %add3A_1302 : vector<16xi32>
    tpu.vector_store_idx %arg5[%add3A_1303], %add3A_1296 : memref<65536xf32, #tpu.memory_space<vmem>>[vector<16xi32>], vector<16xf32>,
    %get3A_1304 = arith.constant 67 : i32
    %get3A_1305 = arith.index_cast %get3A_1304 : i32 to index
    %get3A_1306 = arith.constant 0 : index
    %get3A_1307 = tpu.vector_load %arg4[%get3A_1305, %get3A_1306] {strides = array<i32>} : memref<132x16xf32, #tpu.memory_space<vmem>>, vector<16xf32>,
    %get3A_1308 = arith.constant 3 : i32
    %get3A_1309 = arith.index_cast %get3A_1308 : i32 to index
    %get3A_1310 = arith.constant 0 : index
    %get3A_1311 = tpu.vector_load %arg4[%get3A_1309, %get3A_1310] {strides = array<i32>} : memref<132x16xf32, #tpu.memory_space<vmem>>, vector<16xf32>,
    %mul3A_1312 = arith.mulf %get3A_1307, %get3A_9 : vector<16xf32>
    %mul3A_1313 = arith.mulf %select_n3A, %get3A_1311 : vector<16xf32>
    %mul3A_1314 = arith.mulf %mul3A_1313, %get3A_5 : vector<16xf32>
    %add3A_1315 = arith.addf %mul3A_1312, %mul3A_1314 : vector<16xf32>
    %mul3A_1316 = arith.constant 64 : i32
    %mul3A_1317 = vector.broadcast %mul3A_1316 : i32 to vector<16xi32>
    %mul3A_1318 = arith.muli %convert_element_type3A_18, %mul3A_1317 : vector<16xi32>
    %add3A_1319 = arith.addi %mul3A_30, %mul3A_1318 : vector<16xi32>
    %add3A_1320 = arith.constant 3 : i32
    %add3A_1321 = vector.broadcast %add3A_1320 : i32 to vector<16xi32>
    %add3A_1322 = arith.addi %add3A_1319, %add3A_1321 : vector<16xi32>
    tpu.vector_store_idx %arg5[%add3A_1322], %add3A_1315 : memref<65536xf32, #tpu.memory_space<vmem>>[vector<16xi32>], vector<16xf32>,
    %get3A_1323 = arith.constant 68 : i32
    %get3A_1324 = arith.index_cast %get3A_1323 : i32 to index
    %get3A_1325 = arith.constant 0 : index
    %get3A_1326 = tpu.vector_load %arg4[%get3A_1324, %get3A_1325] {strides = array<i32>} : memref<132x16xf32, #tpu.memory_space<vmem>>, vector<16xf32>,
    %get3A_1327 = arith.constant 4 : i32
    %get3A_1328 = arith.index_cast %get3A_1327 : i32 to index
    %get3A_1329 = arith.constant 0 : index
    %get3A_1330 = tpu.vector_load %arg4[%get3A_1328, %get3A_1329] {strides = array<i32>} : memref<132x16xf32, #tpu.memory_space<vmem>>, vector<16xf32>,
    %mul3A_1331 = arith.mulf %get3A_1326, %get3A_9 : vector<16xf32>
    %mul3A_1332 = arith.mulf %select_n3A, %get3A_1330 : vector<16xf32>
    %mul3A_1333 = arith.mulf %mul3A_1332, %get3A_5 : vector<16xf32>
    %add3A_1334 = arith.addf %mul3A_1331, %mul3A_1333 : vector<16xf32>
    %mul3A_1335 = arith.constant 64 : i32
    %mul3A_1336 = vector.broadcast %mul3A_1335 : i32 to vector<16xi32>
    %mul3A_1337 = arith.muli %convert_element_type3A_18, %mul3A_1336 : vector<16xi32>
    %add3A_1338 = arith.addi %mul3A_30, %mul3A_1337 : vector<16xi32>
    %add3A_1339 = arith.constant 4 : i32
    %add3A_1340 = vector.broadcast %add3A_1339 : i32 to vector<16xi32>
    %add3A_1341 = arith.addi %add3A_1338, %add3A_1340 : vector<16xi32>
    tpu.vector_store_idx %arg5[%add3A_1341], %add3A_1334 : memref<65536xf32, #tpu.memory_space<vmem>>[vector<16xi32>], vector<16xf32>,
    %get3A_1342 = arith.constant 69 : i32
    %get3A_1343 = arith.index_cast %get3A_1342 : i32 to index
    %get3A_1344 = arith.constant 0 : index
    %get3A_1345 = tpu.vector_load %arg4[%get3A_1343, %get3A_1344] {strides = array<i32>} : memref<132x16xf32, #tpu.memory_space<vmem>>, vector<16xf32>,
    %get3A_1346 = arith.constant 5 : i32
    %get3A_1347 = arith.index_cast %get3A_1346 : i32 to index
    %get3A_1348 = arith.constant 0 : index
    %get3A_1349 = tpu.vector_load %arg4[%get3A_1347, %get3A_1348] {strides = array<i32>} : memref<132x16xf32, #tpu.memory_space<vmem>>, vector<16xf32>,
    %mul3A_1350 = arith.mulf %get3A_1345, %get3A_9 : vector<16xf32>
    %mul3A_1351 = arith.mulf %select_n3A, %get3A_1349 : vector<16xf32>
    %mul3A_1352 = arith.mulf %mul3A_1351, %get3A_5 : vector<16xf32>
    %add3A_1353 = arith.addf %mul3A_1350, %mul3A_1352 : vector<16xf32>
    %mul3A_1354 = arith.constant 64 : i32
    %mul3A_1355 = vector.broadcast %mul3A_1354 : i32 to vector<16xi32>
    %mul3A_1356 = arith.muli %convert_element_type3A_18, %mul3A_1355 : vector<16xi32>
    %add3A_1357 = arith.addi %mul3A_30, %mul3A_1356 : vector<16xi32>
    %add3A_1358 = arith.constant 5 : i32
    %add3A_1359 = vector.broadcast %add3A_1358 : i32 to vector<16xi32>
    %add3A_1360 = arith.addi %add3A_1357, %add3A_1359 : vector<16xi32>
    tpu.vector_store_idx %arg5[%add3A_1360], %add3A_1353 : memref<65536xf32, #tpu.memory_space<vmem>>[vector<16xi32>], vector<16xf32>,
    %get3A_1361 = arith.constant 70 : i32
    %get3A_1362 = arith.index_cast %get3A_1361 : i32 to index
    %get3A_1363 = arith.constant 0 : index
    %get3A_1364 = tpu.vector_load %arg4[%get3A_1362, %get3A_1363] {strides = array<i32>} : memref<132x16xf32, #tpu.memory_space<vmem>>, vector<16xf32>,
    %get3A_1365 = arith.constant 6 : i32
    %get3A_1366 = arith.index_cast %get3A_1365 : i32 to index
    %get3A_1367 = arith.constant 0 : index
    %get3A_1368 = tpu.vector_load %arg4[%get3A_1366, %get3A_1367] {strides = array<i32>} : memref<132x16xf32, #tpu.memory_space<vmem>>, vector<16xf32>,
    %mul3A_1369 = arith.mulf %get3A_1364, %get3A_9 : vector<16xf32>
    %mul3A_1370 = arith.mulf %select_n3A, %get3A_1368 : vector<16xf32>
    %mul3A_1371 = arith.mulf %mul3A_1370, %get3A_5 : vector<16xf32>
    %add3A_1372 = arith.addf %mul3A_1369, %mul3A_1371 : vector<16xf32>
    %mul3A_1373 = arith.constant 64 : i32
    %mul3A_1374 = vector.broadcast %mul3A_1373 : i32 to vector<16xi32>
    %mul3A_1375 = arith.muli %convert_element_type3A_18, %mul3A_1374 : vector<16xi32>
    %add3A_1376 = arith.addi %mul3A_30, %mul3A_1375 : vector<16xi32>
    %add3A_1377 = arith.constant 6 : i32
    %add3A_1378 = vector.broadcast %add3A_1377 : i32 to vector<16xi32>
    %add3A_1379 = arith.addi %add3A_1376, %add3A_1378 : vector<16xi32>
    tpu.vector_store_idx %arg5[%add3A_1379], %add3A_1372 : memref<65536xf32, #tpu.memory_space<vmem>>[vector<16xi32>], vector<16xf32>,
    %get3A_1380 = arith.constant 71 : i32
    %get3A_1381 = arith.index_cast %get3A_1380 : i32 to index
    %get3A_1382 = arith.constant 0 : index
    %get3A_1383 = tpu.vector_load %arg4[%get3A_1381, %get3A_1382] {strides = array<i32>} : memref<132x16xf32, #tpu.memory_space<vmem>>, vector<16xf32>,
    %get3A_1384 = arith.constant 7 : i32
    %get3A_1385 = arith.index_cast %get3A_1384 : i32 to index
    %get3A_1386 = arith.constant 0 : index
    %get3A_1387 = tpu.vector_load %arg4[%get3A_1385, %get3A_1386] {strides = array<i32>} : memref<132x16xf32, #tpu.memory_space<vmem>>, vector<16xf32>,
    %mul3A_1388 = arith.mulf %get3A_1383, %get3A_9 : vector<16xf32>
    %mul3A_1389 = arith.mulf %select_n3A, %get3A_1387 : vector<16xf32>
    %mul3A_1390 = arith.mulf %mul3A_1389, %get3A_5 : vector<16xf32>
    %add3A_1391 = arith.addf %mul3A_1388, %mul3A_1390 : vector<16xf32>
    %mul3A_1392 = arith.constant 64 : i32
    %mul3A_1393 = vector.broadcast %mul3A_1392 : i32 to vector<16xi32>
    %mul3A_1394 = arith.muli %convert_element_type3A_18, %mul3A_1393 : vector<16xi32>
    %add3A_1395 = arith.addi %mul3A_30, %mul3A_1394 : vector<16xi32>
    %add3A_1396 = arith.constant 7 : i32
    %add3A_1397 = vector.broadcast %add3A_1396 : i32 to vector<16xi32>
    %add3A_1398 = arith.addi %add3A_1395, %add3A_1397 : vector<16xi32>
    tpu.vector_store_idx %arg5[%add3A_1398], %add3A_1391 : memref<65536xf32, #tpu.memory_space<vmem>>[vector<16xi32>], vector<16xf32>,
    %get3A_1399 = arith.constant 72 : i32
    %get3A_1400 = arith.index_cast %get3A_1399 : i32 to index
    %get3A_1401 = arith.constant 0 : index
    %get3A_1402 = tpu.vector_load %arg4[%get3A_1400, %get3A_1401] {strides = array<i32>} : memref<132x16xf32, #tpu.memory_space<vmem>>, vector<16xf32>,
    %get3A_1403 = arith.constant 8 : i32
    %get3A_1404 = arith.index_cast %get3A_1403 : i32 to index
    %get3A_1405 = arith.constant 0 : index
    %get3A_1406 = tpu.vector_load %arg4[%get3A_1404, %get3A_1405] {strides = array<i32>} : memref<132x16xf32, #tpu.memory_space<vmem>>, vector<16xf32>,
    %mul3A_1407 = arith.mulf %get3A_1402, %get3A_9 : vector<16xf32>
    %mul3A_1408 = arith.mulf %select_n3A, %get3A_1406 : vector<16xf32>
    %mul3A_1409 = arith.mulf %mul3A_1408, %get3A_5 : vector<16xf32>
    %add3A_1410 = arith.addf %mul3A_1407, %mul3A_1409 : vector<16xf32>
    %mul3A_1411 = arith.constant 64 : i32
    %mul3A_1412 = vector.broadcast %mul3A_1411 : i32 to vector<16xi32>
    %mul3A_1413 = arith.muli %convert_element_type3A_18, %mul3A_1412 : vector<16xi32>
    %add3A_1414 = arith.addi %mul3A_30, %mul3A_1413 : vector<16xi32>
    %add3A_1415 = arith.constant 8 : i32
    %add3A_1416 = vector.broadcast %add3A_1415 : i32 to vector<16xi32>
    %add3A_1417 = arith.addi %add3A_1414, %add3A_1416 : vector<16xi32>
    tpu.vector_store_idx %arg5[%add3A_1417], %add3A_1410 : memref<65536xf32, #tpu.memory_space<vmem>>[vector<16xi32>], vector<16xf32>,
    %get3A_1418 = arith.constant 73 : i32
    %get3A_1419 = arith.index_cast %get3A_1418 : i32 to index
    %get3A_1420 = arith.constant 0 : index
    %get3A_1421 = tpu.vector_load %arg4[%get3A_1419, %get3A_1420] {strides = array<i32>} : memref<132x16xf32, #tpu.memory_space<vmem>>, vector<16xf32>,
    %get3A_1422 = arith.constant 9 : i32
    %get3A_1423 = arith.index_cast %get3A_1422 : i32 to index
    %get3A_1424 = arith.constant 0 : index
    %get3A_1425 = tpu.vector_load %arg4[%get3A_1423, %get3A_1424] {strides = array<i32>} : memref<132x16xf32, #tpu.memory_space<vmem>>, vector<16xf32>,
    %mul3A_1426 = arith.mulf %get3A_1421, %get3A_9 : vector<16xf32>
    %mul3A_1427 = arith.mulf %select_n3A, %get3A_1425 : vector<16xf32>
    %mul3A_1428 = arith.mulf %mul3A_1427, %get3A_5 : vector<16xf32>
    %add3A_1429 = arith.addf %mul3A_1426, %mul3A_1428 : vector<16xf32>
    %mul3A_1430 = arith.constant 64 : i32
    %mul3A_1431 = vector.broadcast %mul3A_1430 : i32 to vector<16xi32>
    %mul3A_1432 = arith.muli %convert_element_type3A_18, %mul3A_1431 : vector<16xi32>
    %add3A_1433 = arith.addi %mul3A_30, %mul3A_1432 : vector<16xi32>
    %add3A_1434 = arith.constant 9 : i32
    %add3A_1435 = vector.broadcast %add3A_1434 : i32 to vector<16xi32>
    %add3A_1436 = arith.addi %add3A_1433, %add3A_1435 : vector<16xi32>
    tpu.vector_store_idx %arg5[%add3A_1436], %add3A_1429 : memref<65536xf32, #tpu.memory_space<vmem>>[vector<16xi32>], vector<16xf32>,
    %get3A_1437 = arith.constant 74 : i32
    %get3A_1438 = arith.index_cast %get3A_1437 : i32 to index
    %get3A_1439 = arith.constant 0 : index
    %get3A_1440 = tpu.vector_load %arg4[%get3A_1438, %get3A_1439] {strides = array<i32>} : memref<132x16xf32, #tpu.memory_space<vmem>>, vector<16xf32>,
    %get3A_1441 = arith.constant 10 : i32
    %get3A_1442 = arith.index_cast %get3A_1441 : i32 to index
    %get3A_1443 = arith.constant 0 : index
    %get3A_1444 = tpu.vector_load %arg4[%get3A_1442, %get3A_1443] {strides = array<i32>} : memref<132x16xf32, #tpu.memory_space<vmem>>, vector<16xf32>,
    %mul3A_1445 = arith.mulf %get3A_1440, %get3A_9 : vector<16xf32>
    %mul3A_1446 = arith.mulf %select_n3A, %get3A_1444 : vector<16xf32>
    %mul3A_1447 = arith.mulf %mul3A_1446, %get3A_5 : vector<16xf32>
    %add3A_1448 = arith.addf %mul3A_1445, %mul3A_1447 : vector<16xf32>
    %mul3A_1449 = arith.constant 64 : i32
    %mul3A_1450 = vector.broadcast %mul3A_1449 : i32 to vector<16xi32>
    %mul3A_1451 = arith.muli %convert_element_type3A_18, %mul3A_1450 : vector<16xi32>
    %add3A_1452 = arith.addi %mul3A_30, %mul3A_1451 : vector<16xi32>
    %add3A_1453 = arith.constant 10 : i32
    %add3A_1454 = vector.broadcast %add3A_1453 : i32 to vector<16xi32>
    %add3A_1455 = arith.addi %add3A_1452, %add3A_1454 : vector<16xi32>
    tpu.vector_store_idx %arg5[%add3A_1455], %add3A_1448 : memref<65536xf32, #tpu.memory_space<vmem>>[vector<16xi32>], vector<16xf32>,
    %get3A_1456 = arith.constant 75 : i32
    %get3A_1457 = arith.index_cast %get3A_1456 : i32 to index
    %get3A_1458 = arith.constant 0 : index
    %get3A_1459 = tpu.vector_load %arg4[%get3A_1457, %get3A_1458] {strides = array<i32>} : memref<132x16xf32, #tpu.memory_space<vmem>>, vector<16xf32>,
    %get3A_1460 = arith.constant 11 : i32
    %get3A_1461 = arith.index_cast %get3A_1460 : i32 to index
    %get3A_1462 = arith.constant 0 : index
    %get3A_1463 = tpu.vector_load %arg4[%get3A_1461, %get3A_1462] {strides = array<i32>} : memref<132x16xf32, #tpu.memory_space<vmem>>, vector<16xf32>,
    %mul3A_1464 = arith.mulf %get3A_1459, %get3A_9 : vector<16xf32>
    %mul3A_1465 = arith.mulf %select_n3A, %get3A_1463 : vector<16xf32>
    %mul3A_1466 = arith.mulf %mul3A_1465, %get3A_5 : vector<16xf32>
    %add3A_1467 = arith.addf %mul3A_1464, %mul3A_1466 : vector<16xf32>
    %mul3A_1468 = arith.constant 64 : i32
    %mul3A_1469 = vector.broadcast %mul3A_1468 : i32 to vector<16xi32>
    %mul3A_1470 = arith.muli %convert_element_type3A_18, %mul3A_1469 : vector<16xi32>
    %add3A_1471 = arith.addi %mul3A_30, %mul3A_1470 : vector<16xi32>
    %add3A_1472 = arith.constant 11 : i32
    %add3A_1473 = vector.broadcast %add3A_1472 : i32 to vector<16xi32>
    %add3A_1474 = arith.addi %add3A_1471, %add3A_1473 : vector<16xi32>
    tpu.vector_store_idx %arg5[%add3A_1474], %add3A_1467 : memref<65536xf32, #tpu.memory_space<vmem>>[vector<16xi32>], vector<16xf32>,
    %get3A_1475 = arith.constant 76 : i32
    %get3A_1476 = arith.index_cast %get3A_1475 : i32 to index
    %get3A_1477 = arith.constant 0 : index
    %get3A_1478 = tpu.vector_load %arg4[%get3A_1476, %get3A_1477] {strides = array<i32>} : memref<132x16xf32, #tpu.memory_space<vmem>>, vector<16xf32>,
    %get3A_1479 = arith.constant 12 : i32
    %get3A_1480 = arith.index_cast %get3A_1479 : i32 to index
    %get3A_1481 = arith.constant 0 : index
    %get3A_1482 = tpu.vector_load %arg4[%get3A_1480, %get3A_1481] {strides = array<i32>} : memref<132x16xf32, #tpu.memory_space<vmem>>, vector<16xf32>,
    %mul3A_1483 = arith.mulf %get3A_1478, %get3A_9 : vector<16xf32>
    %mul3A_1484 = arith.mulf %select_n3A, %get3A_1482 : vector<16xf32>
    %mul3A_1485 = arith.mulf %mul3A_1484, %get3A_5 : vector<16xf32>
    %add3A_1486 = arith.addf %mul3A_1483, %mul3A_1485 : vector<16xf32>
    %mul3A_1487 = arith.constant 64 : i32
    %mul3A_1488 = vector.broadcast %mul3A_1487 : i32 to vector<16xi32>
    %mul3A_1489 = arith.muli %convert_element_type3A_18, %mul3A_1488 : vector<16xi32>
    %add3A_1490 = arith.addi %mul3A_30, %mul3A_1489 : vector<16xi32>
    %add3A_1491 = arith.constant 12 : i32
    %add3A_1492 = vector.broadcast %add3A_1491 : i32 to vector<16xi32>
    %add3A_1493 = arith.addi %add3A_1490, %add3A_1492 : vector<16xi32>
    tpu.vector_store_idx %arg5[%add3A_1493], %add3A_1486 : memref<65536xf32, #tpu.memory_space<vmem>>[vector<16xi32>], vector<16xf32>,
    %get3A_1494 = arith.constant 77 : i32
    %get3A_1495 = arith.index_cast %get3A_1494 : i32 to index
    %get3A_1496 = arith.constant 0 : index
    %get3A_1497 = tpu.vector_load %arg4[%get3A_1495, %get3A_1496] {strides = array<i32>} : memref<132x16xf32, #tpu.memory_space<vmem>>, vector<16xf32>,
    %get3A_1498 = arith.constant 13 : i32
    %get3A_1499 = arith.index_cast %get3A_1498 : i32 to index
    %get3A_1500 = arith.constant 0 : index
    %get3A_1501 = tpu.vector_load %arg4[%get3A_1499, %get3A_1500] {strides = array<i32>} : memref<132x16xf32, #tpu.memory_space<vmem>>, vector<16xf32>,
    %mul3A_1502 = arith.mulf %get3A_1497, %get3A_9 : vector<16xf32>
    %mul3A_1503 = arith.mulf %select_n3A, %get3A_1501 : vector<16xf32>
    %mul3A_1504 = arith.mulf %mul3A_1503, %get3A_5 : vector<16xf32>
    %add3A_1505 = arith.addf %mul3A_1502, %mul3A_1504 : vector<16xf32>
    %mul3A_1506 = arith.constant 64 : i32
    %mul3A_1507 = vector.broadcast %mul3A_1506 : i32 to vector<16xi32>
    %mul3A_1508 = arith.muli %convert_element_type3A_18, %mul3A_1507 : vector<16xi32>
    %add3A_1509 = arith.addi %mul3A_30, %mul3A_1508 : vector<16xi32>
    %add3A_1510 = arith.constant 13 : i32
    %add3A_1511 = vector.broadcast %add3A_1510 : i32 to vector<16xi32>
    %add3A_1512 = arith.addi %add3A_1509, %add3A_1511 : vector<16xi32>
    tpu.vector_store_idx %arg5[%add3A_1512], %add3A_1505 : memref<65536xf32, #tpu.memory_space<vmem>>[vector<16xi32>], vector<16xf32>,
    %get3A_1513 = arith.constant 78 : i32
    %get3A_1514 = arith.index_cast %get3A_1513 : i32 to index
    %get3A_1515 = arith.constant 0 : index
    %get3A_1516 = tpu.vector_load %arg4[%get3A_1514, %get3A_1515] {strides = array<i32>} : memref<132x16xf32, #tpu.memory_space<vmem>>, vector<16xf32>,
    %get3A_1517 = arith.constant 14 : i32
    %get3A_1518 = arith.index_cast %get3A_1517 : i32 to index
    %get3A_1519 = arith.constant 0 : index
    %get3A_1520 = tpu.vector_load %arg4[%get3A_1518, %get3A_1519] {strides = array<i32>} : memref<132x16xf32, #tpu.memory_space<vmem>>, vector<16xf32>,
    %mul3A_1521 = arith.mulf %get3A_1516, %get3A_9 : vector<16xf32>
    %mul3A_1522 = arith.mulf %select_n3A, %get3A_1520 : vector<16xf32>
    %mul3A_1523 = arith.mulf %mul3A_1522, %get3A_5 : vector<16xf32>
    %add3A_1524 = arith.addf %mul3A_1521, %mul3A_1523 : vector<16xf32>
    %mul3A_1525 = arith.constant 64 : i32
    %mul3A_1526 = vector.broadcast %mul3A_1525 : i32 to vector<16xi32>
    %mul3A_1527 = arith.muli %convert_element_type3A_18, %mul3A_1526 : vector<16xi32>
    %add3A_1528 = arith.addi %mul3A_30, %mul3A_1527 : vector<16xi32>
    %add3A_1529 = arith.constant 14 : i32
    %add3A_1530 = vector.broadcast %add3A_1529 : i32 to vector<16xi32>
    %add3A_1531 = arith.addi %add3A_1528, %add3A_1530 : vector<16xi32>
    tpu.vector_store_idx %arg5[%add3A_1531], %add3A_1524 : memref<65536xf32, #tpu.memory_space<vmem>>[vector<16xi32>], vector<16xf32>,
    %get3A_1532 = arith.constant 79 : i32
    %get3A_1533 = arith.index_cast %get3A_1532 : i32 to index
    %get3A_1534 = arith.constant 0 : index
    %get3A_1535 = tpu.vector_load %arg4[%get3A_1533, %get3A_1534] {strides = array<i32>} : memref<132x16xf32, #tpu.memory_space<vmem>>, vector<16xf32>,
    %get3A_1536 = arith.constant 15 : i32
    %get3A_1537 = arith.index_cast %get3A_1536 : i32 to index
    %get3A_1538 = arith.constant 0 : index
    %get3A_1539 = tpu.vector_load %arg4[%get3A_1537, %get3A_1538] {strides = array<i32>} : memref<132x16xf32, #tpu.memory_space<vmem>>, vector<16xf32>,
    %mul3A_1540 = arith.mulf %get3A_1535, %get3A_9 : vector<16xf32>
    %mul3A_1541 = arith.mulf %select_n3A, %get3A_1539 : vector<16xf32>
    %mul3A_1542 = arith.mulf %mul3A_1541, %get3A_5 : vector<16xf32>
    %add3A_1543 = arith.addf %mul3A_1540, %mul3A_1542 : vector<16xf32>
    %mul3A_1544 = arith.constant 64 : i32
    %mul3A_1545 = vector.broadcast %mul3A_1544 : i32 to vector<16xi32>
    %mul3A_1546 = arith.muli %convert_element_type3A_18, %mul3A_1545 : vector<16xi32>
    %add3A_1547 = arith.addi %mul3A_30, %mul3A_1546 : vector<16xi32>
    %add3A_1548 = arith.constant 15 : i32
    %add3A_1549 = vector.broadcast %add3A_1548 : i32 to vector<16xi32>
    %add3A_1550 = arith.addi %add3A_1547, %add3A_1549 : vector<16xi32>
    tpu.vector_store_idx %arg5[%add3A_1550], %add3A_1543 : memref<65536xf32, #tpu.memory_space<vmem>>[vector<16xi32>], vector<16xf32>,
    %get3A_1551 = arith.constant 80 : i32
    %get3A_1552 = arith.index_cast %get3A_1551 : i32 to index
    %get3A_1553 = arith.constant 0 : index
    %get3A_1554 = tpu.vector_load %arg4[%get3A_1552, %get3A_1553] {strides = array<i32>} : memref<132x16xf32, #tpu.memory_space<vmem>>, vector<16xf32>,
    %get3A_1555 = arith.constant 16 : i32
    %get3A_1556 = arith.index_cast %get3A_1555 : i32 to index
    %get3A_1557 = arith.constant 0 : index
    %get3A_1558 = tpu.vector_load %arg4[%get3A_1556, %get3A_1557] {strides = array<i32>} : memref<132x16xf32, #tpu.memory_space<vmem>>, vector<16xf32>,
    %mul3A_1559 = arith.mulf %get3A_1554, %get3A_9 : vector<16xf32>
    %mul3A_1560 = arith.mulf %select_n3A, %get3A_1558 : vector<16xf32>
    %mul3A_1561 = arith.mulf %mul3A_1560, %get3A_5 : vector<16xf32>
    %add3A_1562 = arith.addf %mul3A_1559, %mul3A_1561 : vector<16xf32>
    %mul3A_1563 = arith.constant 64 : i32
    %mul3A_1564 = vector.broadcast %mul3A_1563 : i32 to vector<16xi32>
    %mul3A_1565 = arith.muli %convert_element_type3A_18, %mul3A_1564 : vector<16xi32>
    %add3A_1566 = arith.addi %mul3A_30, %mul3A_1565 : vector<16xi32>
    %add3A_1567 = arith.constant 16 : i32
    %add3A_1568 = vector.broadcast %add3A_1567 : i32 to vector<16xi32>
    %add3A_1569 = arith.addi %add3A_1566, %add3A_1568 : vector<16xi32>
    tpu.vector_store_idx %arg5[%add3A_1569], %add3A_1562 : memref<65536xf32, #tpu.memory_space<vmem>>[vector<16xi32>], vector<16xf32>,
    %get3A_1570 = arith.constant 81 : i32
    %get3A_1571 = arith.index_cast %get3A_1570 : i32 to index
    %get3A_1572 = arith.constant 0 : index
    %get3A_1573 = tpu.vector_load %arg4[%get3A_1571, %get3A_1572] {strides = array<i32>} : memref<132x16xf32, #tpu.memory_space<vmem>>, vector<16xf32>,
    %get3A_1574 = arith.constant 17 : i32
    %get3A_1575 = arith.index_cast %get3A_1574 : i32 to index
    %get3A_1576 = arith.constant 0 : index
    %get3A_1577 = tpu.vector_load %arg4[%get3A_1575, %get3A_1576] {strides = array<i32>} : memref<132x16xf32, #tpu.memory_space<vmem>>, vector<16xf32>,
    %mul3A_1578 = arith.mulf %get3A_1573, %get3A_9 : vector<16xf32>
    %mul3A_1579 = arith.mulf %select_n3A, %get3A_1577 : vector<16xf32>
    %mul3A_1580 = arith.mulf %mul3A_1579, %get3A_5 : vector<16xf32>
    %add3A_1581 = arith.addf %mul3A_1578, %mul3A_1580 : vector<16xf32>
    %mul3A_1582 = arith.constant 64 : i32
    %mul3A_1583 = vector.broadcast %mul3A_1582 : i32 to vector<16xi32>
    %mul3A_1584 = arith.muli %convert_element_type3A_18, %mul3A_1583 : vector<16xi32>
    %add3A_1585 = arith.addi %mul3A_30, %mul3A_1584 : vector<16xi32>
    %add3A_1586 = arith.constant 17 : i32
    %add3A_1587 = vector.broadcast %add3A_1586 : i32 to vector<16xi32>
    %add3A_1588 = arith.addi %add3A_1585, %add3A_1587 : vector<16xi32>
    tpu.vector_store_idx %arg5[%add3A_1588], %add3A_1581 : memref<65536xf32, #tpu.memory_space<vmem>>[vector<16xi32>], vector<16xf32>,
    %get3A_1589 = arith.constant 82 : i32
    %get3A_1590 = arith.index_cast %get3A_1589 : i32 to index
    %get3A_1591 = arith.constant 0 : index
    %get3A_1592 = tpu.vector_load %arg4[%get3A_1590, %get3A_1591] {strides = array<i32>} : memref<132x16xf32, #tpu.memory_space<vmem>>, vector<16xf32>,
    %get3A_1593 = arith.constant 18 : i32
    %get3A_1594 = arith.index_cast %get3A_1593 : i32 to index
    %get3A_1595 = arith.constant 0 : index
    %get3A_1596 = tpu.vector_load %arg4[%get3A_1594, %get3A_1595] {strides = array<i32>} : memref<132x16xf32, #tpu.memory_space<vmem>>, vector<16xf32>,
    %mul3A_1597 = arith.mulf %get3A_1592, %get3A_9 : vector<16xf32>
    %mul3A_1598 = arith.mulf %select_n3A, %get3A_1596 : vector<16xf32>
    %mul3A_1599 = arith.mulf %mul3A_1598, %get3A_5 : vector<16xf32>
    %add3A_1600 = arith.addf %mul3A_1597, %mul3A_1599 : vector<16xf32>
    %mul3A_1601 = arith.constant 64 : i32
    %mul3A_1602 = vector.broadcast %mul3A_1601 : i32 to vector<16xi32>
    %mul3A_1603 = arith.muli %convert_element_type3A_18, %mul3A_1602 : vector<16xi32>
    %add3A_1604 = arith.addi %mul3A_30, %mul3A_1603 : vector<16xi32>
    %add3A_1605 = arith.constant 18 : i32
    %add3A_1606 = vector.broadcast %add3A_1605 : i32 to vector<16xi32>
    %add3A_1607 = arith.addi %add3A_1604, %add3A_1606 : vector<16xi32>
    tpu.vector_store_idx %arg5[%add3A_1607], %add3A_1600 : memref<65536xf32, #tpu.memory_space<vmem>>[vector<16xi32>], vector<16xf32>,
    %get3A_1608 = arith.constant 83 : i32
    %get3A_1609 = arith.index_cast %get3A_1608 : i32 to index
    %get3A_1610 = arith.constant 0 : index
    %get3A_1611 = tpu.vector_load %arg4[%get3A_1609, %get3A_1610] {strides = array<i32>} : memref<132x16xf32, #tpu.memory_space<vmem>>, vector<16xf32>,
    %get3A_1612 = arith.constant 19 : i32
    %get3A_1613 = arith.index_cast %get3A_1612 : i32 to index
    %get3A_1614 = arith.constant 0 : index
    %get3A_1615 = tpu.vector_load %arg4[%get3A_1613, %get3A_1614] {strides = array<i32>} : memref<132x16xf32, #tpu.memory_space<vmem>>, vector<16xf32>,
    %mul3A_1616 = arith.mulf %get3A_1611, %get3A_9 : vector<16xf32>
    %mul3A_1617 = arith.mulf %select_n3A, %get3A_1615 : vector<16xf32>
    %mul3A_1618 = arith.mulf %mul3A_1617, %get3A_5 : vector<16xf32>
    %add3A_1619 = arith.addf %mul3A_1616, %mul3A_1618 : vector<16xf32>
    %mul3A_1620 = arith.constant 64 : i32
    %mul3A_1621 = vector.broadcast %mul3A_1620 : i32 to vector<16xi32>
    %mul3A_1622 = arith.muli %convert_element_type3A_18, %mul3A_1621 : vector<16xi32>
    %add3A_1623 = arith.addi %mul3A_30, %mul3A_1622 : vector<16xi32>
    %add3A_1624 = arith.constant 19 : i32
    %add3A_1625 = vector.broadcast %add3A_1624 : i32 to vector<16xi32>
    %add3A_1626 = arith.addi %add3A_1623, %add3A_1625 : vector<16xi32>
    tpu.vector_store_idx %arg5[%add3A_1626], %add3A_1619 : memref<65536xf32, #tpu.memory_space<vmem>>[vector<16xi32>], vector<16xf32>,
    %get3A_1627 = arith.constant 84 : i32
    %get3A_1628 = arith.index_cast %get3A_1627 : i32 to index
    %get3A_1629 = arith.constant 0 : index
    %get3A_1630 = tpu.vector_load %arg4[%get3A_1628, %get3A_1629] {strides = array<i32>} : memref<132x16xf32, #tpu.memory_space<vmem>>, vector<16xf32>,
    %get3A_1631 = arith.constant 20 : i32
    %get3A_1632 = arith.index_cast %get3A_1631 : i32 to index
    %get3A_1633 = arith.constant 0 : index
    %get3A_1634 = tpu.vector_load %arg4[%get3A_1632, %get3A_1633] {strides = array<i32>} : memref<132x16xf32, #tpu.memory_space<vmem>>, vector<16xf32>,
    %mul3A_1635 = arith.mulf %get3A_1630, %get3A_9 : vector<16xf32>
    %mul3A_1636 = arith.mulf %select_n3A, %get3A_1634 : vector<16xf32>
    %mul3A_1637 = arith.mulf %mul3A_1636, %get3A_5 : vector<16xf32>
    %add3A_1638 = arith.addf %mul3A_1635, %mul3A_1637 : vector<16xf32>
    %mul3A_1639 = arith.constant 64 : i32
    %mul3A_1640 = vector.broadcast %mul3A_1639 : i32 to vector<16xi32>
    %mul3A_1641 = arith.muli %convert_element_type3A_18, %mul3A_1640 : vector<16xi32>
    %add3A_1642 = arith.addi %mul3A_30, %mul3A_1641 : vector<16xi32>
    %add3A_1643 = arith.constant 20 : i32
    %add3A_1644 = vector.broadcast %add3A_1643 : i32 to vector<16xi32>
    %add3A_1645 = arith.addi %add3A_1642, %add3A_1644 : vector<16xi32>
    tpu.vector_store_idx %arg5[%add3A_1645], %add3A_1638 : memref<65536xf32, #tpu.memory_space<vmem>>[vector<16xi32>], vector<16xf32>,
    %get3A_1646 = arith.constant 85 : i32
    %get3A_1647 = arith.index_cast %get3A_1646 : i32 to index
    %get3A_1648 = arith.constant 0 : index
    %get3A_1649 = tpu.vector_load %arg4[%get3A_1647, %get3A_1648] {strides = array<i32>} : memref<132x16xf32, #tpu.memory_space<vmem>>, vector<16xf32>,
    %get3A_1650 = arith.constant 21 : i32
    %get3A_1651 = arith.index_cast %get3A_1650 : i32 to index
    %get3A_1652 = arith.constant 0 : index
    %get3A_1653 = tpu.vector_load %arg4[%get3A_1651, %get3A_1652] {strides = array<i32>} : memref<132x16xf32, #tpu.memory_space<vmem>>, vector<16xf32>,
    %mul3A_1654 = arith.mulf %get3A_1649, %get3A_9 : vector<16xf32>
    %mul3A_1655 = arith.mulf %select_n3A, %get3A_1653 : vector<16xf32>
    %mul3A_1656 = arith.mulf %mul3A_1655, %get3A_5 : vector<16xf32>
    %add3A_1657 = arith.addf %mul3A_1654, %mul3A_1656 : vector<16xf32>
    %mul3A_1658 = arith.constant 64 : i32
    %mul3A_1659 = vector.broadcast %mul3A_1658 : i32 to vector<16xi32>
    %mul3A_1660 = arith.muli %convert_element_type3A_18, %mul3A_1659 : vector<16xi32>
    %add3A_1661 = arith.addi %mul3A_30, %mul3A_1660 : vector<16xi32>
    %add3A_1662 = arith.constant 21 : i32
    %add3A_1663 = vector.broadcast %add3A_1662 : i32 to vector<16xi32>
    %add3A_1664 = arith.addi %add3A_1661, %add3A_1663 : vector<16xi32>
    tpu.vector_store_idx %arg5[%add3A_1664], %add3A_1657 : memref<65536xf32, #tpu.memory_space<vmem>>[vector<16xi32>], vector<16xf32>,
    %get3A_1665 = arith.constant 86 : i32
    %get3A_1666 = arith.index_cast %get3A_1665 : i32 to index
    %get3A_1667 = arith.constant 0 : index
    %get3A_1668 = tpu.vector_load %arg4[%get3A_1666, %get3A_1667] {strides = array<i32>} : memref<132x16xf32, #tpu.memory_space<vmem>>, vector<16xf32>,
    %get3A_1669 = arith.constant 22 : i32
    %get3A_1670 = arith.index_cast %get3A_1669 : i32 to index
    %get3A_1671 = arith.constant 0 : index
    %get3A_1672 = tpu.vector_load %arg4[%get3A_1670, %get3A_1671] {strides = array<i32>} : memref<132x16xf32, #tpu.memory_space<vmem>>, vector<16xf32>,
    %mul3A_1673 = arith.mulf %get3A_1668, %get3A_9 : vector<16xf32>
    %mul3A_1674 = arith.mulf %select_n3A, %get3A_1672 : vector<16xf32>
    %mul3A_1675 = arith.mulf %mul3A_1674, %get3A_5 : vector<16xf32>
    %add3A_1676 = arith.addf %mul3A_1673, %mul3A_1675 : vector<16xf32>
    %mul3A_1677 = arith.constant 64 : i32
    %mul3A_1678 = vector.broadcast %mul3A_1677 : i32 to vector<16xi32>
    %mul3A_1679 = arith.muli %convert_element_type3A_18, %mul3A_1678 : vector<16xi32>
    %add3A_1680 = arith.addi %mul3A_30, %mul3A_1679 : vector<16xi32>
    %add3A_1681 = arith.constant 22 : i32
    %add3A_1682 = vector.broadcast %add3A_1681 : i32 to vector<16xi32>
    %add3A_1683 = arith.addi %add3A_1680, %add3A_1682 : vector<16xi32>
    tpu.vector_store_idx %arg5[%add3A_1683], %add3A_1676 : memref<65536xf32, #tpu.memory_space<vmem>>[vector<16xi32>], vector<16xf32>,
    %get3A_1684 = arith.constant 87 : i32
    %get3A_1685 = arith.index_cast %get3A_1684 : i32 to index
    %get3A_1686 = arith.constant 0 : index
    %get3A_1687 = tpu.vector_load %arg4[%get3A_1685, %get3A_1686] {strides = array<i32>} : memref<132x16xf32, #tpu.memory_space<vmem>>, vector<16xf32>,
    %get3A_1688 = arith.constant 23 : i32
    %get3A_1689 = arith.index_cast %get3A_1688 : i32 to index
    %get3A_1690 = arith.constant 0 : index
    %get3A_1691 = tpu.vector_load %arg4[%get3A_1689, %get3A_1690] {strides = array<i32>} : memref<132x16xf32, #tpu.memory_space<vmem>>, vector<16xf32>,
    %mul3A_1692 = arith.mulf %get3A_1687, %get3A_9 : vector<16xf32>
    %mul3A_1693 = arith.mulf %select_n3A, %get3A_1691 : vector<16xf32>
    %mul3A_1694 = arith.mulf %mul3A_1693, %get3A_5 : vector<16xf32>
    %add3A_1695 = arith.addf %mul3A_1692, %mul3A_1694 : vector<16xf32>
    %mul3A_1696 = arith.constant 64 : i32
    %mul3A_1697 = vector.broadcast %mul3A_1696 : i32 to vector<16xi32>
    %mul3A_1698 = arith.muli %convert_element_type3A_18, %mul3A_1697 : vector<16xi32>
    %add3A_1699 = arith.addi %mul3A_30, %mul3A_1698 : vector<16xi32>
    %add3A_1700 = arith.constant 23 : i32
    %add3A_1701 = vector.broadcast %add3A_1700 : i32 to vector<16xi32>
    %add3A_1702 = arith.addi %add3A_1699, %add3A_1701 : vector<16xi32>
    tpu.vector_store_idx %arg5[%add3A_1702], %add3A_1695 : memref<65536xf32, #tpu.memory_space<vmem>>[vector<16xi32>], vector<16xf32>,
    %get3A_1703 = arith.constant 88 : i32
    %get3A_1704 = arith.index_cast %get3A_1703 : i32 to index
    %get3A_1705 = arith.constant 0 : index
    %get3A_1706 = tpu.vector_load %arg4[%get3A_1704, %get3A_1705] {strides = array<i32>} : memref<132x16xf32, #tpu.memory_space<vmem>>, vector<16xf32>,
    %get3A_1707 = arith.constant 24 : i32
    %get3A_1708 = arith.index_cast %get3A_1707 : i32 to index
    %get3A_1709 = arith.constant 0 : index
    %get3A_1710 = tpu.vector_load %arg4[%get3A_1708, %get3A_1709] {strides = array<i32>} : memref<132x16xf32, #tpu.memory_space<vmem>>, vector<16xf32>,
    %mul3A_1711 = arith.mulf %get3A_1706, %get3A_9 : vector<16xf32>
    %mul3A_1712 = arith.mulf %select_n3A, %get3A_1710 : vector<16xf32>
    %mul3A_1713 = arith.mulf %mul3A_1712, %get3A_5 : vector<16xf32>
    %add3A_1714 = arith.addf %mul3A_1711, %mul3A_1713 : vector<16xf32>
    %mul3A_1715 = arith.constant 64 : i32
    %mul3A_1716 = vector.broadcast %mul3A_1715 : i32 to vector<16xi32>
    %mul3A_1717 = arith.muli %convert_element_type3A_18, %mul3A_1716 : vector<16xi32>
    %add3A_1718 = arith.addi %mul3A_30, %mul3A_1717 : vector<16xi32>
    %add3A_1719 = arith.constant 24 : i32
    %add3A_1720 = vector.broadcast %add3A_1719 : i32 to vector<16xi32>
    %add3A_1721 = arith.addi %add3A_1718, %add3A_1720 : vector<16xi32>
    tpu.vector_store_idx %arg5[%add3A_1721], %add3A_1714 : memref<65536xf32, #tpu.memory_space<vmem>>[vector<16xi32>], vector<16xf32>,
    %get3A_1722 = arith.constant 89 : i32
    %get3A_1723 = arith.index_cast %get3A_1722 : i32 to index
    %get3A_1724 = arith.constant 0 : index
    %get3A_1725 = tpu.vector_load %arg4[%get3A_1723, %get3A_1724] {strides = array<i32>} : memref<132x16xf32, #tpu.memory_space<vmem>>, vector<16xf32>,
    %get3A_1726 = arith.constant 25 : i32
    %get3A_1727 = arith.index_cast %get3A_1726 : i32 to index
    %get3A_1728 = arith.constant 0 : index
    %get3A_1729 = tpu.vector_load %arg4[%get3A_1727, %get3A_1728] {strides = array<i32>} : memref<132x16xf32, #tpu.memory_space<vmem>>, vector<16xf32>,
    %mul3A_1730 = arith.mulf %get3A_1725, %get3A_9 : vector<16xf32>
    %mul3A_1731 = arith.mulf %select_n3A, %get3A_1729 : vector<16xf32>
    %mul3A_1732 = arith.mulf %mul3A_1731, %get3A_5 : vector<16xf32>
    %add3A_1733 = arith.addf %mul3A_1730, %mul3A_1732 : vector<16xf32>
    %mul3A_1734 = arith.constant 64 : i32
    %mul3A_1735 = vector.broadcast %mul3A_1734 : i32 to vector<16xi32>
    %mul3A_1736 = arith.muli %convert_element_type3A_18, %mul3A_1735 : vector<16xi32>
    %add3A_1737 = arith.addi %mul3A_30, %mul3A_1736 : vector<16xi32>
    %add3A_1738 = arith.constant 25 : i32
    %add3A_1739 = vector.broadcast %add3A_1738 : i32 to vector<16xi32>
    %add3A_1740 = arith.addi %add3A_1737, %add3A_1739 : vector<16xi32>
    tpu.vector_store_idx %arg5[%add3A_1740], %add3A_1733 : memref<65536xf32, #tpu.memory_space<vmem>>[vector<16xi32>], vector<16xf32>,
    %get3A_1741 = arith.constant 90 : i32
    %get3A_1742 = arith.index_cast %get3A_1741 : i32 to index
    %get3A_1743 = arith.constant 0 : index
    %get3A_1744 = tpu.vector_load %arg4[%get3A_1742, %get3A_1743] {strides = array<i32>} : memref<132x16xf32, #tpu.memory_space<vmem>>, vector<16xf32>,
    %get3A_1745 = arith.constant 26 : i32
    %get3A_1746 = arith.index_cast %get3A_1745 : i32 to index
    %get3A_1747 = arith.constant 0 : index
    %get3A_1748 = tpu.vector_load %arg4[%get3A_1746, %get3A_1747] {strides = array<i32>} : memref<132x16xf32, #tpu.memory_space<vmem>>, vector<16xf32>,
    %mul3A_1749 = arith.mulf %get3A_1744, %get3A_9 : vector<16xf32>
    %mul3A_1750 = arith.mulf %select_n3A, %get3A_1748 : vector<16xf32>
    %mul3A_1751 = arith.mulf %mul3A_1750, %get3A_5 : vector<16xf32>
    %add3A_1752 = arith.addf %mul3A_1749, %mul3A_1751 : vector<16xf32>
    %mul3A_1753 = arith.constant 64 : i32
    %mul3A_1754 = vector.broadcast %mul3A_1753 : i32 to vector<16xi32>
    %mul3A_1755 = arith.muli %convert_element_type3A_18, %mul3A_1754 : vector<16xi32>
    %add3A_1756 = arith.addi %mul3A_30, %mul3A_1755 : vector<16xi32>
    %add3A_1757 = arith.constant 26 : i32
    %add3A_1758 = vector.broadcast %add3A_1757 : i32 to vector<16xi32>
    %add3A_1759 = arith.addi %add3A_1756, %add3A_1758 : vector<16xi32>
    tpu.vector_store_idx %arg5[%add3A_1759], %add3A_1752 : memref<65536xf32, #tpu.memory_space<vmem>>[vector<16xi32>], vector<16xf32>,
    %get3A_1760 = arith.constant 91 : i32
    %get3A_1761 = arith.index_cast %get3A_1760 : i32 to index
    %get3A_1762 = arith.constant 0 : index
    %get3A_1763 = tpu.vector_load %arg4[%get3A_1761, %get3A_1762] {strides = array<i32>} : memref<132x16xf32, #tpu.memory_space<vmem>>, vector<16xf32>,
    %get3A_1764 = arith.constant 27 : i32
    %get3A_1765 = arith.index_cast %get3A_1764 : i32 to index
    %get3A_1766 = arith.constant 0 : index
    %get3A_1767 = tpu.vector_load %arg4[%get3A_1765, %get3A_1766] {strides = array<i32>} : memref<132x16xf32, #tpu.memory_space<vmem>>, vector<16xf32>,
    %mul3A_1768 = arith.mulf %get3A_1763, %get3A_9 : vector<16xf32>
    %mul3A_1769 = arith.mulf %select_n3A, %get3A_1767 : vector<16xf32>
    %mul3A_1770 = arith.mulf %mul3A_1769, %get3A_5 : vector<16xf32>
    %add3A_1771 = arith.addf %mul3A_1768, %mul3A_1770 : vector<16xf32>
    %mul3A_1772 = arith.constant 64 : i32
    %mul3A_1773 = vector.broadcast %mul3A_1772 : i32 to vector<16xi32>
    %mul3A_1774 = arith.muli %convert_element_type3A_18, %mul3A_1773 : vector<16xi32>
    %add3A_1775 = arith.addi %mul3A_30, %mul3A_1774 : vector<16xi32>
    %add3A_1776 = arith.constant 27 : i32
    %add3A_1777 = vector.broadcast %add3A_1776 : i32 to vector<16xi32>
    %add3A_1778 = arith.addi %add3A_1775, %add3A_1777 : vector<16xi32>
    tpu.vector_store_idx %arg5[%add3A_1778], %add3A_1771 : memref<65536xf32, #tpu.memory_space<vmem>>[vector<16xi32>], vector<16xf32>,
    %get3A_1779 = arith.constant 92 : i32
    %get3A_1780 = arith.index_cast %get3A_1779 : i32 to index
    %get3A_1781 = arith.constant 0 : index
    %get3A_1782 = tpu.vector_load %arg4[%get3A_1780, %get3A_1781] {strides = array<i32>} : memref<132x16xf32, #tpu.memory_space<vmem>>, vector<16xf32>,
    %get3A_1783 = arith.constant 28 : i32
    %get3A_1784 = arith.index_cast %get3A_1783 : i32 to index
    %get3A_1785 = arith.constant 0 : index
    %get3A_1786 = tpu.vector_load %arg4[%get3A_1784, %get3A_1785] {strides = array<i32>} : memref<132x16xf32, #tpu.memory_space<vmem>>, vector<16xf32>,
    %mul3A_1787 = arith.mulf %get3A_1782, %get3A_9 : vector<16xf32>
    %mul3A_1788 = arith.mulf %select_n3A, %get3A_1786 : vector<16xf32>
    %mul3A_1789 = arith.mulf %mul3A_1788, %get3A_5 : vector<16xf32>
    %add3A_1790 = arith.addf %mul3A_1787, %mul3A_1789 : vector<16xf32>
    %mul3A_1791 = arith.constant 64 : i32
    %mul3A_1792 = vector.broadcast %mul3A_1791 : i32 to vector<16xi32>
    %mul3A_1793 = arith.muli %convert_element_type3A_18, %mul3A_1792 : vector<16xi32>
    %add3A_1794 = arith.addi %mul3A_30, %mul3A_1793 : vector<16xi32>
    %add3A_1795 = arith.constant 28 : i32
    %add3A_1796 = vector.broadcast %add3A_1795 : i32 to vector<16xi32>
    %add3A_1797 = arith.addi %add3A_1794, %add3A_1796 : vector<16xi32>
    tpu.vector_store_idx %arg5[%add3A_1797], %add3A_1790 : memref<65536xf32, #tpu.memory_space<vmem>>[vector<16xi32>], vector<16xf32>,
    %get3A_1798 = arith.constant 93 : i32
    %get3A_1799 = arith.index_cast %get3A_1798 : i32 to index
    %get3A_1800 = arith.constant 0 : index
    %get3A_1801 = tpu.vector_load %arg4[%get3A_1799, %get3A_1800] {strides = array<i32>} : memref<132x16xf32, #tpu.memory_space<vmem>>, vector<16xf32>,
    %get3A_1802 = arith.constant 29 : i32
    %get3A_1803 = arith.index_cast %get3A_1802 : i32 to index
    %get3A_1804 = arith.constant 0 : index
    %get3A_1805 = tpu.vector_load %arg4[%get3A_1803, %get3A_1804] {strides = array<i32>} : memref<132x16xf32, #tpu.memory_space<vmem>>, vector<16xf32>,
    %mul3A_1806 = arith.mulf %get3A_1801, %get3A_9 : vector<16xf32>
    %mul3A_1807 = arith.mulf %select_n3A, %get3A_1805 : vector<16xf32>
    %mul3A_1808 = arith.mulf %mul3A_1807, %get3A_5 : vector<16xf32>
    %add3A_1809 = arith.addf %mul3A_1806, %mul3A_1808 : vector<16xf32>
    %mul3A_1810 = arith.constant 64 : i32
    %mul3A_1811 = vector.broadcast %mul3A_1810 : i32 to vector<16xi32>
    %mul3A_1812 = arith.muli %convert_element_type3A_18, %mul3A_1811 : vector<16xi32>
    %add3A_1813 = arith.addi %mul3A_30, %mul3A_1812 : vector<16xi32>
    %add3A_1814 = arith.constant 29 : i32
    %add3A_1815 = vector.broadcast %add3A_1814 : i32 to vector<16xi32>
    %add3A_1816 = arith.addi %add3A_1813, %add3A_1815 : vector<16xi32>
    tpu.vector_store_idx %arg5[%add3A_1816], %add3A_1809 : memref<65536xf32, #tpu.memory_space<vmem>>[vector<16xi32>], vector<16xf32>,
    %get3A_1817 = arith.constant 94 : i32
    %get3A_1818 = arith.index_cast %get3A_1817 : i32 to index
    %get3A_1819 = arith.constant 0 : index
    %get3A_1820 = tpu.vector_load %arg4[%get3A_1818, %get3A_1819] {strides = array<i32>} : memref<132x16xf32, #tpu.memory_space<vmem>>, vector<16xf32>,
    %get3A_1821 = arith.constant 30 : i32
    %get3A_1822 = arith.index_cast %get3A_1821 : i32 to index
    %get3A_1823 = arith.constant 0 : index
    %get3A_1824 = tpu.vector_load %arg4[%get3A_1822, %get3A_1823] {strides = array<i32>} : memref<132x16xf32, #tpu.memory_space<vmem>>, vector<16xf32>,
    %mul3A_1825 = arith.mulf %get3A_1820, %get3A_9 : vector<16xf32>
    %mul3A_1826 = arith.mulf %select_n3A, %get3A_1824 : vector<16xf32>
    %mul3A_1827 = arith.mulf %mul3A_1826, %get3A_5 : vector<16xf32>
    %add3A_1828 = arith.addf %mul3A_1825, %mul3A_1827 : vector<16xf32>
    %mul3A_1829 = arith.constant 64 : i32
    %mul3A_1830 = vector.broadcast %mul3A_1829 : i32 to vector<16xi32>
    %mul3A_1831 = arith.muli %convert_element_type3A_18, %mul3A_1830 : vector<16xi32>
    %add3A_1832 = arith.addi %mul3A_30, %mul3A_1831 : vector<16xi32>
    %add3A_1833 = arith.constant 30 : i32
    %add3A_1834 = vector.broadcast %add3A_1833 : i32 to vector<16xi32>
    %add3A_1835 = arith.addi %add3A_1832, %add3A_1834 : vector<16xi32>
    tpu.vector_store_idx %arg5[%add3A_1835], %add3A_1828 : memref<65536xf32, #tpu.memory_space<vmem>>[vector<16xi32>], vector<16xf32>,
    %get3A_1836 = arith.constant 95 : i32
    %get3A_1837 = arith.index_cast %get3A_1836 : i32 to index
    %get3A_1838 = arith.constant 0 : index
    %get3A_1839 = tpu.vector_load %arg4[%get3A_1837, %get3A_1838] {strides = array<i32>} : memref<132x16xf32, #tpu.memory_space<vmem>>, vector<16xf32>,
    %get3A_1840 = arith.constant 31 : i32
    %get3A_1841 = arith.index_cast %get3A_1840 : i32 to index
    %get3A_1842 = arith.constant 0 : index
    %get3A_1843 = tpu.vector_load %arg4[%get3A_1841, %get3A_1842] {strides = array<i32>} : memref<132x16xf32, #tpu.memory_space<vmem>>, vector<16xf32>,
    %mul3A_1844 = arith.mulf %get3A_1839, %get3A_9 : vector<16xf32>
    %mul3A_1845 = arith.mulf %select_n3A, %get3A_1843 : vector<16xf32>
    %mul3A_1846 = arith.mulf %mul3A_1845, %get3A_5 : vector<16xf32>
    %add3A_1847 = arith.addf %mul3A_1844, %mul3A_1846 : vector<16xf32>
    %mul3A_1848 = arith.constant 64 : i32
    %mul3A_1849 = vector.broadcast %mul3A_1848 : i32 to vector<16xi32>
    %mul3A_1850 = arith.muli %convert_element_type3A_18, %mul3A_1849 : vector<16xi32>
    %add3A_1851 = arith.addi %mul3A_30, %mul3A_1850 : vector<16xi32>
    %add3A_1852 = arith.constant 31 : i32
    %add3A_1853 = vector.broadcast %add3A_1852 : i32 to vector<16xi32>
    %add3A_1854 = arith.addi %add3A_1851, %add3A_1853 : vector<16xi32>
    tpu.vector_store_idx %arg5[%add3A_1854], %add3A_1847 : memref<65536xf32, #tpu.memory_space<vmem>>[vector<16xi32>], vector<16xf32>,
    %get3A_1855 = arith.constant 96 : i32
    %get3A_1856 = arith.index_cast %get3A_1855 : i32 to index
    %get3A_1857 = arith.constant 0 : index
    %get3A_1858 = tpu.vector_load %arg4[%get3A_1856, %get3A_1857] {strides = array<i32>} : memref<132x16xf32, #tpu.memory_space<vmem>>, vector<16xf32>,
    %get3A_1859 = arith.constant 32 : i32
    %get3A_1860 = arith.index_cast %get3A_1859 : i32 to index
    %get3A_1861 = arith.constant 0 : index
    %get3A_1862 = tpu.vector_load %arg4[%get3A_1860, %get3A_1861] {strides = array<i32>} : memref<132x16xf32, #tpu.memory_space<vmem>>, vector<16xf32>,
    %mul3A_1863 = arith.mulf %get3A_1858, %get3A_9 : vector<16xf32>
    %mul3A_1864 = arith.mulf %select_n3A, %get3A_1862 : vector<16xf32>
    %mul3A_1865 = arith.mulf %mul3A_1864, %get3A_5 : vector<16xf32>
    %add3A_1866 = arith.addf %mul3A_1863, %mul3A_1865 : vector<16xf32>
    %mul3A_1867 = arith.constant 64 : i32
    %mul3A_1868 = vector.broadcast %mul3A_1867 : i32 to vector<16xi32>
    %mul3A_1869 = arith.muli %convert_element_type3A_18, %mul3A_1868 : vector<16xi32>
    %add3A_1870 = arith.addi %mul3A_30, %mul3A_1869 : vector<16xi32>
    %add3A_1871 = arith.constant 32 : i32
    %add3A_1872 = vector.broadcast %add3A_1871 : i32 to vector<16xi32>
    %add3A_1873 = arith.addi %add3A_1870, %add3A_1872 : vector<16xi32>
    tpu.vector_store_idx %arg5[%add3A_1873], %add3A_1866 : memref<65536xf32, #tpu.memory_space<vmem>>[vector<16xi32>], vector<16xf32>,
    %get3A_1874 = arith.constant 97 : i32
    %get3A_1875 = arith.index_cast %get3A_1874 : i32 to index
    %get3A_1876 = arith.constant 0 : index
    %get3A_1877 = tpu.vector_load %arg4[%get3A_1875, %get3A_1876] {strides = array<i32>} : memref<132x16xf32, #tpu.memory_space<vmem>>, vector<16xf32>,
    %get3A_1878 = arith.constant 33 : i32
    %get3A_1879 = arith.index_cast %get3A_1878 : i32 to index
    %get3A_1880 = arith.constant 0 : index
    %get3A_1881 = tpu.vector_load %arg4[%get3A_1879, %get3A_1880] {strides = array<i32>} : memref<132x16xf32, #tpu.memory_space<vmem>>, vector<16xf32>,
    %mul3A_1882 = arith.mulf %get3A_1877, %get3A_9 : vector<16xf32>
    %mul3A_1883 = arith.mulf %select_n3A, %get3A_1881 : vector<16xf32>
    %mul3A_1884 = arith.mulf %mul3A_1883, %get3A_5 : vector<16xf32>
    %add3A_1885 = arith.addf %mul3A_1882, %mul3A_1884 : vector<16xf32>
    %mul3A_1886 = arith.constant 64 : i32
    %mul3A_1887 = vector.broadcast %mul3A_1886 : i32 to vector<16xi32>
    %mul3A_1888 = arith.muli %convert_element_type3A_18, %mul3A_1887 : vector<16xi32>
    %add3A_1889 = arith.addi %mul3A_30, %mul3A_1888 : vector<16xi32>
    %add3A_1890 = arith.constant 33 : i32
    %add3A_1891 = vector.broadcast %add3A_1890 : i32 to vector<16xi32>
    %add3A_1892 = arith.addi %add3A_1889, %add3A_1891 : vector<16xi32>
    tpu.vector_store_idx %arg5[%add3A_1892], %add3A_1885 : memref<65536xf32, #tpu.memory_space<vmem>>[vector<16xi32>], vector<16xf32>,
    %get3A_1893 = arith.constant 98 : i32
    %get3A_1894 = arith.index_cast %get3A_1893 : i32 to index
    %get3A_1895 = arith.constant 0 : index
    %get3A_1896 = tpu.vector_load %arg4[%get3A_1894, %get3A_1895] {strides = array<i32>} : memref<132x16xf32, #tpu.memory_space<vmem>>, vector<16xf32>,
    %get3A_1897 = arith.constant 34 : i32
    %get3A_1898 = arith.index_cast %get3A_1897 : i32 to index
    %get3A_1899 = arith.constant 0 : index
    %get3A_1900 = tpu.vector_load %arg4[%get3A_1898, %get3A_1899] {strides = array<i32>} : memref<132x16xf32, #tpu.memory_space<vmem>>, vector<16xf32>,
    %mul3A_1901 = arith.mulf %get3A_1896, %get3A_9 : vector<16xf32>
    %mul3A_1902 = arith.mulf %select_n3A, %get3A_1900 : vector<16xf32>
    %mul3A_1903 = arith.mulf %mul3A_1902, %get3A_5 : vector<16xf32>
    %add3A_1904 = arith.addf %mul3A_1901, %mul3A_1903 : vector<16xf32>
    %mul3A_1905 = arith.constant 64 : i32
    %mul3A_1906 = vector.broadcast %mul3A_1905 : i32 to vector<16xi32>
    %mul3A_1907 = arith.muli %convert_element_type3A_18, %mul3A_1906 : vector<16xi32>
    %add3A_1908 = arith.addi %mul3A_30, %mul3A_1907 : vector<16xi32>
    %add3A_1909 = arith.constant 34 : i32
    %add3A_1910 = vector.broadcast %add3A_1909 : i32 to vector<16xi32>
    %add3A_1911 = arith.addi %add3A_1908, %add3A_1910 : vector<16xi32>
    tpu.vector_store_idx %arg5[%add3A_1911], %add3A_1904 : memref<65536xf32, #tpu.memory_space<vmem>>[vector<16xi32>], vector<16xf32>,
    %get3A_1912 = arith.constant 99 : i32
    %get3A_1913 = arith.index_cast %get3A_1912 : i32 to index
    %get3A_1914 = arith.constant 0 : index
    %get3A_1915 = tpu.vector_load %arg4[%get3A_1913, %get3A_1914] {strides = array<i32>} : memref<132x16xf32, #tpu.memory_space<vmem>>, vector<16xf32>,
    %get3A_1916 = arith.constant 35 : i32
    %get3A_1917 = arith.index_cast %get3A_1916 : i32 to index
    %get3A_1918 = arith.constant 0 : index
    %get3A_1919 = tpu.vector_load %arg4[%get3A_1917, %get3A_1918] {strides = array<i32>} : memref<132x16xf32, #tpu.memory_space<vmem>>, vector<16xf32>,
    %mul3A_1920 = arith.mulf %get3A_1915, %get3A_9 : vector<16xf32>
    %mul3A_1921 = arith.mulf %select_n3A, %get3A_1919 : vector<16xf32>
    %mul3A_1922 = arith.mulf %mul3A_1921, %get3A_5 : vector<16xf32>
    %add3A_1923 = arith.addf %mul3A_1920, %mul3A_1922 : vector<16xf32>
    %mul3A_1924 = arith.constant 64 : i32
    %mul3A_1925 = vector.broadcast %mul3A_1924 : i32 to vector<16xi32>
    %mul3A_1926 = arith.muli %convert_element_type3A_18, %mul3A_1925 : vector<16xi32>
    %add3A_1927 = arith.addi %mul3A_30, %mul3A_1926 : vector<16xi32>
    %add3A_1928 = arith.constant 35 : i32
    %add3A_1929 = vector.broadcast %add3A_1928 : i32 to vector<16xi32>
    %add3A_1930 = arith.addi %add3A_1927, %add3A_1929 : vector<16xi32>
    tpu.vector_store_idx %arg5[%add3A_1930], %add3A_1923 : memref<65536xf32, #tpu.memory_space<vmem>>[vector<16xi32>], vector<16xf32>,
    %get3A_1931 = arith.constant 100 : i32
    %get3A_1932 = arith.index_cast %get3A_1931 : i32 to index
    %get3A_1933 = arith.constant 0 : index
    %get3A_1934 = tpu.vector_load %arg4[%get3A_1932, %get3A_1933] {strides = array<i32>} : memref<132x16xf32, #tpu.memory_space<vmem>>, vector<16xf32>,
    %get3A_1935 = arith.constant 36 : i32
    %get3A_1936 = arith.index_cast %get3A_1935 : i32 to index
    %get3A_1937 = arith.constant 0 : index
    %get3A_1938 = tpu.vector_load %arg4[%get3A_1936, %get3A_1937] {strides = array<i32>} : memref<132x16xf32, #tpu.memory_space<vmem>>, vector<16xf32>,
    %mul3A_1939 = arith.mulf %get3A_1934, %get3A_9 : vector<16xf32>
    %mul3A_1940 = arith.mulf %select_n3A, %get3A_1938 : vector<16xf32>
    %mul3A_1941 = arith.mulf %mul3A_1940, %get3A_5 : vector<16xf32>
    %add3A_1942 = arith.addf %mul3A_1939, %mul3A_1941 : vector<16xf32>
    %mul3A_1943 = arith.constant 64 : i32
    %mul3A_1944 = vector.broadcast %mul3A_1943 : i32 to vector<16xi32>
    %mul3A_1945 = arith.muli %convert_element_type3A_18, %mul3A_1944 : vector<16xi32>
    %add3A_1946 = arith.addi %mul3A_30, %mul3A_1945 : vector<16xi32>
    %add3A_1947 = arith.constant 36 : i32
    %add3A_1948 = vector.broadcast %add3A_1947 : i32 to vector<16xi32>
    %add3A_1949 = arith.addi %add3A_1946, %add3A_1948 : vector<16xi32>
    tpu.vector_store_idx %arg5[%add3A_1949], %add3A_1942 : memref<65536xf32, #tpu.memory_space<vmem>>[vector<16xi32>], vector<16xf32>,
    %get3A_1950 = arith.constant 101 : i32
    %get3A_1951 = arith.index_cast %get3A_1950 : i32 to index
    %get3A_1952 = arith.constant 0 : index
    %get3A_1953 = tpu.vector_load %arg4[%get3A_1951, %get3A_1952] {strides = array<i32>} : memref<132x16xf32, #tpu.memory_space<vmem>>, vector<16xf32>,
    %get3A_1954 = arith.constant 37 : i32
    %get3A_1955 = arith.index_cast %get3A_1954 : i32 to index
    %get3A_1956 = arith.constant 0 : index
    %get3A_1957 = tpu.vector_load %arg4[%get3A_1955, %get3A_1956] {strides = array<i32>} : memref<132x16xf32, #tpu.memory_space<vmem>>, vector<16xf32>,
    %mul3A_1958 = arith.mulf %get3A_1953, %get3A_9 : vector<16xf32>
    %mul3A_1959 = arith.mulf %select_n3A, %get3A_1957 : vector<16xf32>
    %mul3A_1960 = arith.mulf %mul3A_1959, %get3A_5 : vector<16xf32>
    %add3A_1961 = arith.addf %mul3A_1958, %mul3A_1960 : vector<16xf32>
    %mul3A_1962 = arith.constant 64 : i32
    %mul3A_1963 = vector.broadcast %mul3A_1962 : i32 to vector<16xi32>
    %mul3A_1964 = arith.muli %convert_element_type3A_18, %mul3A_1963 : vector<16xi32>
    %add3A_1965 = arith.addi %mul3A_30, %mul3A_1964 : vector<16xi32>
    %add3A_1966 = arith.constant 37 : i32
    %add3A_1967 = vector.broadcast %add3A_1966 : i32 to vector<16xi32>
    %add3A_1968 = arith.addi %add3A_1965, %add3A_1967 : vector<16xi32>
    tpu.vector_store_idx %arg5[%add3A_1968], %add3A_1961 : memref<65536xf32, #tpu.memory_space<vmem>>[vector<16xi32>], vector<16xf32>,
    %get3A_1969 = arith.constant 102 : i32
    %get3A_1970 = arith.index_cast %get3A_1969 : i32 to index
    %get3A_1971 = arith.constant 0 : index
    %get3A_1972 = tpu.vector_load %arg4[%get3A_1970, %get3A_1971] {strides = array<i32>} : memref<132x16xf32, #tpu.memory_space<vmem>>, vector<16xf32>,
    %get3A_1973 = arith.constant 38 : i32
    %get3A_1974 = arith.index_cast %get3A_1973 : i32 to index
    %get3A_1975 = arith.constant 0 : index
    %get3A_1976 = tpu.vector_load %arg4[%get3A_1974, %get3A_1975] {strides = array<i32>} : memref<132x16xf32, #tpu.memory_space<vmem>>, vector<16xf32>,
    %mul3A_1977 = arith.mulf %get3A_1972, %get3A_9 : vector<16xf32>
    %mul3A_1978 = arith.mulf %select_n3A, %get3A_1976 : vector<16xf32>
    %mul3A_1979 = arith.mulf %mul3A_1978, %get3A_5 : vector<16xf32>
    %add3A_1980 = arith.addf %mul3A_1977, %mul3A_1979 : vector<16xf32>
    %mul3A_1981 = arith.constant 64 : i32
    %mul3A_1982 = vector.broadcast %mul3A_1981 : i32 to vector<16xi32>
    %mul3A_1983 = arith.muli %convert_element_type3A_18, %mul3A_1982 : vector<16xi32>
    %add3A_1984 = arith.addi %mul3A_30, %mul3A_1983 : vector<16xi32>
    %add3A_1985 = arith.constant 38 : i32
    %add3A_1986 = vector.broadcast %add3A_1985 : i32 to vector<16xi32>
    %add3A_1987 = arith.addi %add3A_1984, %add3A_1986 : vector<16xi32>
    tpu.vector_store_idx %arg5[%add3A_1987], %add3A_1980 : memref<65536xf32, #tpu.memory_space<vmem>>[vector<16xi32>], vector<16xf32>,
    %get3A_1988 = arith.constant 103 : i32
    %get3A_1989 = arith.index_cast %get3A_1988 : i32 to index
    %get3A_1990 = arith.constant 0 : index
    %get3A_1991 = tpu.vector_load %arg4[%get3A_1989, %get3A_1990] {strides = array<i32>} : memref<132x16xf32, #tpu.memory_space<vmem>>, vector<16xf32>,
    %get3A_1992 = arith.constant 39 : i32
    %get3A_1993 = arith.index_cast %get3A_1992 : i32 to index
    %get3A_1994 = arith.constant 0 : index
    %get3A_1995 = tpu.vector_load %arg4[%get3A_1993, %get3A_1994] {strides = array<i32>} : memref<132x16xf32, #tpu.memory_space<vmem>>, vector<16xf32>,
    %mul3A_1996 = arith.mulf %get3A_1991, %get3A_9 : vector<16xf32>
    %mul3A_1997 = arith.mulf %select_n3A, %get3A_1995 : vector<16xf32>
    %mul3A_1998 = arith.mulf %mul3A_1997, %get3A_5 : vector<16xf32>
    %add3A_1999 = arith.addf %mul3A_1996, %mul3A_1998 : vector<16xf32>
    %mul3A_2000 = arith.constant 64 : i32
    %mul3A_2001 = vector.broadcast %mul3A_2000 : i32 to vector<16xi32>
    %mul3A_2002 = arith.muli %convert_element_type3A_18, %mul3A_2001 : vector<16xi32>
    %add3A_2003 = arith.addi %mul3A_30, %mul3A_2002 : vector<16xi32>
    %add3A_2004 = arith.constant 39 : i32
    %add3A_2005 = vector.broadcast %add3A_2004 : i32 to vector<16xi32>
    %add3A_2006 = arith.addi %add3A_2003, %add3A_2005 : vector<16xi32>
    tpu.vector_store_idx %arg5[%add3A_2006], %add3A_1999 : memref<65536xf32, #tpu.memory_space<vmem>>[vector<16xi32>], vector<16xf32>,
    %get3A_2007 = arith.constant 104 : i32
    %get3A_2008 = arith.index_cast %get3A_2007 : i32 to index
    %get3A_2009 = arith.constant 0 : index
    %get3A_2010 = tpu.vector_load %arg4[%get3A_2008, %get3A_2009] {strides = array<i32>} : memref<132x16xf32, #tpu.memory_space<vmem>>, vector<16xf32>,
    %get3A_2011 = arith.constant 40 : i32
    %get3A_2012 = arith.index_cast %get3A_2011 : i32 to index
    %get3A_2013 = arith.constant 0 : index
    %get3A_2014 = tpu.vector_load %arg4[%get3A_2012, %get3A_2013] {strides = array<i32>} : memref<132x16xf32, #tpu.memory_space<vmem>>, vector<16xf32>,
    %mul3A_2015 = arith.mulf %get3A_2010, %get3A_9 : vector<16xf32>
    %mul3A_2016 = arith.mulf %select_n3A, %get3A_2014 : vector<16xf32>
    %mul3A_2017 = arith.mulf %mul3A_2016, %get3A_5 : vector<16xf32>
    %add3A_2018 = arith.addf %mul3A_2015, %mul3A_2017 : vector<16xf32>
    %mul3A_2019 = arith.constant 64 : i32
    %mul3A_2020 = vector.broadcast %mul3A_2019 : i32 to vector<16xi32>
    %mul3A_2021 = arith.muli %convert_element_type3A_18, %mul3A_2020 : vector<16xi32>
    %add3A_2022 = arith.addi %mul3A_30, %mul3A_2021 : vector<16xi32>
    %add3A_2023 = arith.constant 40 : i32
    %add3A_2024 = vector.broadcast %add3A_2023 : i32 to vector<16xi32>
    %add3A_2025 = arith.addi %add3A_2022, %add3A_2024 : vector<16xi32>
    tpu.vector_store_idx %arg5[%add3A_2025], %add3A_2018 : memref<65536xf32, #tpu.memory_space<vmem>>[vector<16xi32>], vector<16xf32>,
    %get3A_2026 = arith.constant 105 : i32
    %get3A_2027 = arith.index_cast %get3A_2026 : i32 to index
    %get3A_2028 = arith.constant 0 : index
    %get3A_2029 = tpu.vector_load %arg4[%get3A_2027, %get3A_2028] {strides = array<i32>} : memref<132x16xf32, #tpu.memory_space<vmem>>, vector<16xf32>,
    %get3A_2030 = arith.constant 41 : i32
    %get3A_2031 = arith.index_cast %get3A_2030 : i32 to index
    %get3A_2032 = arith.constant 0 : index
    %get3A_2033 = tpu.vector_load %arg4[%get3A_2031, %get3A_2032] {strides = array<i32>} : memref<132x16xf32, #tpu.memory_space<vmem>>, vector<16xf32>,
    %mul3A_2034 = arith.mulf %get3A_2029, %get3A_9 : vector<16xf32>
    %mul3A_2035 = arith.mulf %select_n3A, %get3A_2033 : vector<16xf32>
    %mul3A_2036 = arith.mulf %mul3A_2035, %get3A_5 : vector<16xf32>
    %add3A_2037 = arith.addf %mul3A_2034, %mul3A_2036 : vector<16xf32>
    %mul3A_2038 = arith.constant 64 : i32
    %mul3A_2039 = vector.broadcast %mul3A_2038 : i32 to vector<16xi32>
    %mul3A_2040 = arith.muli %convert_element_type3A_18, %mul3A_2039 : vector<16xi32>
    %add3A_2041 = arith.addi %mul3A_30, %mul3A_2040 : vector<16xi32>
    %add3A_2042 = arith.constant 41 : i32
    %add3A_2043 = vector.broadcast %add3A_2042 : i32 to vector<16xi32>
    %add3A_2044 = arith.addi %add3A_2041, %add3A_2043 : vector<16xi32>
    tpu.vector_store_idx %arg5[%add3A_2044], %add3A_2037 : memref<65536xf32, #tpu.memory_space<vmem>>[vector<16xi32>], vector<16xf32>,
    %get3A_2045 = arith.constant 106 : i32
    %get3A_2046 = arith.index_cast %get3A_2045 : i32 to index
    %get3A_2047 = arith.constant 0 : index
    %get3A_2048 = tpu.vector_load %arg4[%get3A_2046, %get3A_2047] {strides = array<i32>} : memref<132x16xf32, #tpu.memory_space<vmem>>, vector<16xf32>,
    %get3A_2049 = arith.constant 42 : i32
    %get3A_2050 = arith.index_cast %get3A_2049 : i32 to index
    %get3A_2051 = arith.constant 0 : index
    %get3A_2052 = tpu.vector_load %arg4[%get3A_2050, %get3A_2051] {strides = array<i32>} : memref<132x16xf32, #tpu.memory_space<vmem>>, vector<16xf32>,
    %mul3A_2053 = arith.mulf %get3A_2048, %get3A_9 : vector<16xf32>
    %mul3A_2054 = arith.mulf %select_n3A, %get3A_2052 : vector<16xf32>
    %mul3A_2055 = arith.mulf %mul3A_2054, %get3A_5 : vector<16xf32>
    %add3A_2056 = arith.addf %mul3A_2053, %mul3A_2055 : vector<16xf32>
    %mul3A_2057 = arith.constant 64 : i32
    %mul3A_2058 = vector.broadcast %mul3A_2057 : i32 to vector<16xi32>
    %mul3A_2059 = arith.muli %convert_element_type3A_18, %mul3A_2058 : vector<16xi32>
    %add3A_2060 = arith.addi %mul3A_30, %mul3A_2059 : vector<16xi32>
    %add3A_2061 = arith.constant 42 : i32
    %add3A_2062 = vector.broadcast %add3A_2061 : i32 to vector<16xi32>
    %add3A_2063 = arith.addi %add3A_2060, %add3A_2062 : vector<16xi32>
    tpu.vector_store_idx %arg5[%add3A_2063], %add3A_2056 : memref<65536xf32, #tpu.memory_space<vmem>>[vector<16xi32>], vector<16xf32>,
    %get3A_2064 = arith.constant 107 : i32
    %get3A_2065 = arith.index_cast %get3A_2064 : i32 to index
    %get3A_2066 = arith.constant 0 : index
    %get3A_2067 = tpu.vector_load %arg4[%get3A_2065, %get3A_2066] {strides = array<i32>} : memref<132x16xf32, #tpu.memory_space<vmem>>, vector<16xf32>,
    %get3A_2068 = arith.constant 43 : i32
    %get3A_2069 = arith.index_cast %get3A_2068 : i32 to index
    %get3A_2070 = arith.constant 0 : index
    %get3A_2071 = tpu.vector_load %arg4[%get3A_2069, %get3A_2070] {strides = array<i32>} : memref<132x16xf32, #tpu.memory_space<vmem>>, vector<16xf32>,
    %mul3A_2072 = arith.mulf %get3A_2067, %get3A_9 : vector<16xf32>
    %mul3A_2073 = arith.mulf %select_n3A, %get3A_2071 : vector<16xf32>
    %mul3A_2074 = arith.mulf %mul3A_2073, %get3A_5 : vector<16xf32>
    %add3A_2075 = arith.addf %mul3A_2072, %mul3A_2074 : vector<16xf32>
    %mul3A_2076 = arith.constant 64 : i32
    %mul3A_2077 = vector.broadcast %mul3A_2076 : i32 to vector<16xi32>
    %mul3A_2078 = arith.muli %convert_element_type3A_18, %mul3A_2077 : vector<16xi32>
    %add3A_2079 = arith.addi %mul3A_30, %mul3A_2078 : vector<16xi32>
    %add3A_2080 = arith.constant 43 : i32
    %add3A_2081 = vector.broadcast %add3A_2080 : i32 to vector<16xi32>
    %add3A_2082 = arith.addi %add3A_2079, %add3A_2081 : vector<16xi32>
    tpu.vector_store_idx %arg5[%add3A_2082], %add3A_2075 : memref<65536xf32, #tpu.memory_space<vmem>>[vector<16xi32>], vector<16xf32>,
    %get3A_2083 = arith.constant 108 : i32
    %get3A_2084 = arith.index_cast %get3A_2083 : i32 to index
    %get3A_2085 = arith.constant 0 : index
    %get3A_2086 = tpu.vector_load %arg4[%get3A_2084, %get3A_2085] {strides = array<i32>} : memref<132x16xf32, #tpu.memory_space<vmem>>, vector<16xf32>,
    %get3A_2087 = arith.constant 44 : i32
    %get3A_2088 = arith.index_cast %get3A_2087 : i32 to index
    %get3A_2089 = arith.constant 0 : index
    %get3A_2090 = tpu.vector_load %arg4[%get3A_2088, %get3A_2089] {strides = array<i32>} : memref<132x16xf32, #tpu.memory_space<vmem>>, vector<16xf32>,
    %mul3A_2091 = arith.mulf %get3A_2086, %get3A_9 : vector<16xf32>
    %mul3A_2092 = arith.mulf %select_n3A, %get3A_2090 : vector<16xf32>
    %mul3A_2093 = arith.mulf %mul3A_2092, %get3A_5 : vector<16xf32>
    %add3A_2094 = arith.addf %mul3A_2091, %mul3A_2093 : vector<16xf32>
    %mul3A_2095 = arith.constant 64 : i32
    %mul3A_2096 = vector.broadcast %mul3A_2095 : i32 to vector<16xi32>
    %mul3A_2097 = arith.muli %convert_element_type3A_18, %mul3A_2096 : vector<16xi32>
    %add3A_2098 = arith.addi %mul3A_30, %mul3A_2097 : vector<16xi32>
    %add3A_2099 = arith.constant 44 : i32
    %add3A_2100 = vector.broadcast %add3A_2099 : i32 to vector<16xi32>
    %add3A_2101 = arith.addi %add3A_2098, %add3A_2100 : vector<16xi32>
    tpu.vector_store_idx %arg5[%add3A_2101], %add3A_2094 : memref<65536xf32, #tpu.memory_space<vmem>>[vector<16xi32>], vector<16xf32>,
    %get3A_2102 = arith.constant 109 : i32
    %get3A_2103 = arith.index_cast %get3A_2102 : i32 to index
    %get3A_2104 = arith.constant 0 : index
    %get3A_2105 = tpu.vector_load %arg4[%get3A_2103, %get3A_2104] {strides = array<i32>} : memref<132x16xf32, #tpu.memory_space<vmem>>, vector<16xf32>,
    %get3A_2106 = arith.constant 45 : i32
    %get3A_2107 = arith.index_cast %get3A_2106 : i32 to index
    %get3A_2108 = arith.constant 0 : index
    %get3A_2109 = tpu.vector_load %arg4[%get3A_2107, %get3A_2108] {strides = array<i32>} : memref<132x16xf32, #tpu.memory_space<vmem>>, vector<16xf32>,
    %mul3A_2110 = arith.mulf %get3A_2105, %get3A_9 : vector<16xf32>
    %mul3A_2111 = arith.mulf %select_n3A, %get3A_2109 : vector<16xf32>
    %mul3A_2112 = arith.mulf %mul3A_2111, %get3A_5 : vector<16xf32>
    %add3A_2113 = arith.addf %mul3A_2110, %mul3A_2112 : vector<16xf32>
    %mul3A_2114 = arith.constant 64 : i32
    %mul3A_2115 = vector.broadcast %mul3A_2114 : i32 to vector<16xi32>
    %mul3A_2116 = arith.muli %convert_element_type3A_18, %mul3A_2115 : vector<16xi32>
    %add3A_2117 = arith.addi %mul3A_30, %mul3A_2116 : vector<16xi32>
    %add3A_2118 = arith.constant 45 : i32
    %add3A_2119 = vector.broadcast %add3A_2118 : i32 to vector<16xi32>
    %add3A_2120 = arith.addi %add3A_2117, %add3A_2119 : vector<16xi32>
    tpu.vector_store_idx %arg5[%add3A_2120], %add3A_2113 : memref<65536xf32, #tpu.memory_space<vmem>>[vector<16xi32>], vector<16xf32>,
    %get3A_2121 = arith.constant 110 : i32
    %get3A_2122 = arith.index_cast %get3A_2121 : i32 to index
    %get3A_2123 = arith.constant 0 : index
    %get3A_2124 = tpu.vector_load %arg4[%get3A_2122, %get3A_2123] {strides = array<i32>} : memref<132x16xf32, #tpu.memory_space<vmem>>, vector<16xf32>,
    %get3A_2125 = arith.constant 46 : i32
    %get3A_2126 = arith.index_cast %get3A_2125 : i32 to index
    %get3A_2127 = arith.constant 0 : index
    %get3A_2128 = tpu.vector_load %arg4[%get3A_2126, %get3A_2127] {strides = array<i32>} : memref<132x16xf32, #tpu.memory_space<vmem>>, vector<16xf32>,
    %mul3A_2129 = arith.mulf %get3A_2124, %get3A_9 : vector<16xf32>
    %mul3A_2130 = arith.mulf %select_n3A, %get3A_2128 : vector<16xf32>
    %mul3A_2131 = arith.mulf %mul3A_2130, %get3A_5 : vector<16xf32>
    %add3A_2132 = arith.addf %mul3A_2129, %mul3A_2131 : vector<16xf32>
    %mul3A_2133 = arith.constant 64 : i32
    %mul3A_2134 = vector.broadcast %mul3A_2133 : i32 to vector<16xi32>
    %mul3A_2135 = arith.muli %convert_element_type3A_18, %mul3A_2134 : vector<16xi32>
    %add3A_2136 = arith.addi %mul3A_30, %mul3A_2135 : vector<16xi32>
    %add3A_2137 = arith.constant 46 : i32
    %add3A_2138 = vector.broadcast %add3A_2137 : i32 to vector<16xi32>
    %add3A_2139 = arith.addi %add3A_2136, %add3A_2138 : vector<16xi32>
    tpu.vector_store_idx %arg5[%add3A_2139], %add3A_2132 : memref<65536xf32, #tpu.memory_space<vmem>>[vector<16xi32>], vector<16xf32>,
    %get3A_2140 = arith.constant 111 : i32
    %get3A_2141 = arith.index_cast %get3A_2140 : i32 to index
    %get3A_2142 = arith.constant 0 : index
    %get3A_2143 = tpu.vector_load %arg4[%get3A_2141, %get3A_2142] {strides = array<i32>} : memref<132x16xf32, #tpu.memory_space<vmem>>, vector<16xf32>,
    %get3A_2144 = arith.constant 47 : i32
    %get3A_2145 = arith.index_cast %get3A_2144 : i32 to index
    %get3A_2146 = arith.constant 0 : index
    %get3A_2147 = tpu.vector_load %arg4[%get3A_2145, %get3A_2146] {strides = array<i32>} : memref<132x16xf32, #tpu.memory_space<vmem>>, vector<16xf32>,
    %mul3A_2148 = arith.mulf %get3A_2143, %get3A_9 : vector<16xf32>
    %mul3A_2149 = arith.mulf %select_n3A, %get3A_2147 : vector<16xf32>
    %mul3A_2150 = arith.mulf %mul3A_2149, %get3A_5 : vector<16xf32>
    %add3A_2151 = arith.addf %mul3A_2148, %mul3A_2150 : vector<16xf32>
    %mul3A_2152 = arith.constant 64 : i32
    %mul3A_2153 = vector.broadcast %mul3A_2152 : i32 to vector<16xi32>
    %mul3A_2154 = arith.muli %convert_element_type3A_18, %mul3A_2153 : vector<16xi32>
    %add3A_2155 = arith.addi %mul3A_30, %mul3A_2154 : vector<16xi32>
    %add3A_2156 = arith.constant 47 : i32
    %add3A_2157 = vector.broadcast %add3A_2156 : i32 to vector<16xi32>
    %add3A_2158 = arith.addi %add3A_2155, %add3A_2157 : vector<16xi32>
    tpu.vector_store_idx %arg5[%add3A_2158], %add3A_2151 : memref<65536xf32, #tpu.memory_space<vmem>>[vector<16xi32>], vector<16xf32>,
    %get3A_2159 = arith.constant 112 : i32
    %get3A_2160 = arith.index_cast %get3A_2159 : i32 to index
    %get3A_2161 = arith.constant 0 : index
    %get3A_2162 = tpu.vector_load %arg4[%get3A_2160, %get3A_2161] {strides = array<i32>} : memref<132x16xf32, #tpu.memory_space<vmem>>, vector<16xf32>,
    %get3A_2163 = arith.constant 48 : i32
    %get3A_2164 = arith.index_cast %get3A_2163 : i32 to index
    %get3A_2165 = arith.constant 0 : index
    %get3A_2166 = tpu.vector_load %arg4[%get3A_2164, %get3A_2165] {strides = array<i32>} : memref<132x16xf32, #tpu.memory_space<vmem>>, vector<16xf32>,
    %mul3A_2167 = arith.mulf %get3A_2162, %get3A_9 : vector<16xf32>
    %mul3A_2168 = arith.mulf %select_n3A, %get3A_2166 : vector<16xf32>
    %mul3A_2169 = arith.mulf %mul3A_2168, %get3A_5 : vector<16xf32>
    %add3A_2170 = arith.addf %mul3A_2167, %mul3A_2169 : vector<16xf32>
    %mul3A_2171 = arith.constant 64 : i32
    %mul3A_2172 = vector.broadcast %mul3A_2171 : i32 to vector<16xi32>
    %mul3A_2173 = arith.muli %convert_element_type3A_18, %mul3A_2172 : vector<16xi32>
    %add3A_2174 = arith.addi %mul3A_30, %mul3A_2173 : vector<16xi32>
    %add3A_2175 = arith.constant 48 : i32
    %add3A_2176 = vector.broadcast %add3A_2175 : i32 to vector<16xi32>
    %add3A_2177 = arith.addi %add3A_2174, %add3A_2176 : vector<16xi32>
    tpu.vector_store_idx %arg5[%add3A_2177], %add3A_2170 : memref<65536xf32, #tpu.memory_space<vmem>>[vector<16xi32>], vector<16xf32>,
    %get3A_2178 = arith.constant 113 : i32
    %get3A_2179 = arith.index_cast %get3A_2178 : i32 to index
    %get3A_2180 = arith.constant 0 : index
    %get3A_2181 = tpu.vector_load %arg4[%get3A_2179, %get3A_2180] {strides = array<i32>} : memref<132x16xf32, #tpu.memory_space<vmem>>, vector<16xf32>,
    %get3A_2182 = arith.constant 49 : i32
    %get3A_2183 = arith.index_cast %get3A_2182 : i32 to index
    %get3A_2184 = arith.constant 0 : index
    %get3A_2185 = tpu.vector_load %arg4[%get3A_2183, %get3A_2184] {strides = array<i32>} : memref<132x16xf32, #tpu.memory_space<vmem>>, vector<16xf32>,
    %mul3A_2186 = arith.mulf %get3A_2181, %get3A_9 : vector<16xf32>
    %mul3A_2187 = arith.mulf %select_n3A, %get3A_2185 : vector<16xf32>
    %mul3A_2188 = arith.mulf %mul3A_2187, %get3A_5 : vector<16xf32>
    %add3A_2189 = arith.addf %mul3A_2186, %mul3A_2188 : vector<16xf32>
    %mul3A_2190 = arith.constant 64 : i32
    %mul3A_2191 = vector.broadcast %mul3A_2190 : i32 to vector<16xi32>
    %mul3A_2192 = arith.muli %convert_element_type3A_18, %mul3A_2191 : vector<16xi32>
    %add3A_2193 = arith.addi %mul3A_30, %mul3A_2192 : vector<16xi32>
    %add3A_2194 = arith.constant 49 : i32
    %add3A_2195 = vector.broadcast %add3A_2194 : i32 to vector<16xi32>
    %add3A_2196 = arith.addi %add3A_2193, %add3A_2195 : vector<16xi32>
    tpu.vector_store_idx %arg5[%add3A_2196], %add3A_2189 : memref<65536xf32, #tpu.memory_space<vmem>>[vector<16xi32>], vector<16xf32>,
    %get3A_2197 = arith.constant 114 : i32
    %get3A_2198 = arith.index_cast %get3A_2197 : i32 to index
    %get3A_2199 = arith.constant 0 : index
    %get3A_2200 = tpu.vector_load %arg4[%get3A_2198, %get3A_2199] {strides = array<i32>} : memref<132x16xf32, #tpu.memory_space<vmem>>, vector<16xf32>,
    %get3A_2201 = arith.constant 50 : i32
    %get3A_2202 = arith.index_cast %get3A_2201 : i32 to index
    %get3A_2203 = arith.constant 0 : index
    %get3A_2204 = tpu.vector_load %arg4[%get3A_2202, %get3A_2203] {strides = array<i32>} : memref<132x16xf32, #tpu.memory_space<vmem>>, vector<16xf32>,
    %mul3A_2205 = arith.mulf %get3A_2200, %get3A_9 : vector<16xf32>
    %mul3A_2206 = arith.mulf %select_n3A, %get3A_2204 : vector<16xf32>
    %mul3A_2207 = arith.mulf %mul3A_2206, %get3A_5 : vector<16xf32>
    %add3A_2208 = arith.addf %mul3A_2205, %mul3A_2207 : vector<16xf32>
    %mul3A_2209 = arith.constant 64 : i32
    %mul3A_2210 = vector.broadcast %mul3A_2209 : i32 to vector<16xi32>
    %mul3A_2211 = arith.muli %convert_element_type3A_18, %mul3A_2210 : vector<16xi32>
    %add3A_2212 = arith.addi %mul3A_30, %mul3A_2211 : vector<16xi32>
    %add3A_2213 = arith.constant 50 : i32
    %add3A_2214 = vector.broadcast %add3A_2213 : i32 to vector<16xi32>
    %add3A_2215 = arith.addi %add3A_2212, %add3A_2214 : vector<16xi32>
    tpu.vector_store_idx %arg5[%add3A_2215], %add3A_2208 : memref<65536xf32, #tpu.memory_space<vmem>>[vector<16xi32>], vector<16xf32>,
    %get3A_2216 = arith.constant 115 : i32
    %get3A_2217 = arith.index_cast %get3A_2216 : i32 to index
    %get3A_2218 = arith.constant 0 : index
    %get3A_2219 = tpu.vector_load %arg4[%get3A_2217, %get3A_2218] {strides = array<i32>} : memref<132x16xf32, #tpu.memory_space<vmem>>, vector<16xf32>,
    %get3A_2220 = arith.constant 51 : i32
    %get3A_2221 = arith.index_cast %get3A_2220 : i32 to index
    %get3A_2222 = arith.constant 0 : index
    %get3A_2223 = tpu.vector_load %arg4[%get3A_2221, %get3A_2222] {strides = array<i32>} : memref<132x16xf32, #tpu.memory_space<vmem>>, vector<16xf32>,
    %mul3A_2224 = arith.mulf %get3A_2219, %get3A_9 : vector<16xf32>
    %mul3A_2225 = arith.mulf %select_n3A, %get3A_2223 : vector<16xf32>
    %mul3A_2226 = arith.mulf %mul3A_2225, %get3A_5 : vector<16xf32>
    %add3A_2227 = arith.addf %mul3A_2224, %mul3A_2226 : vector<16xf32>
    %mul3A_2228 = arith.constant 64 : i32
    %mul3A_2229 = vector.broadcast %mul3A_2228 : i32 to vector<16xi32>
    %mul3A_2230 = arith.muli %convert_element_type3A_18, %mul3A_2229 : vector<16xi32>
    %add3A_2231 = arith.addi %mul3A_30, %mul3A_2230 : vector<16xi32>
    %add3A_2232 = arith.constant 51 : i32
    %add3A_2233 = vector.broadcast %add3A_2232 : i32 to vector<16xi32>
    %add3A_2234 = arith.addi %add3A_2231, %add3A_2233 : vector<16xi32>
    tpu.vector_store_idx %arg5[%add3A_2234], %add3A_2227 : memref<65536xf32, #tpu.memory_space<vmem>>[vector<16xi32>], vector<16xf32>,
    %get3A_2235 = arith.constant 116 : i32
    %get3A_2236 = arith.index_cast %get3A_2235 : i32 to index
    %get3A_2237 = arith.constant 0 : index
    %get3A_2238 = tpu.vector_load %arg4[%get3A_2236, %get3A_2237] {strides = array<i32>} : memref<132x16xf32, #tpu.memory_space<vmem>>, vector<16xf32>,
    %get3A_2239 = arith.constant 52 : i32
    %get3A_2240 = arith.index_cast %get3A_2239 : i32 to index
    %get3A_2241 = arith.constant 0 : index
    %get3A_2242 = tpu.vector_load %arg4[%get3A_2240, %get3A_2241] {strides = array<i32>} : memref<132x16xf32, #tpu.memory_space<vmem>>, vector<16xf32>,
    %mul3A_2243 = arith.mulf %get3A_2238, %get3A_9 : vector<16xf32>
    %mul3A_2244 = arith.mulf %select_n3A, %get3A_2242 : vector<16xf32>
    %mul3A_2245 = arith.mulf %mul3A_2244, %get3A_5 : vector<16xf32>
    %add3A_2246 = arith.addf %mul3A_2243, %mul3A_2245 : vector<16xf32>
    %mul3A_2247 = arith.constant 64 : i32
    %mul3A_2248 = vector.broadcast %mul3A_2247 : i32 to vector<16xi32>
    %mul3A_2249 = arith.muli %convert_element_type3A_18, %mul3A_2248 : vector<16xi32>
    %add3A_2250 = arith.addi %mul3A_30, %mul3A_2249 : vector<16xi32>
    %add3A_2251 = arith.constant 52 : i32
    %add3A_2252 = vector.broadcast %add3A_2251 : i32 to vector<16xi32>
    %add3A_2253 = arith.addi %add3A_2250, %add3A_2252 : vector<16xi32>
    tpu.vector_store_idx %arg5[%add3A_2253], %add3A_2246 : memref<65536xf32, #tpu.memory_space<vmem>>[vector<16xi32>], vector<16xf32>,
    %get3A_2254 = arith.constant 117 : i32
    %get3A_2255 = arith.index_cast %get3A_2254 : i32 to index
    %get3A_2256 = arith.constant 0 : index
    %get3A_2257 = tpu.vector_load %arg4[%get3A_2255, %get3A_2256] {strides = array<i32>} : memref<132x16xf32, #tpu.memory_space<vmem>>, vector<16xf32>,
    %get3A_2258 = arith.constant 53 : i32
    %get3A_2259 = arith.index_cast %get3A_2258 : i32 to index
    %get3A_2260 = arith.constant 0 : index
    %get3A_2261 = tpu.vector_load %arg4[%get3A_2259, %get3A_2260] {strides = array<i32>} : memref<132x16xf32, #tpu.memory_space<vmem>>, vector<16xf32>,
    %mul3A_2262 = arith.mulf %get3A_2257, %get3A_9 : vector<16xf32>
    %mul3A_2263 = arith.mulf %select_n3A, %get3A_2261 : vector<16xf32>
    %mul3A_2264 = arith.mulf %mul3A_2263, %get3A_5 : vector<16xf32>
    %add3A_2265 = arith.addf %mul3A_2262, %mul3A_2264 : vector<16xf32>
    %mul3A_2266 = arith.constant 64 : i32
    %mul3A_2267 = vector.broadcast %mul3A_2266 : i32 to vector<16xi32>
    %mul3A_2268 = arith.muli %convert_element_type3A_18, %mul3A_2267 : vector<16xi32>
    %add3A_2269 = arith.addi %mul3A_30, %mul3A_2268 : vector<16xi32>
    %add3A_2270 = arith.constant 53 : i32
    %add3A_2271 = vector.broadcast %add3A_2270 : i32 to vector<16xi32>
    %add3A_2272 = arith.addi %add3A_2269, %add3A_2271 : vector<16xi32>
    tpu.vector_store_idx %arg5[%add3A_2272], %add3A_2265 : memref<65536xf32, #tpu.memory_space<vmem>>[vector<16xi32>], vector<16xf32>,
    %get3A_2273 = arith.constant 118 : i32
    %get3A_2274 = arith.index_cast %get3A_2273 : i32 to index
    %get3A_2275 = arith.constant 0 : index
    %get3A_2276 = tpu.vector_load %arg4[%get3A_2274, %get3A_2275] {strides = array<i32>} : memref<132x16xf32, #tpu.memory_space<vmem>>, vector<16xf32>,
    %get3A_2277 = arith.constant 54 : i32
    %get3A_2278 = arith.index_cast %get3A_2277 : i32 to index
    %get3A_2279 = arith.constant 0 : index
    %get3A_2280 = tpu.vector_load %arg4[%get3A_2278, %get3A_2279] {strides = array<i32>} : memref<132x16xf32, #tpu.memory_space<vmem>>, vector<16xf32>,
    %mul3A_2281 = arith.mulf %get3A_2276, %get3A_9 : vector<16xf32>
    %mul3A_2282 = arith.mulf %select_n3A, %get3A_2280 : vector<16xf32>
    %mul3A_2283 = arith.mulf %mul3A_2282, %get3A_5 : vector<16xf32>
    %add3A_2284 = arith.addf %mul3A_2281, %mul3A_2283 : vector<16xf32>
    %mul3A_2285 = arith.constant 64 : i32
    %mul3A_2286 = vector.broadcast %mul3A_2285 : i32 to vector<16xi32>
    %mul3A_2287 = arith.muli %convert_element_type3A_18, %mul3A_2286 : vector<16xi32>
    %add3A_2288 = arith.addi %mul3A_30, %mul3A_2287 : vector<16xi32>
    %add3A_2289 = arith.constant 54 : i32
    %add3A_2290 = vector.broadcast %add3A_2289 : i32 to vector<16xi32>
    %add3A_2291 = arith.addi %add3A_2288, %add3A_2290 : vector<16xi32>
    tpu.vector_store_idx %arg5[%add3A_2291], %add3A_2284 : memref<65536xf32, #tpu.memory_space<vmem>>[vector<16xi32>], vector<16xf32>,
    %get3A_2292 = arith.constant 119 : i32
    %get3A_2293 = arith.index_cast %get3A_2292 : i32 to index
    %get3A_2294 = arith.constant 0 : index
    %get3A_2295 = tpu.vector_load %arg4[%get3A_2293, %get3A_2294] {strides = array<i32>} : memref<132x16xf32, #tpu.memory_space<vmem>>, vector<16xf32>,
    %get3A_2296 = arith.constant 55 : i32
    %get3A_2297 = arith.index_cast %get3A_2296 : i32 to index
    %get3A_2298 = arith.constant 0 : index
    %get3A_2299 = tpu.vector_load %arg4[%get3A_2297, %get3A_2298] {strides = array<i32>} : memref<132x16xf32, #tpu.memory_space<vmem>>, vector<16xf32>,
    %mul3A_2300 = arith.mulf %get3A_2295, %get3A_9 : vector<16xf32>
    %mul3A_2301 = arith.mulf %select_n3A, %get3A_2299 : vector<16xf32>
    %mul3A_2302 = arith.mulf %mul3A_2301, %get3A_5 : vector<16xf32>
    %add3A_2303 = arith.addf %mul3A_2300, %mul3A_2302 : vector<16xf32>
    %mul3A_2304 = arith.constant 64 : i32
    %mul3A_2305 = vector.broadcast %mul3A_2304 : i32 to vector<16xi32>
    %mul3A_2306 = arith.muli %convert_element_type3A_18, %mul3A_2305 : vector<16xi32>
    %add3A_2307 = arith.addi %mul3A_30, %mul3A_2306 : vector<16xi32>
    %add3A_2308 = arith.constant 55 : i32
    %add3A_2309 = vector.broadcast %add3A_2308 : i32 to vector<16xi32>
    %add3A_2310 = arith.addi %add3A_2307, %add3A_2309 : vector<16xi32>
    tpu.vector_store_idx %arg5[%add3A_2310], %add3A_2303 : memref<65536xf32, #tpu.memory_space<vmem>>[vector<16xi32>], vector<16xf32>,
    %get3A_2311 = arith.constant 120 : i32
    %get3A_2312 = arith.index_cast %get3A_2311 : i32 to index
    %get3A_2313 = arith.constant 0 : index
    %get3A_2314 = tpu.vector_load %arg4[%get3A_2312, %get3A_2313] {strides = array<i32>} : memref<132x16xf32, #tpu.memory_space<vmem>>, vector<16xf32>,
    %get3A_2315 = arith.constant 56 : i32
    %get3A_2316 = arith.index_cast %get3A_2315 : i32 to index
    %get3A_2317 = arith.constant 0 : index
    %get3A_2318 = tpu.vector_load %arg4[%get3A_2316, %get3A_2317] {strides = array<i32>} : memref<132x16xf32, #tpu.memory_space<vmem>>, vector<16xf32>,
    %mul3A_2319 = arith.mulf %get3A_2314, %get3A_9 : vector<16xf32>
    %mul3A_2320 = arith.mulf %select_n3A, %get3A_2318 : vector<16xf32>
    %mul3A_2321 = arith.mulf %mul3A_2320, %get3A_5 : vector<16xf32>
    %add3A_2322 = arith.addf %mul3A_2319, %mul3A_2321 : vector<16xf32>
    %mul3A_2323 = arith.constant 64 : i32
    %mul3A_2324 = vector.broadcast %mul3A_2323 : i32 to vector<16xi32>
    %mul3A_2325 = arith.muli %convert_element_type3A_18, %mul3A_2324 : vector<16xi32>
    %add3A_2326 = arith.addi %mul3A_30, %mul3A_2325 : vector<16xi32>
    %add3A_2327 = arith.constant 56 : i32
    %add3A_2328 = vector.broadcast %add3A_2327 : i32 to vector<16xi32>
    %add3A_2329 = arith.addi %add3A_2326, %add3A_2328 : vector<16xi32>
    tpu.vector_store_idx %arg5[%add3A_2329], %add3A_2322 : memref<65536xf32, #tpu.memory_space<vmem>>[vector<16xi32>], vector<16xf32>,
    %get3A_2330 = arith.constant 121 : i32
    %get3A_2331 = arith.index_cast %get3A_2330 : i32 to index
    %get3A_2332 = arith.constant 0 : index
    %get3A_2333 = tpu.vector_load %arg4[%get3A_2331, %get3A_2332] {strides = array<i32>} : memref<132x16xf32, #tpu.memory_space<vmem>>, vector<16xf32>,
    %get3A_2334 = arith.constant 57 : i32
    %get3A_2335 = arith.index_cast %get3A_2334 : i32 to index
    %get3A_2336 = arith.constant 0 : index
    %get3A_2337 = tpu.vector_load %arg4[%get3A_2335, %get3A_2336] {strides = array<i32>} : memref<132x16xf32, #tpu.memory_space<vmem>>, vector<16xf32>,
    %mul3A_2338 = arith.mulf %get3A_2333, %get3A_9 : vector<16xf32>
    %mul3A_2339 = arith.mulf %select_n3A, %get3A_2337 : vector<16xf32>
    %mul3A_2340 = arith.mulf %mul3A_2339, %get3A_5 : vector<16xf32>
    %add3A_2341 = arith.addf %mul3A_2338, %mul3A_2340 : vector<16xf32>
    %mul3A_2342 = arith.constant 64 : i32
    %mul3A_2343 = vector.broadcast %mul3A_2342 : i32 to vector<16xi32>
    %mul3A_2344 = arith.muli %convert_element_type3A_18, %mul3A_2343 : vector<16xi32>
    %add3A_2345 = arith.addi %mul3A_30, %mul3A_2344 : vector<16xi32>
    %add3A_2346 = arith.constant 57 : i32
    %add3A_2347 = vector.broadcast %add3A_2346 : i32 to vector<16xi32>
    %add3A_2348 = arith.addi %add3A_2345, %add3A_2347 : vector<16xi32>
    tpu.vector_store_idx %arg5[%add3A_2348], %add3A_2341 : memref<65536xf32, #tpu.memory_space<vmem>>[vector<16xi32>], vector<16xf32>,
    %get3A_2349 = arith.constant 122 : i32
    %get3A_2350 = arith.index_cast %get3A_2349 : i32 to index
    %get3A_2351 = arith.constant 0 : index
    %get3A_2352 = tpu.vector_load %arg4[%get3A_2350, %get3A_2351] {strides = array<i32>} : memref<132x16xf32, #tpu.memory_space<vmem>>, vector<16xf32>,
    %get3A_2353 = arith.constant 58 : i32
    %get3A_2354 = arith.index_cast %get3A_2353 : i32 to index
    %get3A_2355 = arith.constant 0 : index
    %get3A_2356 = tpu.vector_load %arg4[%get3A_2354, %get3A_2355] {strides = array<i32>} : memref<132x16xf32, #tpu.memory_space<vmem>>, vector<16xf32>,
    %mul3A_2357 = arith.mulf %get3A_2352, %get3A_9 : vector<16xf32>
    %mul3A_2358 = arith.mulf %select_n3A, %get3A_2356 : vector<16xf32>
    %mul3A_2359 = arith.mulf %mul3A_2358, %get3A_5 : vector<16xf32>
    %add3A_2360 = arith.addf %mul3A_2357, %mul3A_2359 : vector<16xf32>
    %mul3A_2361 = arith.constant 64 : i32
    %mul3A_2362 = vector.broadcast %mul3A_2361 : i32 to vector<16xi32>
    %mul3A_2363 = arith.muli %convert_element_type3A_18, %mul3A_2362 : vector<16xi32>
    %add3A_2364 = arith.addi %mul3A_30, %mul3A_2363 : vector<16xi32>
    %add3A_2365 = arith.constant 58 : i32
    %add3A_2366 = vector.broadcast %add3A_2365 : i32 to vector<16xi32>
    %add3A_2367 = arith.addi %add3A_2364, %add3A_2366 : vector<16xi32>
    tpu.vector_store_idx %arg5[%add3A_2367], %add3A_2360 : memref<65536xf32, #tpu.memory_space<vmem>>[vector<16xi32>], vector<16xf32>,
    %get3A_2368 = arith.constant 123 : i32
    %get3A_2369 = arith.index_cast %get3A_2368 : i32 to index
    %get3A_2370 = arith.constant 0 : index
    %get3A_2371 = tpu.vector_load %arg4[%get3A_2369, %get3A_2370] {strides = array<i32>} : memref<132x16xf32, #tpu.memory_space<vmem>>, vector<16xf32>,
    %get3A_2372 = arith.constant 59 : i32
    %get3A_2373 = arith.index_cast %get3A_2372 : i32 to index
    %get3A_2374 = arith.constant 0 : index
    %get3A_2375 = tpu.vector_load %arg4[%get3A_2373, %get3A_2374] {strides = array<i32>} : memref<132x16xf32, #tpu.memory_space<vmem>>, vector<16xf32>,
    %mul3A_2376 = arith.mulf %get3A_2371, %get3A_9 : vector<16xf32>
    %mul3A_2377 = arith.mulf %select_n3A, %get3A_2375 : vector<16xf32>
    %mul3A_2378 = arith.mulf %mul3A_2377, %get3A_5 : vector<16xf32>
    %add3A_2379 = arith.addf %mul3A_2376, %mul3A_2378 : vector<16xf32>
    %mul3A_2380 = arith.constant 64 : i32
    %mul3A_2381 = vector.broadcast %mul3A_2380 : i32 to vector<16xi32>
    %mul3A_2382 = arith.muli %convert_element_type3A_18, %mul3A_2381 : vector<16xi32>
    %add3A_2383 = arith.addi %mul3A_30, %mul3A_2382 : vector<16xi32>
    %add3A_2384 = arith.constant 59 : i32
    %add3A_2385 = vector.broadcast %add3A_2384 : i32 to vector<16xi32>
    %add3A_2386 = arith.addi %add3A_2383, %add3A_2385 : vector<16xi32>
    tpu.vector_store_idx %arg5[%add3A_2386], %add3A_2379 : memref<65536xf32, #tpu.memory_space<vmem>>[vector<16xi32>], vector<16xf32>,
    %get3A_2387 = arith.constant 124 : i32
    %get3A_2388 = arith.index_cast %get3A_2387 : i32 to index
    %get3A_2389 = arith.constant 0 : index
    %get3A_2390 = tpu.vector_load %arg4[%get3A_2388, %get3A_2389] {strides = array<i32>} : memref<132x16xf32, #tpu.memory_space<vmem>>, vector<16xf32>,
    %get3A_2391 = arith.constant 60 : i32
    %get3A_2392 = arith.index_cast %get3A_2391 : i32 to index
    %get3A_2393 = arith.constant 0 : index
    %get3A_2394 = tpu.vector_load %arg4[%get3A_2392, %get3A_2393] {strides = array<i32>} : memref<132x16xf32, #tpu.memory_space<vmem>>, vector<16xf32>,
    %mul3A_2395 = arith.mulf %get3A_2390, %get3A_9 : vector<16xf32>
    %mul3A_2396 = arith.mulf %select_n3A, %get3A_2394 : vector<16xf32>
    %mul3A_2397 = arith.mulf %mul3A_2396, %get3A_5 : vector<16xf32>
    %add3A_2398 = arith.addf %mul3A_2395, %mul3A_2397 : vector<16xf32>
    %mul3A_2399 = arith.constant 64 : i32
    %mul3A_2400 = vector.broadcast %mul3A_2399 : i32 to vector<16xi32>
    %mul3A_2401 = arith.muli %convert_element_type3A_18, %mul3A_2400 : vector<16xi32>
    %add3A_2402 = arith.addi %mul3A_30, %mul3A_2401 : vector<16xi32>
    %add3A_2403 = arith.constant 60 : i32
    %add3A_2404 = vector.broadcast %add3A_2403 : i32 to vector<16xi32>
    %add3A_2405 = arith.addi %add3A_2402, %add3A_2404 : vector<16xi32>
    tpu.vector_store_idx %arg5[%add3A_2405], %add3A_2398 : memref<65536xf32, #tpu.memory_space<vmem>>[vector<16xi32>], vector<16xf32>,
    %get3A_2406 = arith.constant 125 : i32
    %get3A_2407 = arith.index_cast %get3A_2406 : i32 to index
    %get3A_2408 = arith.constant 0 : index
    %get3A_2409 = tpu.vector_load %arg4[%get3A_2407, %get3A_2408] {strides = array<i32>} : memref<132x16xf32, #tpu.memory_space<vmem>>, vector<16xf32>,
    %get3A_2410 = arith.constant 61 : i32
    %get3A_2411 = arith.index_cast %get3A_2410 : i32 to index
    %get3A_2412 = arith.constant 0 : index
    %get3A_2413 = tpu.vector_load %arg4[%get3A_2411, %get3A_2412] {strides = array<i32>} : memref<132x16xf32, #tpu.memory_space<vmem>>, vector<16xf32>,
    %mul3A_2414 = arith.mulf %get3A_2409, %get3A_9 : vector<16xf32>
    %mul3A_2415 = arith.mulf %select_n3A, %get3A_2413 : vector<16xf32>
    %mul3A_2416 = arith.mulf %mul3A_2415, %get3A_5 : vector<16xf32>
    %add3A_2417 = arith.addf %mul3A_2414, %mul3A_2416 : vector<16xf32>
    %mul3A_2418 = arith.constant 64 : i32
    %mul3A_2419 = vector.broadcast %mul3A_2418 : i32 to vector<16xi32>
    %mul3A_2420 = arith.muli %convert_element_type3A_18, %mul3A_2419 : vector<16xi32>
    %add3A_2421 = arith.addi %mul3A_30, %mul3A_2420 : vector<16xi32>
    %add3A_2422 = arith.constant 61 : i32
    %add3A_2423 = vector.broadcast %add3A_2422 : i32 to vector<16xi32>
    %add3A_2424 = arith.addi %add3A_2421, %add3A_2423 : vector<16xi32>
    tpu.vector_store_idx %arg5[%add3A_2424], %add3A_2417 : memref<65536xf32, #tpu.memory_space<vmem>>[vector<16xi32>], vector<16xf32>,
    %get3A_2425 = arith.constant 126 : i32
    %get3A_2426 = arith.index_cast %get3A_2425 : i32 to index
    %get3A_2427 = arith.constant 0 : index
    %get3A_2428 = tpu.vector_load %arg4[%get3A_2426, %get3A_2427] {strides = array<i32>} : memref<132x16xf32, #tpu.memory_space<vmem>>, vector<16xf32>,
    %get3A_2429 = arith.constant 62 : i32
    %get3A_2430 = arith.index_cast %get3A_2429 : i32 to index
    %get3A_2431 = arith.constant 0 : index
    %get3A_2432 = tpu.vector_load %arg4[%get3A_2430, %get3A_2431] {strides = array<i32>} : memref<132x16xf32, #tpu.memory_space<vmem>>, vector<16xf32>,
    %mul3A_2433 = arith.mulf %get3A_2428, %get3A_9 : vector<16xf32>
    %mul3A_2434 = arith.mulf %select_n3A, %get3A_2432 : vector<16xf32>
    %mul3A_2435 = arith.mulf %mul3A_2434, %get3A_5 : vector<16xf32>
    %add3A_2436 = arith.addf %mul3A_2433, %mul3A_2435 : vector<16xf32>
    %mul3A_2437 = arith.constant 64 : i32
    %mul3A_2438 = vector.broadcast %mul3A_2437 : i32 to vector<16xi32>
    %mul3A_2439 = arith.muli %convert_element_type3A_18, %mul3A_2438 : vector<16xi32>
    %add3A_2440 = arith.addi %mul3A_30, %mul3A_2439 : vector<16xi32>
    %add3A_2441 = arith.constant 62 : i32
    %add3A_2442 = vector.broadcast %add3A_2441 : i32 to vector<16xi32>
    %add3A_2443 = arith.addi %add3A_2440, %add3A_2442 : vector<16xi32>
    tpu.vector_store_idx %arg5[%add3A_2443], %add3A_2436 : memref<65536xf32, #tpu.memory_space<vmem>>[vector<16xi32>], vector<16xf32>,
    %get3A_2444 = arith.constant 127 : i32
    %get3A_2445 = arith.index_cast %get3A_2444 : i32 to index
    %get3A_2446 = arith.constant 0 : index
    %get3A_2447 = tpu.vector_load %arg4[%get3A_2445, %get3A_2446] {strides = array<i32>} : memref<132x16xf32, #tpu.memory_space<vmem>>, vector<16xf32>,
    %get3A_2448 = arith.constant 63 : i32
    %get3A_2449 = arith.index_cast %get3A_2448 : i32 to index
    %get3A_2450 = arith.constant 0 : index
    %get3A_2451 = tpu.vector_load %arg4[%get3A_2449, %get3A_2450] {strides = array<i32>} : memref<132x16xf32, #tpu.memory_space<vmem>>, vector<16xf32>,
    %mul3A_2452 = arith.mulf %get3A_2447, %get3A_9 : vector<16xf32>
    %mul3A_2453 = arith.mulf %select_n3A, %get3A_2451 : vector<16xf32>
    %mul3A_2454 = arith.mulf %mul3A_2453, %get3A_5 : vector<16xf32>
    %add3A_2455 = arith.addf %mul3A_2452, %mul3A_2454 : vector<16xf32>
    %mul3A_2456 = arith.constant 64 : i32
    %mul3A_2457 = vector.broadcast %mul3A_2456 : i32 to vector<16xi32>
    %mul3A_2458 = arith.muli %convert_element_type3A_18, %mul3A_2457 : vector<16xi32>
    %add3A_2459 = arith.addi %mul3A_30, %mul3A_2458 : vector<16xi32>
    %add3A_2460 = arith.constant 63 : i32
    %add3A_2461 = vector.broadcast %add3A_2460 : i32 to vector<16xi32>
    %add3A_2462 = arith.addi %add3A_2459, %add3A_2461 : vector<16xi32>
    tpu.vector_store_idx %arg5[%add3A_2462], %add3A_2455 : memref<65536xf32, #tpu.memory_space<vmem>>[vector<16xi32>], vector<16xf32>,
    %mul3A_2463 = arith.constant 4096 : i32
    %mul3A_2464 = arith.muli %mul3A_2, %mul3A_2463 : i32
    "tpu.region"() ({
      %run_scoped3A = tpu.sem_alloc : memref<!tpu.dma_semaphore, #tpu.memory_space<semaphore_mem>>
      %dma_start3A = tpu.memref_slice %arg3[%mul3A_2464] : memref<2097152xf32, #tpu.memory_space<hbm>> -> memref<65536xf32, #tpu.memory_space<hbm>>
      %dma_start3A_2465 = tpu.memref_slice %arg3[%mul3A_2464] : memref<2097152xf32, #tpu.memory_space<hbm>> -> memref<65536xf32, #tpu.memory_space<hbm>>
      tpu.enqueue_dma source(%arg5 : memref<65536xf32, #tpu.memory_space<vmem>>) target(%dma_start3A_2465 : memref<65536xf32, #tpu.memory_space<hbm>>) target_semaphore(%run_scoped3A : memref<!tpu.dma_semaphore, #tpu.memory_space<semaphore_mem>>)
      %dma_wait3A = tpu.memref_slice %arg3[%mul3A_2464] : memref<2097152xf32, #tpu.memory_space<hbm>> -> memref<65536xf32, #tpu.memory_space<hbm>>
      %dma_wait3A_2466 = tpu.memref_slice %arg3[%mul3A_2464] : memref<2097152xf32, #tpu.memory_space<hbm>> -> memref<65536xf32, #tpu.memory_space<hbm>>
      tpu.wait_dma2 semaphore(%run_scoped3A : memref<!tpu.dma_semaphore, #tpu.memory_space<semaphore_mem>>) src(%arg5 : memref<65536xf32, #tpu.memory_space<vmem>>) dst(%dma_wait3A_2466 : memref<65536xf32, #tpu.memory_space<hbm>>)
      tpu.yield
    }) : () -> ()
    return
  }
}

module attributes {stable_mosaic.version = 14 : i64} {
  func.func @_moe_body(%arg0: i32, %arg1: memref<512x2048xf32, #tpu.memory_space<vmem>>, %arg2: memref<512x2xi32, #tpu.memory_space<vmem>>, %arg3: memref<512x2xf32, #tpu.memory_space<vmem>>, %arg4: memref<2048x1024xbf16, #tpu.memory_space<vmem>>, %arg5: memref<64x1024xbf16, #tpu.memory_space<vmem>>, %arg6: memref<512x1024xf32, #tpu.memory_space<vmem>>, %arg7: memref<512x1024xf32, #tpu.memory_space<vmem>>) attributes {dimension_semantics = [#tpu.dimension_semantics<arbitrary>], iteration_bounds = array<i64: 2>, scalar_prefetch = 0 : i64, scratch_operands = 0 : i64, tpu.core_type = #tpu.core_type<tc>, window_params = [{transform_indices = @transform_0, window_bounds = array<i64: 512, 2048>}, {pipeline_mode = #tpu.pipeline_mode<synchronous>, transform_indices = @transform_1, window_bounds = array<i64: 512, 2>}, {pipeline_mode = #tpu.pipeline_mode<synchronous>, transform_indices = @transform_2, window_bounds = array<i64: 512, 2>}, {transform_indices = @transform_3, window_bounds = array<i64: 2048, 1024>}, {pipeline_mode = #tpu.pipeline_mode<synchronous>, transform_indices = @transform_4, window_bounds = array<i64: 64, 1024>}, {pipeline_mode = #tpu.pipeline_mode<synchronous>, transform_indices = @transform_5, window_bounds = array<i64: 512, 1024>}, {pipeline_mode = #tpu.pipeline_mode<synchronous>, transform_indices = @transform_6, window_bounds = array<i64: 512, 1024>}]} {
    %eq3A = arith.constant 0 : i32
    %eq3A_0 = arith.cmpi eq, %arg0, %eq3A : i32
    %convert_element_type3A = arith.extui %eq3A_0 : i1 to i32
    %cond3A = arith.constant 0 : i32
    %cond3A_1 = arith.cmpi ne, %convert_element_type3A, %cond3A : i32
    scf.if %cond3A_1 {
      %get3A_14 = arith.constant 0 : index
      %get3A_15 = arith.constant 0 : index
      %get3A_16 = vector.load %arg3[%get3A_14, %get3A_15] : memref<512x2xf32, #tpu.memory_space<vmem>>, vector<512x2xf32>
      %get3A_17 = arith.constant 0 : index
      %get3A_18 = arith.constant 0 : index
      %get3A_19 = vector.load %arg2[%get3A_17, %get3A_18] : memref<512x2xi32, #tpu.memory_space<vmem>>, vector<512x2xi32>
      %iota3A = tpu.iota {dimensions = array<i32: 2>} : vector<512x2x64xi32>
      %broadcast_in_dim3A = vector.shape_cast %get3A_19 : vector<512x2xi32> to vector<512x2x1xi32>
      %eq3A_20 = vector.broadcast %broadcast_in_dim3A : vector<512x2x1xi32> to vector<512x2x64xi32>
      %eq3A_21 = arith.cmpi eq, %eq3A_20, %iota3A : vector<512x2x64xi32>
      %broadcast_in_dim3A_22 = vector.shape_cast %get3A_16 : vector<512x2xf32> to vector<512x2x1xf32>
      %jit3A = arith.constant 0.000000e+00 : f32
      %broadcast_in_dim3A_23 = vector.shape_cast %broadcast_in_dim3A_22 : vector<512x2x1xf32> to vector<512x2x1xf32>
      %broadcast_in_dim3A_24 = vector.broadcast %broadcast_in_dim3A_23 : vector<512x2x1xf32> to vector<512x2x64xf32>
      %broadcast_in_dim3A_25 = vector.broadcast %jit3A : f32 to vector<512x2x64xf32>
      %select_n3A = arith.select %eq3A_21, %broadcast_in_dim3A_24, %broadcast_in_dim3A_25 : vector<512x2x64xi1>, vector<512x2x64xf32>
      %reduce_sum3A = arith.constant dense<0.000000e+00> : vector<512x64xf32>
      %reduce_sum3A_26 = vector.multi_reduction <add>, %select_n3A, %reduce_sum3A [1] : vector<512x2x64xf32> to vector<512x64xf32>
      %convert_element_type3A_27 = arith.truncf %reduce_sum3A_26 : vector<512x64xf32> to vector<512x64xbf16>
      %get3A_28 = arith.constant 0 : index
      %get3A_29 = arith.constant 0 : index
      %get3A_30 = vector.load %arg6[%get3A_28, %get3A_29] : memref<512x1024xf32, #tpu.memory_space<vmem>>, vector<512x1024xf32>
      %get3A_31 = arith.constant 0 : index
      %get3A_32 = arith.constant 0 : index
      %get3A_33 = vector.load %arg5[%get3A_31, %get3A_32] : memref<64x1024xbf16, #tpu.memory_space<vmem>>, vector<64x1024xbf16>
      %dot_general3A_34 = arith.constant dense<0.000000e+00> : vector<512x1024xf32>
      %dot_general3A_35 = tpu.matmul %convert_element_type3A_27, %get3A_33, %dot_general3A_34 {dimension_numbers = #tpu.dot_dimension_numbers<[1], [0], [0], [1], [0, 0, 1, 1], [], []>, transpose_lhs_hint = false} : vector<512x64xbf16>, vector<64x1024xbf16>, vector<512x1024xf32> -> vector<512x1024xf32>
      %add3A_36 = arith.addf %get3A_30, %dot_general3A_35 : vector<512x1024xf32>
      %swap3A_37 = arith.constant 0 : index
      %swap3A_38 = arith.constant 0 : index
      %swap3A_39 = vector.load %arg7[%swap3A_37, %swap3A_38] : memref<512x1024xf32, #tpu.memory_space<vmem>>, vector<512x1024xf32>
      tpu.vector_store %arg7[%swap3A_37, %swap3A_38], %add3A_36 {strides = array<i32>} : memref<512x1024xf32, #tpu.memory_space<vmem>>, vector<512x1024xf32>,
    } else {
    }
    %get3A = arith.constant 0 : index
    %get3A_2 = arith.constant 0 : index
    %get3A_3 = vector.load %arg1[%get3A, %get3A_2] : memref<512x2048xf32, #tpu.memory_space<vmem>>, vector<512x2048xf32>
    %convert_element_type3A_4 = arith.truncf %get3A_3 : vector<512x2048xf32> to vector<512x2048xbf16>
    %get3A_5 = arith.constant 0 : index
    %get3A_6 = arith.constant 0 : index
    %get3A_7 = vector.load %arg7[%get3A_5, %get3A_6] : memref<512x1024xf32, #tpu.memory_space<vmem>>, vector<512x1024xf32>
    %get3A_8 = arith.constant 0 : index
    %get3A_9 = arith.constant 0 : index
    %get3A_10 = vector.load %arg4[%get3A_8, %get3A_9] : memref<2048x1024xbf16, #tpu.memory_space<vmem>>, vector<2048x1024xbf16>
    %dot_general3A = arith.constant dense<0.000000e+00> : vector<512x1024xf32>
    %dot_general3A_11 = tpu.matmul %convert_element_type3A_4, %get3A_10, %dot_general3A {dimension_numbers = #tpu.dot_dimension_numbers<[1], [0], [0], [1], [0, 0, 1, 1], [], []>, transpose_lhs_hint = false} : vector<512x2048xbf16>, vector<2048x1024xbf16>, vector<512x1024xf32> -> vector<512x1024xf32>
    %add3A = arith.addf %get3A_7, %dot_general3A_11 : vector<512x1024xf32>
    %swap3A = arith.constant 0 : index
    %swap3A_12 = arith.constant 0 : index
    %swap3A_13 = vector.load %arg7[%swap3A, %swap3A_12] : memref<512x1024xf32, #tpu.memory_space<vmem>>, vector<512x1024xf32>
    tpu.vector_store %arg7[%swap3A, %swap3A_12], %add3A {strides = array<i32>} : memref<512x1024xf32, #tpu.memory_space<vmem>>, vector<512x1024xf32>,
    return
  }
  func.func @transform_0(%arg0: i32) -> (i32, i32) {
    %c0_i32 = arith.constant 0 : i32
    %c0_i32_0 = arith.constant 0 : i32
    return %c0_i32, %arg0 : i32, i32
  }
  func.func @transform_1(%arg0: i32) -> (i32, i32) {
    %c0_i32 = arith.constant 0 : i32
    %c0_i32_0 = arith.constant 0 : i32
    %c0_i32_1 = arith.constant 0 : i32
    return %c0_i32, %c0_i32_0 : i32, i32
  }
  func.func @transform_2(%arg0: i32) -> (i32, i32) {
    %c0_i32 = arith.constant 0 : i32
    %c0_i32_0 = arith.constant 0 : i32
    %c0_i32_1 = arith.constant 0 : i32
    return %c0_i32, %c0_i32_0 : i32, i32
  }
  func.func @transform_3(%arg0: i32) -> (i32, i32) {
    %c0_i32 = arith.constant 0 : i32
    %c0_i32_0 = arith.constant 0 : i32
    return %arg0, %c0_i32 : i32, i32
  }
  func.func @transform_4(%arg0: i32) -> (i32, i32) {
    %c0_i32 = arith.constant 0 : i32
    %c0_i32_0 = arith.constant 0 : i32
    %c0_i32_1 = arith.constant 0 : i32
    return %c0_i32, %c0_i32_0 : i32, i32
  }
  func.func @transform_5(%arg0: i32) -> (i32, i32) {
    %c0_i32 = arith.constant 0 : i32
    %c0_i32_0 = arith.constant 0 : i32
    %c0_i32_1 = arith.constant 0 : i32
    return %c0_i32, %c0_i32_0 : i32, i32
  }
  func.func @transform_6(%arg0: i32) -> (i32, i32) {
    %c0_i32 = arith.constant 0 : i32
    %c0_i32_0 = arith.constant 0 : i32
    %c0_i32_1 = arith.constant 0 : i32
    return %c0_i32, %c0_i32_0 : i32, i32
  }
}

</mosaic_0001>

<sc_bundles>
// kernel: kernel.4.cloned.1.call-start
scs
__scs_entry_jumppad:
0x0: {  	(pc) =	sbr.rel $0x88, $3  }
0x1: {  	(tag) =	ssettag $0x0;
	lr =	simm.s32 $0x1  }
0x2: {  	[smem:$0x3F9B] =	sst lr;
	_ =	strace $0xD0000000  }
0x3: {  	_ = 	snop  }
0x4: {  	_ = 	snop  }
0x5: {  	_ = 	snop  }
0x6: {  	_ = 	snop  }
0x7: {  	_ = 	snop  }
__scs_overlays_trampoline_lowered:
0x8: {  	[smem:$0x3FAA] =	sst s0  }
0x9: {  	[smem:$0x3FAB] =	sst s1  }
0xa: {  	[smem:$0x3FAC] =	sst s2  }
0xb: {  	[smem:$0x3FAD] =	sst s3  }
0xc: {  	[smem:$0x3FAE] =	sst s4  }
0xd: {  	[smem:$0x3FAF] =	sst s5  }
0xe: {  	[smem:$0x3FB0] =	sst s6  }
0xf: {  	[smem:$0x3FB1] =	sst s7  }
0x10: {  	[smem:$0x3FB2] =	sst s8  }
0x11: {  	[smem:$0x3FB3] =	sst s9;
	s0 =	simm.s32 @!p0 $0x0  }
0x12: {  	s1 =	sld [smem:$0x3F99];
	s0 =	simm.s32 @p0 $0x1  }
0x13: {  	[smem:$0x3FB4] =	sst s0;
	s0 =	simm.s32 @!p1 $0x0  }
0x14: {  	s2 =	sld [smem:$0x3F98];
	s0 =	simm.s32 @p1 $0x1  }
0x15: {  	[smem:$0x3FB5] =	sst s0;
	s0 =	simm.s32 @!p2 $0x0  }
0x16: {  	s3 =	sld [smem:$0x3FDB];
	s0 =	simm.s32 @p2 $0x1  }
0x17: {  	s4 =	simm.s32 $0x1BF5;
	[smem:$0x3FB7] =	sst s0  }
0x18: {  	s0 =	sld [smem:$0x3F9A];
	_ =	swait.ge [sflag:s4], $0x0  }
0x19: {  	s7 =	sld [smem:$0x3F9B]  }
0x1a: {  	s8 =	sadd.s32 $0xFFFFE003, lr  }
0x1b: {  	s9 =	sadd.s32 $0xFFFFFEF7, lr;
	s5 =	simm.s32 $0xFFFFFFFF;
	p2 =	slt.u32 s8, $0xFFFFF086  }
0x1c: {  	p1 =	slt.u32 s9, $0xF7A;
	s5 =	simm.s32 @!p2 $0x0  }
0x1d: {  	s5 =	simm.s32 @p1 $0x1;
	p0 =	seq.s32 s7, s2  }
0x1e: {  	s7 =	smul.u32 @!p0 $0xF7A, s2;
	p2 =	seq.s32 @!p0 s5, $0x0  }
0x1f: {  	s9 =	smul.u32 $0xF7A, s1;
	s8 =	simm.s32 @!p0 $0x1BF5;
	p2 =	por !p2, p0  }
0x20: {  	[sflag:s8] =	ssyncset.s32 @!p0 $0xFFFFF086;
	s6 =	sadd.s32 @!p0 s3, s7;
	s7 =	simm.s32 @!p0 $0x108  }
0x21: {  	s3 =	sadd.s32 s3, s9;
	s6 =	sadd.s32 @!p0 $0x88, s6;
	s7 =	simm.s32 @p2 $0x1082  }
0x22: {  	[simem:s7], [sflag:s8] =	dma.local @!p0 [hbm:s6], $0xF7A  }
0x23: {  	s9 =	sor.u32 $0xD0000000, s2;
	s6 =	simm.s32 $0x108;
	_ =	swait.ge @!p0 [sflag:s8], $0x0  }
0x24: {  	s3 =	sadd.s32 $0x88, s3;
	s6 =	simm.s32 @!p1 $0x1082;
	[sflag:s4] =	ssyncset.s32 $0xFFFFF086  }
0x25: {  	[simem:s6], [sflag:s4] =	dma.local [hbm:s3], $0xF7A  }
0x26: {  	[smem:$0x3F9B] =	sst s1;
	(tag) =	ssettag s2;
	_ =	strace s9  }
0x27: {  	s1 =	sld [smem:$0x3FAB]  }
0x28: {  	s2 =	sld [smem:$0x3FAC]  }
0x29: {  	s4 =	sld [smem:$0x3FAE]  }
0x2a: {  	p0 =	seq.s32 s5, $0x0;
	s5 =	sld [smem:$0x3FAF]  }
0x2b: {  	s6 =	sld [smem:$0x3FB0]  }
0x2c: {  	s7 =	sld [smem:$0x3FB1]  }
0x2d: {  	s3 =	simm.s32 $0x108;
	s8 =	sld [smem:$0x3FB2]  }
0x2e: {  	s3 =	simm.s32 @!p0 $0x1082;
	s9 =	sld [smem:$0x3FB3]  }
0x2f: {  	lr =	sadd.s32 s0, s3;
	s0 =	sld [smem:$0x3FAA]  }
0x30: {  	s3 =	sld [smem:$0x3FAD]  }
0x31: {  	[smem:$0x3FB6] =	sst s10  }
0x32: {  	s10 =	sld [smem:$0x3FB4];
	_ =	sdelay $0x3  }
0x33: {  	p0 =	seq.s32 s10, $0x1;
	s10 =	sld [smem:$0x3FB6];
	_ =	sdelay $0x3  }
0x34: {  	[smem:$0x3FB6] =	sst s10  }
0x35: {  	s10 =	sld [smem:$0x3FB5];
	_ =	sdelay $0x3  }
0x36: {  	p1 =	seq.s32 s10, $0x1;
	s10 =	sld [smem:$0x3FB6];
	_ =	sdelay $0x3  }
0x37: {  	[smem:$0x3FB6] =	sst s10  }
0x38: {  	s10 =	sld [smem:$0x3FB7]  }
0x39: {  	_ = 	snop;
	(pc) =	sbr.ind lr, $3  }
0x3a: {  	_ = 	snop  }
0x3b: {  	_ = 	snop  }
0x3c: {  	p2 =	seq.s32 s10, $0x1;
	s10 =	sld [smem:$0x3FB6]  }
0x3d: {  	_ =	shalt  }
0x3e: {  	_ =	shalt  }
0x3f: {  	_ =	shalt  }
0x40: {  	_ =	shalt  }
0x41: {  	_ =	shalt  }
0x42: {  	_ =	shalt  }
0x43: {  	_ =	shalt  }
0x44: {  	_ =	shalt  }
0x45: {  	_ =	shalt  }
0x46: {  	_ =	shalt  }
0x47: {  	_ =	shalt  }
0x48: {  	_ =	shalt  }
0x49: {  	_ =	shalt  }
0x4a: {  	_ =	shalt  }
0x4b: {  	_ =	shalt  }
0x4c: {  	_ =	shalt  }
0x4d: {  	_ =	shalt  }
0x4e: {  	_ =	shalt  }
0x4f: {  	_ =	shalt  }
0x50: {  	_ =	shalt  }
0x51: {  	_ =	shalt  }
0x52: {  	_ =	shalt  }
0x53: {  	_ =	shalt  }
0x54: {  	_ =	shalt  }
0x55: {  	_ =	shalt  }
0x56: {  	_ =	shalt  }
0x57: {  	_ =	shalt  }
0x58: {  	_ =	shalt  }
0x59: {  	_ =	shalt  }
0x5a: {  	_ =	shalt  }
0x5b: {  	_ =	shalt  }
0x5c: {  	_ =	shalt  }
0x5d: {  	_ =	shalt  }
0x5e: {  	_ =	shalt  }
0x5f: {  	_ =	shalt  }
0x60: {  	_ =	shalt  }
0x61: {  	_ =	shalt  }
0x62: {  	_ =	shalt  }
0x63: {  	_ =	shalt  }
0x64: {  	_ =	shalt  }
0x65: {  	_ =	shalt  }
0x66: {  	_ =	shalt  }
0x67: {  	_ =	shalt  }
0x68: {  	_ =	shalt  }
0x69: {  	_ =	shalt  }
0x6a: {  	_ =	shalt  }
0x6b: {  	_ =	shalt  }
0x6c: {  	_ =	shalt  }
0x6d: {  	_ =	shalt  }
0x6e: {  	_ =	shalt  }
0x6f: {  	_ =	shalt  }
0x70: {  	_ =	shalt  }
0x71: {  	_ =	shalt  }
0x72: {  	_ =	shalt  }
0x73: {  	_ =	shalt  }
0x74: {  	_ =	shalt  }
0x75: {  	_ =	shalt  }
0x76: {  	_ =	shalt  }
0x77: {  	_ =	shalt  }
0x78: {  	_ =	shalt  }
0x79: {  	_ =	shalt  }
0x7a: {  	_ =	shalt  }
0x7b: {  	_ =	shalt  }
0x7c: {  	_ =	shalt  }
0x7d: {  	_ =	shalt  }
0x7e: {  	_ =	shalt  }
0x7f: {  	_ =	shalt  }
0x80: {  	_ =	shalt  }
0x81: {  	_ =	shalt  }
0x82: {  	_ =	shalt  }
0x83: {  	_ =	shalt  }
0x84: {  	_ =	shalt  }
0x85: {  	_ =	shalt  }
0x86: {  	_ =	shalt  }
0x87: {  	_ =	shalt  }
.Lfunc_end0:
.L_simem_size_0:
called_computation_lowered:
.L_overlay_start_0:
0x88: {  	s2 =	sld [smem:$0x3FD9]  }
0x89: {  	s3 =	sld [smem:$0x3FFE];
	_ =	sdelay $0x1  }
0x8a: {  	s1 =	srdreg.scid  }
0x8b: {  	s0 =	sand.u32 $0x1, s1  }
0x8c: {  	s16 =	sshll.u32 s0, $0xA;
	s2 =	sadd.s32 s3, s2  }
0x8d: {  	s2 =	sadd.s32 s2, s16  }
0x8e: {  	[smem:$0x3FC2] =	sst s2  }
0x8f: {  	_ = 	snop  }
0x90: {  	(tm) =	ssettm $0x1  }
0x91: {  	s17 =	sld [smem:$0x3FFB];
	_ =	sdelay $0x3  }
0x92: {  	_ =	strace s17  }
0x93: {  	s2 =	sld [smem:$0x3FFC];
	_ =	sdelay $0x3  }
0x94: {  	_ =	strace s2  }
0x95: {  	s2 =	sld [smem:$0x3FFD];
	_ =	sdelay $0x3  }
0x96: {  	_ =	strace s2  }
0x97: {  	_ =	strace $0x8FFFFFFF  }
0x98: {  	s18 =	sld [smem:$0x3FDB];
	_ =	sdelay $0x1  }
0x99: {  	s19 =	simm.s32 $_scs_section_size  }
0x9a: {  	s4 =	simm.s32 $_size__tile_overlayer_lowered;
	s5 =	simm.s32 $_tile_overlayer_lowered  }
0x9b: {  	s22 =	simm.s32 $0x1BFF;
	s21 =	sshll.u32 s5, $0x1;
	s2 =	sadd.s32 s19, s18  }
0x9c: {  	s6 =	simm.s32 $0x0;
	s20 =	sshll.u32 s4, $0x1;
	s4 =	sadd.s32 s21, s2  }
0x9d: {  	[timem:s6], [sflag:s22] =	dma.local [hbm:s4], s20  }
0x9e: {  	_ =	swait.ge [sflag:s22], s20  }
0x9f: {  	s3 =	ssub.s32 $0x0, s20;
	[sflag:s22] =	ssyncset.done $0x0  }
0xa0: {  	[sflag:s22] =	ssyncadd.s32 s3;
	_ =	sdelay $0x1  }
0xa1: {  	s23 =	simm.s32 $0x1B8B  }
0xa2: {  	_ =	swait.ge [sflag:s23], $0x1  }
0xa3: {  	[sflag:s23] =	ssyncset.done $0x0  }
0xa4: {  	s25 =	simm.s32 $0x1B8E;
	s24 =	sld [smem:$0x3FFE];
	[sflag:s23] =	ssyncadd.s32 $0xFFFFFFFF  }
0xa5: {  	s26 =	simm.s32 $execute0_lowered;
	[smem:$0x3FD2] =	sst s25  }
0xa6: {  	s4 =	sshll.u32 s26, $0x1;
	_ =	strace $0x80000046;
	[dreg:$0x1] =	wrdreg $0xFFFFFFFF  }
0xa7: {  	s28 =	simm.s32 $_size_execute0_lowered;
	s2 =	sadd.s32 s2, s4;
	[dreg:$0x0] =	wrdreg $0x0  }
0xa8: {  	s4 =	sshll.u32 s28, $0x1;
	[dreg:$0x2] =	wrdreg s2  }
0xa9: {  	[dreg:$0x3] =	wrdreg s4  }
0xaa: {  	[dreg:$0x4] =	wrdreg $0xC0  }
0xab: {  	_ =	task [dreg:s6], $0x5FFFF  }
0xac: {  	[dreg:$0x1] =	wrdreg $0xFFFFFFFF  }
0xad: {  	[dreg:$0x0] =	wrdreg $0x60  }
0xae: {  	[dreg:$0x2] =	wrdreg s24  }
0xaf: {  	[dreg:$0x3] =	wrdreg $0x9  }
0xb0: {  	_ =	task.clear_ibuf [dreg:s6], $0x4FFFF;
	_ =	strace $0x90000046  }
0xb1: {  	s29 =	simm.s32 $0x9;
	_ =	strace $0x80000048  }
0xb2: {  	_ =	swait.ge [sflag:s29], $0x1  }
0xb3: {  	[sflag:s29] =	ssyncadd.s32 $0xFFFFFFFF  }
0xb4: {  	_ =	strace $0x90000048  }
0xb5: {  	_ =	sfence  }
0xb6: {  	s30 =	sld [smem:$0x0];
	_ =	sdelay $0x2  }
0xb7: {  	s31 =	sshll.u32 s1, $0xD;
	s1 =	sshrl.u32 s1, $0x2  }
0xb8: {  	s3 =	sand.u32 $0x4000, s31;
	s1 =	sadd.s32 s1, s30  }
0xb9: {  	s0 =	sor.u32 s3, s0;
	s1 =	sshll.u32 s1, $0x11  }
0xba: {  	s0 =	sor.u32 s1, s0  }
0xbb: {  	s0 =	sadd.s32 $0x8F2B, s0  }
0xbc: {  	[sflag:s0] =	ssyncadd.remote.s32 $0x1  }
0xbd: {  	_ =	sfence.sel $0xFFFF  }
0xbe: {  	[dreg:$0x0] =	wrdreg $0xFFFFFFFF;
	(pc) =	sbr.abs _section_cstart, $3  }
0xbf: {  	[dreg:$0x1] =	wrdreg $0xFFFFFFFF  }
0xc0: {  	_ =	task.clear_ibuf [dreg:s6], $0x2FFFF;
	_ =	strace $0x9FFFFFFF  }
0xc1: {  	(tm) =	ssettm $0x7FFFFFFF  }
tec
execute0_lowered:
.L_overlay_start_1:
0x0: {  	(tag) =	ssettag $0x1  }
0x1: {  	v0 =	vlaneseq.u32  }
0x2: {  	v0 =	vmul.u32 $0x1000, v0;
	_ =	sdelay $0x1  }
0x3: {  	v2 =	vor.u32 $0x1, v0  }
0x4: {  	[tilespmem:$0x1FC60] =	vst v2;
	v2 =	vor.u32 $0x2, v0  }
0x5: {  	[tilespmem:$0x1FC70] =	vst v2;
	v2 =	vor.u32 $0x3, v0  }
0x6: {  	[tilespmem:$0x1FC80] =	vst v2;
	v2 =	vor.u32 $0x4, v0  }
0x7: {  	[tilespmem:$0x1FC90] =	vst v2;
	v2 =	vor.u32 $0x5, v0  }
0x8: {  	[tilespmem:$0x1FCA0] =	vst v2;
	v2 =	vor.u32 $0x6, v0  }
0x9: {  	[tilespmem:$0x1FCB0] =	vst v2;
	v2 =	vor.u32 $0x7, v0  }
0xa: {  	[tilespmem:$0x1FCC0] =	vst v2;
	v2 =	vor.u32 $0x8, v0  }
0xb: {  	[tilespmem:$0x1FCD0] =	vst v2;
	v2 =	vor.u32 $0x9, v0  }
0xc: {  	[tilespmem:$0x1FCE0] =	vst v2;
	v2 =	vor.u32 $0xA, v0  }
0xd: {  	[tilespmem:$0x1FCF0] =	vst v2;
	v2 =	vor.u32 $0xB, v0  }
0xe: {  	[tilespmem:$0x1FD00] =	vst v2;
	v2 =	vor.u32 $0xC, v0  }
0xf: {  	[tilespmem:$0x1FD10] =	vst v2;
	v2 =	vor.u32 $0xD, v0  }
0x10: {  	[tilespmem:$0x1FD20] =	vst v2;
	v2 =	vor.u32 $0xE, v0  }
0x11: {  	[tilespmem:$0x1FD30] =	vst v2;
	v2 =	vor.u32 $0xF, v0  }
0x12: {  	[tilespmem:$0x1FD40] =	vst v2;
	v2 =	vor.u32 $0x10, v0  }
0x13: {  	[tilespmem:$0x1FD50] =	vst v2;
	v2 =	vor.u32 $0x11, v0  }
0x14: {  	[tilespmem:$0x1FD60] =	vst v2;
	v2 =	vor.u32 $0x12, v0  }
0x15: {  	[tilespmem:$0x1FD70] =	vst v2;
	v2 =	vor.u32 $0x13, v0  }
0x16: {  	[tilespmem:$0x1FD80] =	vst v2;
	v2 =	vor.u32 $0x14, v0  }
0x17: {  	[tilespmem:$0x1FD90] =	vst v2;
	v2 =	vor.u32 $0x15, v0  }
0x18: {  	[tilespmem:$0x1FDA0] =	vst v2;
	v2 =	vor.u32 $0x16, v0  }
0x19: {  	[tilespmem:$0x1FDB0] =	vst v2;
	v2 =	vor.u32 $0x17, v0  }
0x1a: {  	[tilespmem:$0x1FDC0] =	vst v2;
	v2 =	vor.u32 $0x18, v0  }
0x1b: {  	[tilespmem:$0x1FDD0] =	vst v2;
	v2 =	vor.u32 $0x19, v0  }
0x1c: {  	[tilespmem:$0x1FDE0] =	vst v2;
	v2 =	vor.u32 $0x1A, v0  }
0x1d: {  	[tilespmem:$0x1FDF0] =	vst v2;
	v2 =	vor.u32 $0x1B, v0  }
0x1e: {  	[tilespmem:$0x1FE00] =	vst v2;
	v2 =	vor.u32 $0x1C, v0  }
0x1f: {  	[tilespmem:$0x1FE10] =	vst v2;
	v2 =	vor.u32 $0x1D, v0  }
0x20: {  	[tilespmem:$0x1FE20] =	vst v2;
	v2 =	vor.u32 $0x1E, v0  }
0x21: {  	[tilespmem:$0x1FE30] =	vst v2;
	v2 =	vor.u32 $0x1F, v0  }
0x22: {  	[tilespmem:$0x1FE40] =	vst v2;
	v2 =	vor.u32 $0x20, v0  }
0x23: {  	[tilespmem:$0x1FE50] =	vst v2;
	v2 =	vor.u32 $0x21, v0  }
0x24: {  	[tilespmem:$0x1FE60] =	vst v2;
	v2 =	vor.u32 $0x22, v0  }
0x25: {  	[tilespmem:$0x1FE70] =	vst v2;
	v2 =	vor.u32 $0x23, v0  }
0x26: {  	[tilespmem:$0x1FE80] =	vst v2;
	v2 =	vor.u32 $0x24, v0  }
0x27: {  	[tilespmem:$0x1FE90] =	vst v2;
	v2 =	vor.u32 $0x25, v0  }
0x28: {  	[tilespmem:$0x1FEA0] =	vst v2;
	v2 =	vor.u32 $0x26, v0  }
0x29: {  	[tilespmem:$0x1FEB0] =	vst v2;
	v2 =	vor.u32 $0x27, v0  }
0x2a: {  	[tilespmem:$0x1FEC0] =	vst v2;
	v2 =	vor.u32 $0x28, v0  }
0x2b: {  	[tilespmem:$0x1FED0] =	vst v2;
	v2 =	vor.u32 $0x29, v0  }
0x2c: {  	[tilespmem:$0x1FEE0] =	vst v2;
	v2 =	vor.u32 $0x2A, v0  }
0x2d: {  	[tilespmem:$0x1FEF0] =	vst v2;
	v2 =	vor.u32 $0x2B, v0  }
0x2e: {  	[tilespmem:$0x1FF00] =	vst v2;
	v2 =	vor.u32 $0x2C, v0  }
0x2f: {  	[tilespmem:$0x1FF10] =	vst v2;
	v2 =	vor.u32 $0x2D, v0  }
0x30: {  	s3 =	rddreg [dreg:$0x0];
	s2 =	simm.s32 $0x0;
	[tilespmem:$0x1FF20] =	vst v2;
	v2 =	vor.u32 $0x2E, v0  }
0x31: {  	s1 =	srdreg.scid;
	[smem:$0x7FF] =	sst s2;
	[tilespmem:$0x1FF30] =	vst v2;
	v2 =	vor.u32 $0x2F, v0  }
0x32: {  	s4 =	sand.u32 $0x1, s1;
	s1 =	rddreg [dreg:$0x1];
	_ =	strace $0x80000047;
	[tilespmem:$0x1FF40] =	vst v2;
	v2 =	vor.u32 $0x30, v0  }
0x33: {  	[tilespmem:$0x1FF50] =	vst v2;
	v2 =	vor.u32 $0x31, v0  }
0x34: {  	[tilespmem:$0x1FF60] =	vst v2;
	v2 =	vor.u32 $0x32, v0  }
0x35: {  	[tilespmem:$0x1FF70] =	vst v2;
	v2 =	vor.u32 $0x33, v0  }
0x36: {  	[tilespmem:$0x1FF80] =	vst v2;
	v2 =	vor.u32 $0x34, v0  }
0x37: {  	s0 =	stileid.u32;
	[tilespmem:$0x1FF90] =	vst v2;
	v2 =	vor.u32 $0x35, v0  }
0x38: {  	s5 =	sshll.u32 s0, $0x1;
	[tilespmem:$0x1FFA0] =	vst v2;
	v2 =	vor.u32 $0x36, v0  }
0x39: {  	s5 =	sor.u32 s4, s5;
	s4 =	ssub.s32 $0x2, s4;
	[tilespmem:$0x1FFB0] =	vst v2;
	v2 =	vor.u32 $0x37, v0  }
0x3a: {  	s6 =	smul.u32 $0x880, s5;
	s5 =	sshll.u32 s5, $0xD;
	s7 =	sshrl.u32 s4, $0x1;
	[tilespmem:$0x1FFC0] =	vst v2;
	v2 =	vor.u32 $0x38, v0  }
0x3b: {  	s8 =	simm.s32 $0x0;
	s5 =	sadd.s32 s5, s3;
	s7 =	ssub.s32 s4, s7;
	[tilespmem:$0x1FFD0] =	vst v2;
	v2 =	vor.u32 $0x39, v0  }
0x3c: {  	s6 =	sadd.s32 s6, s3;
	s4 =	sadd.s32 $0x12C00, s5;
	s5 =	smax.u32 s7, $0x1;
	[tilespmem:$0x1FFE0] =	vst v2;
	v2 =	vor.u32 $0x3A, v0  }
0x3d: {  	v1 =	vimm.f32 $0.0e+00;
	s7 =	simm.s32 $0x4400;
	s3 =	sadd.s32 $0x1C00, s6;
	s6 =	simm.s32 $0x1;
	[tilespmem:$0x1FFF0] =	vst v2  }
.LBB2_1:
0x3e: {  	[tilespmem:s2], [sflag:$0x1] =	stream.linear.gather [hbm4b:s3+s2], $0x4200, $0x38;
	[tilespmem:$0x14400] =	vst v63  }
0x3f: {  	_ =	swait.ge [sflag:s6], $0x4200  }
0x40: {  	[sflag:s6] =	ssyncset.done $0x0  }
0x41: {  	[sflag:s6] =	ssyncadd.s32 $0xFFFFBE00  }
0x42: {  	v60 =	vld [tilespmem:$0x4000]  }
0x43: {  	v61 =	vld [tilespmem:$0x4080]  }
0x44: {  	v2 =	vld [tilespmem:$0x4100]  }
0x45: {  	s9 =	simm.s32 $0x0;
	s10 =	simm.s32 $0x400;
	v3 =	vld [tilespmem:$0x4180]  }
.LBB2_2:
0x46: {  	p0 =	sne.s32 s10, $0x3FC00;
	[tilespmem:s9+$0x44F0] =	vst v1  }
0x47: {  	[tilespmem:s9+$0x4400] =	vst v1  }
0x48: {  	[tilespmem:s9+$0x4410] =	vst v1  }
0x49: {  	[tilespmem:s9+$0x4420] =	vst v1  }
0x4a: {  	[tilespmem:s9+$0x4430] =	vst v1  }
0x4b: {  	[tilespmem:s9+$0x4440] =	vst v1  }
0x4c: {  	[tilespmem:s9+$0x4450] =	vst v1  }
0x4d: {  	[tilespmem:s9+$0x4460] =	vst v1  }
0x4e: {  	[tilespmem:s9+$0x4470] =	vst v1  }
0x4f: {  	[tilespmem:s9+$0x4480] =	vst v1  }
0x50: {  	[tilespmem:s9+$0x4490] =	vst v1  }
.Ltmp0:
0x51: {  	[tilespmem:s9+$0x44A0] =	vst v1;
	(pc) =	sbr.rel @p0 .LBB2_2-.Ltmp0, $4  }
0x52: {  	[tilespmem:s9+$0x44B0] =	vst v1  }
0x53: {  	[tilespmem:s9+$0x44C0] =	vst v1  }
0x54: {  	[tilespmem:s9+$0x44D0] =	vst v1  }
0x55: {  	[tilespmem:s9+$0x44E0] =	vst v1;
	s9 =	sshra.s32 s10, $0x2;
	s10 =	sadd.s32 $0x400, s10  }
0x56: {  	[tilespmem:s9+$0x44F0] =	vst v1  }
0x57: {  	[tilespmem:s9+$0x4400] =	vst v1  }
0x58: {  	[tilespmem:s9+$0x4410] =	vst v1  }
0x59: {  	[tilespmem:s9+$0x4420] =	vst v1  }
0x5a: {  	[tilespmem:s9+$0x4430] =	vst v1  }
0x5b: {  	[tilespmem:s9+$0x4440] =	vst v1  }
0x5c: {  	[tilespmem:s9+$0x4450] =	vst v1  }
0x5d: {  	[tilespmem:s9+$0x4460] =	vst v1  }
0x5e: {  	[tilespmem:s9+$0x4470] =	vst v1  }
0x5f: {  	[tilespmem:s9+$0x4480] =	vst v1  }
0x60: {  	[tilespmem:s9+$0x4490] =	vst v1  }
0x61: {  	[tilespmem:s9+$0x44A0] =	vst v1  }
0x62: {  	[tilespmem:s9+$0x44B0] =	vst v1  }
0x63: {  	[tilespmem:s9+$0x44C0] =	vst v1  }
0x64: {  	[tilespmem:s9+$0x44D0] =	vst v1  }
0x65: {  	[tilespmem:s9+$0x44E0] =	vst v1  }
0x66: {  	v2 =	vtrunc.f32 v2;
	v3 =	vtrunc.f32 v3;
	v4 =	vld [tilespmem:$0x2000]  }
0x67: {  	v2 =	vcvt.f32.s32 v2;
	v63 =	vcvt.f32.s32 v3  }
0x68: {  	v3 =	vld [tilespmem:$0x0]  }
0x69: {  	vm0 =	veq.s32 v2, v63;
	v7 =	vshll.u32 v2, $0x6  }
0x6a: {  	v62 =	vsel vm0, $0x3F800000, v1;
	v2 =	vadd.s32 v0, v7  }
0x6b: {  	v5 =	vand.u32 $0x40, v7;
	v2 =	vand.u32 $0xFFFFFF80, v2;
	v4 =	vmul.f32 v4, v62  }
0x6c: {  	v2 =	vor.u32 v5, v2  }
0x6d: {  	v3 =	vmul.f32 v3, v60;
	v4 =	vmul.f32 v4, v61;
	_ =	sdelay $0x1  }
0x6e: {  	v3 =	vadd.f32 v4, v3;
	_ =	sdelay $0x1  }
0x6f: {  	[tilespmem:v2+s7+$0x0] =	vst.idx.msk $0xffff, v3  }
0x70: {  	v2 =	vld [tilespmem:$0x2080]  }
0x71: {  	v11 =	vld [tilespmem:$0x1FC60]  }
0x72: {  	v3 =	vld [tilespmem:$0x80];
	_ =	sdelay $0x2  }
0x73: {  	v2 =	vmul.f32 v2, v62  }
0x74: {  	v13 =	vadd.s32 v11, v7  }
0x75: {  	v3 =	vmul.f32 v3, v60;
	v2 =	vmul.f32 v2, v61;
	_ =	sdelay $0x1  }
0x76: {  	v2 =	vadd.f32 v2, v3;
	_ =	sdelay $0x1  }
0x77: {  	[tilespmem:v13+s7+$0x0] =	vst.idx.msk $0xffff, v2  }
0x78: {  	v2 =	vld [tilespmem:$0x2100]  }
0x79: {  	v12 =	vld [tilespmem:$0x1FC70]  }
0x7a: {  	v3 =	vld [tilespmem:$0x100];
	_ =	sdelay $0x2  }
0x7b: {  	v2 =	vmul.f32 v2, v62  }
0x7c: {  	v14 =	vadd.s32 v12, v7  }
0x7d: {  	v3 =	vmul.f32 v3, v60;
	v2 =	vmul.f32 v2, v61;
	_ =	sdelay $0x1  }
0x7e: {  	v2 =	vadd.f32 v2, v3;
	_ =	sdelay $0x1  }
0x7f: {  	[tilespmem:v14+s7+$0x0] =	vst.idx.msk $0xffff, v2  }
0x80: {  	v2 =	vld [tilespmem:$0x2180]  }
0x81: {  	v13 =	vld [tilespmem:$0x1FC80]  }
0x82: {  	v3 =	vld [tilespmem:$0x180];
	_ =	sdelay $0x2  }
0x83: {  	v2 =	vmul.f32 v2, v62  }
0x84: {  	v15 =	vadd.s32 v13, v7  }
0x85: {  	v3 =	vmul.f32 v3, v60;
	v2 =	vmul.f32 v2, v61;
	_ =	sdelay $0x1  }
0x86: {  	v2 =	vadd.f32 v2, v3;
	_ =	sdelay $0x1  }
0x87: {  	[tilespmem:v15+s7+$0x0] =	vst.idx.msk $0xffff, v2  }
0x88: {  	v2 =	vld [tilespmem:$0x2200]  }
0x89: {  	v14 =	vld [tilespmem:$0x1FC90]  }
0x8a: {  	v3 =	vld [tilespmem:$0x200];
	_ =	sdelay $0x2  }
0x8b: {  	v2 =	vmul.f32 v2, v62  }
0x8c: {  	v16 =	vadd.s32 v14, v7  }
0x8d: {  	v3 =	vmul.f32 v3, v60;
	v2 =	vmul.f32 v2, v61;
	_ =	sdelay $0x1  }
0x8e: {  	v2 =	vadd.f32 v2, v3;
	_ =	sdelay $0x1  }
0x8f: {  	[tilespmem:v16+s7+$0x0] =	vst.idx.msk $0xffff, v2  }
0x90: {  	v2 =	vld [tilespmem:$0x2280]  }
0x91: {  	v15 =	vld [tilespmem:$0x1FCA0]  }
0x92: {  	v3 =	vld [tilespmem:$0x280];
	_ =	sdelay $0x2  }
0x93: {  	v2 =	vmul.f32 v2, v62  }
0x94: {  	v17 =	vadd.s32 v15, v7  }
0x95: {  	v3 =	vmul.f32 v3, v60;
	v2 =	vmul.f32 v2, v61;
	_ =	sdelay $0x1  }
0x96: {  	v2 =	vadd.f32 v2, v3;
	_ =	sdelay $0x1  }
0x97: {  	[tilespmem:v17+s7+$0x0] =	vst.idx.msk $0xffff, v2  }
0x98: {  	v2 =	vld [tilespmem:$0x2300]  }
0x99: {  	v16 =	vld [tilespmem:$0x1FCB0]  }
0x9a: {  	v3 =	vld [tilespmem:$0x300];
	_ =	sdelay $0x2  }
0x9b: {  	v2 =	vmul.f32 v2, v62  }
0x9c: {  	v18 =	vadd.s32 v16, v7  }
0x9d: {  	v3 =	vmul.f32 v3, v60;
	v2 =	vmul.f32 v2, v61;
	_ =	sdelay $0x1  }
0x9e: {  	v2 =	vadd.f32 v2, v3;
	_ =	sdelay $0x1  }
0x9f: {  	[tilespmem:v18+s7+$0x0] =	vst.idx.msk $0xffff, v2  }
0xa0: {  	v2 =	vld [tilespmem:$0x2380]  }
0xa1: {  	v17 =	vld [tilespmem:$0x1FCC0]  }
0xa2: {  	v3 =	vld [tilespmem:$0x380];
	_ =	sdelay $0x2  }
0xa3: {  	v2 =	vmul.f32 v2, v62  }
0xa4: {  	v19 =	vadd.s32 v17, v7  }
0xa5: {  	v3 =	vmul.f32 v3, v60;
	v2 =	vmul.f32 v2, v61;
	_ =	sdelay $0x1  }
0xa6: {  	v2 =	vadd.f32 v2, v3;
	_ =	sdelay $0x1  }
0xa7: {  	[tilespmem:v19+s7+$0x0] =	vst.idx.msk $0xffff, v2  }
0xa8: {  	v2 =	vld [tilespmem:$0x2400]  }
0xa9: {  	v18 =	vld [tilespmem:$0x1FCD0]  }
0xaa: {  	v3 =	vld [tilespmem:$0x400];
	_ =	sdelay $0x2  }
0xab: {  	v2 =	vmul.f32 v2, v62  }
0xac: {  	v20 =	vadd.s32 v18, v7  }
0xad: {  	v3 =	vmul.f32 v3, v60;
	v2 =	vmul.f32 v2, v61;
	_ =	sdelay $0x1  }
0xae: {  	v2 =	vadd.f32 v2, v3;
	_ =	sdelay $0x1  }
0xaf: {  	[tilespmem:v20+s7+$0x0] =	vst.idx.msk $0xffff, v2  }
0xb0: {  	v2 =	vld [tilespmem:$0x2480]  }
0xb1: {  	v19 =	vld [tilespmem:$0x1FCE0]  }
0xb2: {  	v3 =	vld [tilespmem:$0x480];
	_ =	sdelay $0x2  }
0xb3: {  	v2 =	vmul.f32 v2, v62  }
0xb4: {  	v21 =	vadd.s32 v19, v7  }
0xb5: {  	v3 =	vmul.f32 v3, v60;
	v2 =	vmul.f32 v2, v61;
	_ =	sdelay $0x1  }
0xb6: {  	v2 =	vadd.f32 v2, v3;
	_ =	sdelay $0x1  }
0xb7: {  	[tilespmem:v21+s7+$0x0] =	vst.idx.msk $0xffff, v2  }
0xb8: {  	v2 =	vld [tilespmem:$0x2500]  }
0xb9: {  	v20 =	vld [tilespmem:$0x1FCF0]  }
0xba: {  	v3 =	vld [tilespmem:$0x500];
	_ =	sdelay $0x2  }
0xbb: {  	v2 =	vmul.f32 v2, v62  }
0xbc: {  	v22 =	vadd.s32 v20, v7  }
0xbd: {  	v3 =	vmul.f32 v3, v60;
	v2 =	vmul.f32 v2, v61;
	_ =	sdelay $0x1  }
0xbe: {  	v2 =	vadd.f32 v2, v3;
	_ =	sdelay $0x1  }
0xbf: {  	[tilespmem:v22+s7+$0x0] =	vst.idx.msk $0xffff, v2  }
0xc0: {  	v2 =	vld [tilespmem:$0x2580]  }
0xc1: {  	v21 =	vld [tilespmem:$0x1FD00]  }
0xc2: {  	v3 =	vld [tilespmem:$0x580];
	_ =	sdelay $0x2  }
0xc3: {  	v2 =	vmul.f32 v2, v62  }
0xc4: {  	v23 =	vadd.s32 v21, v7  }
0xc5: {  	v3 =	vmul.f32 v3, v60;
	v2 =	vmul.f32 v2, v61;
	_ =	sdelay $0x1  }
0xc6: {  	v2 =	vadd.f32 v2, v3;
	_ =	sdelay $0x1  }
0xc7: {  	[tilespmem:v23+s7+$0x0] =	vst.idx.msk $0xffff, v2  }
0xc8: {  	v2 =	vld [tilespmem:$0x2600]  }
0xc9: {  	v22 =	vld [tilespmem:$0x1FD10]  }
0xca: {  	v3 =	vld [tilespmem:$0x600];
	_ =	sdelay $0x2  }
0xcb: {  	v2 =	vmul.f32 v2, v62  }
0xcc: {  	v24 =	vadd.s32 v22, v7  }
0xcd: {  	v3 =	vmul.f32 v3, v60;
	v2 =	vmul.f32 v2, v61;
	_ =	sdelay $0x1  }
0xce: {  	v2 =	vadd.f32 v2, v3;
	_ =	sdelay $0x1  }
0xcf: {  	[tilespmem:v24+s7+$0x0] =	vst.idx.msk $0xffff, v2  }
0xd0: {  	v2 =	vld [tilespmem:$0x2680]  }
0xd1: {  	v23 =	vld [tilespmem:$0x1FD20]  }
0xd2: {  	v3 =	vld [tilespmem:$0x680];
	_ =	sdelay $0x2  }
0xd3: {  	v2 =	vmul.f32 v2, v62  }
0xd4: {  	v25 =	vadd.s32 v23, v7  }
0xd5: {  	v3 =	vmul.f32 v3, v60;
	v2 =	vmul.f32 v2, v61;
	_ =	sdelay $0x1  }
0xd6: {  	v2 =	vadd.f32 v2, v3;
	_ =	sdelay $0x1  }
0xd7: {  	[tilespmem:v25+s7+$0x0] =	vst.idx.msk $0xffff, v2  }
0xd8: {  	v2 =	vld [tilespmem:$0x2700]  }
0xd9: {  	v24 =	vld [tilespmem:$0x1FD30]  }
0xda: {  	v3 =	vld [tilespmem:$0x700];
	_ =	sdelay $0x2  }
0xdb: {  	v2 =	vmul.f32 v2, v62  }
0xdc: {  	v26 =	vadd.s32 v24, v7  }
0xdd: {  	v3 =	vmul.f32 v3, v60;
	v2 =	vmul.f32 v2, v61;
	_ =	sdelay $0x1  }
0xde: {  	v2 =	vadd.f32 v2, v3;
	_ =	sdelay $0x1  }
0xdf: {  	[tilespmem:v26+s7+$0x0] =	vst.idx.msk $0xffff, v2  }
0xe0: {  	v2 =	vld [tilespmem:$0x2780]  }
0xe1: {  	v25 =	vld [tilespmem:$0x1FD40]  }
0xe2: {  	v3 =	vld [tilespmem:$0x780];
	_ =	sdelay $0x2  }
0xe3: {  	v2 =	vmul.f32 v2, v62  }
0xe4: {  	v27 =	vadd.s32 v25, v7  }
0xe5: {  	v3 =	vmul.f32 v3, v60;
	v2 =	vmul.f32 v2, v61;
	_ =	sdelay $0x1  }
0xe6: {  	v2 =	vadd.f32 v2, v3;
	_ =	sdelay $0x1  }
0xe7: {  	[tilespmem:v27+s7+$0x0] =	vst.idx.msk $0xffff, v2  }
0xe8: {  	v2 =	vld [tilespmem:$0x2800]  }
0xe9: {  	v26 =	vld [tilespmem:$0x1FD50]  }
0xea: {  	v3 =	vld [tilespmem:$0x800];
	_ =	sdelay $0x2  }
0xeb: {  	v2 =	vmul.f32 v2, v62  }
0xec: {  	v28 =	vadd.s32 v26, v7  }
0xed: {  	v3 =	vmul.f32 v3, v60;
	v2 =	vmul.f32 v2, v61;
	_ =	sdelay $0x1  }
0xee: {  	v2 =	vadd.f32 v2, v3;
	_ =	sdelay $0x1  }
0xef: {  	[tilespmem:v28+s7+$0x0] =	vst.idx.msk $0xffff, v2  }
0xf0: {  	v2 =	vld [tilespmem:$0x2880]  }
0xf1: {  	v27 =	vld [tilespmem:$0x1FD60]  }
0xf2: {  	v3 =	vld [tilespmem:$0x880];
	_ =	sdelay $0x2  }
0xf3: {  	v2 =	vmul.f32 v2, v62  }
0xf4: {  	v29 =	vadd.s32 v27, v7  }
0xf5: {  	v3 =	vmul.f32 v3, v60;
	v2 =	vmul.f32 v2, v61;
	_ =	sdelay $0x1  }
0xf6: {  	v2 =	vadd.f32 v2, v3;
	_ =	sdelay $0x1  }
0xf7: {  	[tilespmem:v29+s7+$0x0] =	vst.idx.msk $0xffff, v2  }
0xf8: {  	v2 =	vld [tilespmem:$0x2900]  }
0xf9: {  	v28 =	vld [tilespmem:$0x1FD70]  }
0xfa: {  	v3 =	vld [tilespmem:$0x900];
	_ =	sdelay $0x2  }
0xfb: {  	v2 =	vmul.f32 v2, v62  }
0xfc: {  	v30 =	vadd.s32 v28, v7  }
0xfd: {  	v3 =	vmul.f32 v3, v60;
	v2 =	vmul.f32 v2, v61;
	_ =	sdelay $0x1  }
0xfe: {  	v2 =	vadd.f32 v2, v3;
	_ =	sdelay $0x1  }
0xff: {  	[tilespmem:v30+s7+$0x0] =	vst.idx.msk $0xffff, v2  }
0x100: {  	v2 =	vld [tilespmem:$0x2980]  }
0x101: {  	v29 =	vld [tilespmem:$0x1FD80]  }
0x102: {  	v3 =	vld [tilespmem:$0x980];
	_ =	sdelay $0x2  }
0x103: {  	v2 =	vmul.f32 v2, v62  }
0x104: {  	v31 =	vadd.s32 v29, v7  }
0x105: {  	v3 =	vmul.f32 v3, v60;
	v2 =	vmul.f32 v2, v61;
	_ =	sdelay $0x1  }
0x106: {  	v2 =	vadd.f32 v2, v3;
	_ =	sdelay $0x1  }
0x107: {  	[tilespmem:v31+s7+$0x0] =	vst.idx.msk $0xffff, v2  }
0x108: {  	v2 =	vld [tilespmem:$0x2A00]  }
0x109: {  	v30 =	vld [tilespmem:$0x1FD90]  }
0x10a: {  	v3 =	vld [tilespmem:$0xA00];
	_ =	sdelay $0x2  }
0x10b: {  	v2 =	vmul.f32 v2, v62  }
0x10c: {  	v32 =	vadd.s32 v30, v7  }
0x10d: {  	v3 =	vmul.f32 v3, v60;
	v2 =	vmul.f32 v2, v61;
	_ =	sdelay $0x1  }
0x10e: {  	v2 =	vadd.f32 v2, v3;
	_ =	sdelay $0x1  }
0x10f: {  	[tilespmem:v32+s7+$0x0] =	vst.idx.msk $0xffff, v2  }
0x110: {  	v2 =	vld [tilespmem:$0x2A80]  }
0x111: {  	v31 =	vld [tilespmem:$0x1FDA0]  }
0x112: {  	v3 =	vld [tilespmem:$0xA80];
	_ =	sdelay $0x2  }
0x113: {  	v2 =	vmul.f32 v2, v62  }
0x114: {  	v33 =	vadd.s32 v31, v7  }
0x115: {  	v3 =	vmul.f32 v3, v60;
	v2 =	vmul.f32 v2, v61;
	_ =	sdelay $0x1  }
0x116: {  	v2 =	vadd.f32 v2, v3;
	_ =	sdelay $0x1  }
0x117: {  	[tilespmem:v33+s7+$0x0] =	vst.idx.msk $0xffff, v2  }
0x118: {  	v2 =	vld [tilespmem:$0x2B00]  }
0x119: {  	v32 =	vld [tilespmem:$0x1FDB0]  }
0x11a: {  	v3 =	vld [tilespmem:$0xB00];
	_ =	sdelay $0x2  }
0x11b: {  	v2 =	vmul.f32 v2, v62  }
0x11c: {  	v34 =	vadd.s32 v32, v7  }
0x11d: {  	v3 =	vmul.f32 v3, v60;
	v2 =	vmul.f32 v2, v61;
	_ =	sdelay $0x1  }
0x11e: {  	v2 =	vadd.f32 v2, v3;
	_ =	sdelay $0x1  }
0x11f: {  	[tilespmem:v34+s7+$0x0] =	vst.idx.msk $0xffff, v2  }
0x120: {  	v2 =	vld [tilespmem:$0x2B80]  }
0x121: {  	v33 =	vld [tilespmem:$0x1FDC0]  }
0x122: {  	v3 =	vld [tilespmem:$0xB80];
	_ =	sdelay $0x2  }
0x123: {  	v2 =	vmul.f32 v2, v62  }
0x124: {  	v35 =	vadd.s32 v33, v7  }
0x125: {  	v3 =	vmul.f32 v3, v60;
	v2 =	vmul.f32 v2, v61;
	_ =	sdelay $0x1  }
0x126: {  	v2 =	vadd.f32 v2, v3;
	_ =	sdelay $0x1  }
0x127: {  	[tilespmem:v35+s7+$0x0] =	vst.idx.msk $0xffff, v2  }
0x128: {  	v2 =	vld [tilespmem:$0x2C00]  }
0x129: {  	v34 =	vld [tilespmem:$0x1FDD0]  }
0x12a: {  	v3 =	vld [tilespmem:$0xC00];
	_ =	sdelay $0x2  }
0x12b: {  	v2 =	vmul.f32 v2, v62  }
0x12c: {  	v36 =	vadd.s32 v34, v7  }
0x12d: {  	v3 =	vmul.f32 v3, v60;
	v2 =	vmul.f32 v2, v61;
	_ =	sdelay $0x1  }
0x12e: {  	v2 =	vadd.f32 v2, v3;
	_ =	sdelay $0x1  }
0x12f: {  	[tilespmem:v36+s7+$0x0] =	vst.idx.msk $0xffff, v2  }
0x130: {  	v2 =	vld [tilespmem:$0x2C80]  }
0x131: {  	v35 =	vld [tilespmem:$0x1FDE0]  }
0x132: {  	v3 =	vld [tilespmem:$0xC80];
	_ =	sdelay $0x2  }
0x133: {  	v2 =	vmul.f32 v2, v62  }
0x134: {  	v37 =	vadd.s32 v35, v7  }
0x135: {  	v3 =	vmul.f32 v3, v60;
	v2 =	vmul.f32 v2, v61;
	_ =	sdelay $0x1  }
0x136: {  	v2 =	vadd.f32 v2, v3;
	_ =	sdelay $0x1  }
0x137: {  	[tilespmem:v37+s7+$0x0] =	vst.idx.msk $0xffff, v2  }
0x138: {  	v2 =	vld [tilespmem:$0x2D00]  }
0x139: {  	v36 =	vld [tilespmem:$0x1FDF0]  }
0x13a: {  	v3 =	vld [tilespmem:$0xD00];
	_ =	sdelay $0x2  }
0x13b: {  	v2 =	vmul.f32 v2, v62  }
0x13c: {  	v38 =	vadd.s32 v36, v7  }
0x13d: {  	v3 =	vmul.f32 v3, v60;
	v2 =	vmul.f32 v2, v61;
	_ =	sdelay $0x1  }
0x13e: {  	v2 =	vadd.f32 v2, v3;
	_ =	sdelay $0x1  }
0x13f: {  	[tilespmem:v38+s7+$0x0] =	vst.idx.msk $0xffff, v2  }
0x140: {  	v2 =	vld [tilespmem:$0x2D80]  }
0x141: {  	v37 =	vld [tilespmem:$0x1FE00]  }
0x142: {  	v3 =	vld [tilespmem:$0xD80];
	_ =	sdelay $0x2  }
0x143: {  	v2 =	vmul.f32 v2, v62  }
0x144: {  	v39 =	vadd.s32 v37, v7  }
0x145: {  	v3 =	vmul.f32 v3, v60;
	v2 =	vmul.f32 v2, v61;
	_ =	sdelay $0x1  }
0x146: {  	v2 =	vadd.f32 v2, v3;
	_ =	sdelay $0x1  }
0x147: {  	[tilespmem:v39+s7+$0x0] =	vst.idx.msk $0xffff, v2  }
0x148: {  	v2 =	vld [tilespmem:$0x2E00]  }
0x149: {  	v38 =	vld [tilespmem:$0x1FE10]  }
0x14a: {  	v3 =	vld [tilespmem:$0xE00];
	_ =	sdelay $0x2  }
0x14b: {  	v2 =	vmul.f32 v2, v62  }
0x14c: {  	v40 =	vadd.s32 v38, v7  }
0x14d: {  	v3 =	vmul.f32 v3, v60;
	v2 =	vmul.f32 v2, v61;
	_ =	sdelay $0x1  }
0x14e: {  	v2 =	vadd.f32 v2, v3;
	_ =	sdelay $0x1  }
0x14f: {  	[tilespmem:v40+s7+$0x0] =	vst.idx.msk $0xffff, v2  }
0x150: {  	v2 =	vld [tilespmem:$0x2E80]  }
0x151: {  	v39 =	vld [tilespmem:$0x1FE20]  }
0x152: {  	v3 =	vld [tilespmem:$0xE80];
	_ =	sdelay $0x2  }
0x153: {  	v2 =	vmul.f32 v2, v62  }
0x154: {  	v41 =	vadd.s32 v39, v7  }
0x155: {  	v3 =	vmul.f32 v3, v60;
	v2 =	vmul.f32 v2, v61;
	_ =	sdelay $0x1  }
0x156: {  	v2 =	vadd.f32 v2, v3;
	_ =	sdelay $0x1  }
0x157: {  	[tilespmem:v41+s7+$0x0] =	vst.idx.msk $0xffff, v2  }
0x158: {  	v2 =	vld [tilespmem:$0x2F00]  }
0x159: {  	v40 =	vld [tilespmem:$0x1FE30]  }
0x15a: {  	v3 =	vld [tilespmem:$0xF00];
	_ =	sdelay $0x2  }
0x15b: {  	v2 =	vmul.f32 v2, v62  }
0x15c: {  	v42 =	vadd.s32 v40, v7  }
0x15d: {  	v3 =	vmul.f32 v3, v60;
	v2 =	vmul.f32 v2, v61;
	_ =	sdelay $0x1  }
0x15e: {  	v2 =	vadd.f32 v2, v3;
	_ =	sdelay $0x1  }
0x15f: {  	[tilespmem:v42+s7+$0x0] =	vst.idx.msk $0xffff, v2  }
0x160: {  	v2 =	vld [tilespmem:$0x2F80]  }
0x161: {  	v41 =	vld [tilespmem:$0x1FE40]  }
0x162: {  	v3 =	vld [tilespmem:$0xF80];
	_ =	sdelay $0x2  }
0x163: {  	v2 =	vmul.f32 v2, v62  }
0x164: {  	v43 =	vadd.s32 v41, v7  }
0x165: {  	v3 =	vmul.f32 v3, v60;
	v2 =	vmul.f32 v2, v61;
	_ =	sdelay $0x1  }
0x166: {  	v2 =	vadd.f32 v2, v3;
	_ =	sdelay $0x1  }
0x167: {  	[tilespmem:v43+s7+$0x0] =	vst.idx.msk $0xffff, v2  }
0x168: {  	v2 =	vld [tilespmem:$0x3000]  }
0x169: {  	v42 =	vld [tilespmem:$0x1FE50]  }
0x16a: {  	v3 =	vld [tilespmem:$0x1000];
	_ =	sdelay $0x2  }
0x16b: {  	v2 =	vmul.f32 v2, v62  }
0x16c: {  	v44 =	vadd.s32 v42, v7  }
0x16d: {  	v3 =	vmul.f32 v3, v60;
	v2 =	vmul.f32 v2, v61;
	_ =	sdelay $0x1  }
0x16e: {  	v2 =	vadd.f32 v2, v3;
	_ =	sdelay $0x1  }
0x16f: {  	[tilespmem:v44+s7+$0x0] =	vst.idx.msk $0xffff, v2  }
0x170: {  	v2 =	vld [tilespmem:$0x3080]  }
0x171: {  	v43 =	vld [tilespmem:$0x1FE60]  }
0x172: {  	v3 =	vld [tilespmem:$0x1080];
	_ =	sdelay $0x2  }
0x173: {  	v2 =	vmul.f32 v2, v62  }
0x174: {  	v45 =	vadd.s32 v43, v7  }
0x175: {  	v3 =	vmul.f32 v3, v60;
	v2 =	vmul.f32 v2, v61;
	_ =	sdelay $0x1  }
0x176: {  	v2 =	vadd.f32 v2, v3;
	_ =	sdelay $0x1  }
0x177: {  	[tilespmem:v45+s7+$0x0] =	vst.idx.msk $0xffff, v2  }
0x178: {  	v2 =	vld [tilespmem:$0x3100]  }
0x179: {  	v44 =	vld [tilespmem:$0x1FE70]  }
0x17a: {  	v3 =	vld [tilespmem:$0x1100];
	_ =	sdelay $0x2  }
0x17b: {  	v2 =	vmul.f32 v2, v62  }
0x17c: {  	v46 =	vadd.s32 v44, v7  }
0x17d: {  	v3 =	vmul.f32 v3, v60;
	v2 =	vmul.f32 v2, v61;
	_ =	sdelay $0x1  }
0x17e: {  	v2 =	vadd.f32 v2, v3;
	_ =	sdelay $0x1  }
0x17f: {  	[tilespmem:v46+s7+$0x0] =	vst.idx.msk $0xffff, v2  }
0x180: {  	v2 =	vld [tilespmem:$0x3180]  }
0x181: {  	v45 =	vld [tilespmem:$0x1FE80]  }
0x182: {  	v3 =	vld [tilespmem:$0x1180];
	_ =	sdelay $0x2  }
0x183: {  	v2 =	vmul.f32 v2, v62  }
0x184: {  	v47 =	vadd.s32 v45, v7  }
0x185: {  	v3 =	vmul.f32 v3, v60;
	v2 =	vmul.f32 v2, v61;
	_ =	sdelay $0x1  }
0x186: {  	v2 =	vadd.f32 v2, v3;
	_ =	sdelay $0x1  }
0x187: {  	[tilespmem:v47+s7+$0x0] =	vst.idx.msk $0xffff, v2  }
0x188: {  	v2 =	vld [tilespmem:$0x3200]  }
0x189: {  	v46 =	vld [tilespmem:$0x1FE90]  }
0x18a: {  	v3 =	vld [tilespmem:$0x1200];
	_ =	sdelay $0x2  }
0x18b: {  	v2 =	vmul.f32 v2, v62  }
0x18c: {  	v48 =	vadd.s32 v46, v7  }
0x18d: {  	v3 =	vmul.f32 v3, v60;
	v2 =	vmul.f32 v2, v61;
	_ =	sdelay $0x1  }
0x18e: {  	v2 =	vadd.f32 v2, v3;
	_ =	sdelay $0x1  }
0x18f: {  	[tilespmem:v48+s7+$0x0] =	vst.idx.msk $0xffff, v2  }
0x190: {  	v2 =	vld [tilespmem:$0x3280]  }
0x191: {  	v47 =	vld [tilespmem:$0x1FEA0]  }
0x192: {  	v3 =	vld [tilespmem:$0x1280];
	_ =	sdelay $0x2  }
0x193: {  	v2 =	vmul.f32 v2, v62  }
0x194: {  	v49 =	vadd.s32 v47, v7  }
0x195: {  	v3 =	vmul.f32 v3, v60;
	v2 =	vmul.f32 v2, v61;
	_ =	sdelay $0x1  }
0x196: {  	v2 =	vadd.f32 v2, v3;
	_ =	sdelay $0x1  }
0x197: {  	[tilespmem:v49+s7+$0x0] =	vst.idx.msk $0xffff, v2  }
0x198: {  	v2 =	vld [tilespmem:$0x3300]  }
0x199: {  	v48 =	vld [tilespmem:$0x1FEB0]  }
0x19a: {  	v3 =	vld [tilespmem:$0x1300];
	_ =	sdelay $0x2  }
0x19b: {  	v2 =	vmul.f32 v2, v62  }
0x19c: {  	v50 =	vadd.s32 v48, v7  }
0x19d: {  	v3 =	vmul.f32 v3, v60;
	v2 =	vmul.f32 v2, v61;
	_ =	sdelay $0x1  }
0x19e: {  	v2 =	vadd.f32 v2, v3;
	_ =	sdelay $0x1  }
0x19f: {  	[tilespmem:v50+s7+$0x0] =	vst.idx.msk $0xffff, v2  }
0x1a0: {  	v2 =	vld [tilespmem:$0x3380]  }
0x1a1: {  	v49 =	vld [tilespmem:$0x1FEC0]  }
0x1a2: {  	v3 =	vld [tilespmem:$0x1380];
	_ =	sdelay $0x2  }
0x1a3: {  	v2 =	vmul.f32 v2, v62  }
0x1a4: {  	v51 =	vadd.s32 v49, v7  }
0x1a5: {  	v3 =	vmul.f32 v3, v60;
	v2 =	vmul.f32 v2, v61;
	_ =	sdelay $0x1  }
0x1a6: {  	v2 =	vadd.f32 v2, v3;
	_ =	sdelay $0x1  }
0x1a7: {  	[tilespmem:v51+s7+$0x0] =	vst.idx.msk $0xffff, v2  }
0x1a8: {  	v2 =	vld [tilespmem:$0x3400]  }
0x1a9: {  	v50 =	vld [tilespmem:$0x1FED0]  }
0x1aa: {  	v3 =	vld [tilespmem:$0x1400];
	_ =	sdelay $0x2  }
0x1ab: {  	v2 =	vmul.f32 v2, v62  }
0x1ac: {  	v52 =	vadd.s32 v50, v7  }
0x1ad: {  	v3 =	vmul.f32 v3, v60;
	v2 =	vmul.f32 v2, v61;
	_ =	sdelay $0x1  }
0x1ae: {  	v2 =	vadd.f32 v2, v3;
	_ =	sdelay $0x1  }
0x1af: {  	[tilespmem:v52+s7+$0x0] =	vst.idx.msk $0xffff, v2  }
0x1b0: {  	v2 =	vld [tilespmem:$0x3480]  }
0x1b1: {  	v51 =	vld [tilespmem:$0x1FEE0]  }
0x1b2: {  	v3 =	vld [tilespmem:$0x1480];
	_ =	sdelay $0x2  }
0x1b3: {  	v2 =	vmul.f32 v2, v62  }
0x1b4: {  	v53 =	vadd.s32 v51, v7  }
0x1b5: {  	v3 =	vmul.f32 v3, v60;
	v2 =	vmul.f32 v2, v61;
	_ =	sdelay $0x1  }
0x1b6: {  	v2 =	vadd.f32 v2, v3;
	_ =	sdelay $0x1  }
0x1b7: {  	[tilespmem:v53+s7+$0x0] =	vst.idx.msk $0xffff, v2  }
0x1b8: {  	v2 =	vld [tilespmem:$0x3500]  }
0x1b9: {  	v52 =	vld [tilespmem:$0x1FEF0]  }
0x1ba: {  	v3 =	vld [tilespmem:$0x1500];
	_ =	sdelay $0x2  }
0x1bb: {  	v2 =	vmul.f32 v2, v62  }
0x1bc: {  	v54 =	vadd.s32 v52, v7  }
0x1bd: {  	v3 =	vmul.f32 v3, v60;
	v2 =	vmul.f32 v2, v61;
	_ =	sdelay $0x1  }
0x1be: {  	v2 =	vadd.f32 v2, v3;
	_ =	sdelay $0x1  }
0x1bf: {  	[tilespmem:v54+s7+$0x0] =	vst.idx.msk $0xffff, v2  }
0x1c0: {  	v2 =	vld [tilespmem:$0x3580]  }
0x1c1: {  	v53 =	vld [tilespmem:$0x1FF00]  }
0x1c2: {  	v3 =	vld [tilespmem:$0x1580];
	_ =	sdelay $0x2  }
0x1c3: {  	v2 =	vmul.f32 v2, v62  }
0x1c4: {  	v55 =	vadd.s32 v53, v7  }
0x1c5: {  	v3 =	vmul.f32 v3, v60;
	v2 =	vmul.f32 v2, v61;
	_ =	sdelay $0x1  }
0x1c6: {  	v2 =	vadd.f32 v2, v3;
	_ =	sdelay $0x1  }
0x1c7: {  	[tilespmem:v55+s7+$0x0] =	vst.idx.msk $0xffff, v2  }
0x1c8: {  	v2 =	vld [tilespmem:$0x3600]  }
0x1c9: {  	v54 =	vld [tilespmem:$0x1FF10]  }
0x1ca: {  	v3 =	vld [tilespmem:$0x1600];
	_ =	sdelay $0x2  }
0x1cb: {  	v2 =	vmul.f32 v2, v62  }
0x1cc: {  	v56 =	vadd.s32 v54, v7  }
0x1cd: {  	v3 =	vmul.f32 v3, v60;
	v2 =	vmul.f32 v2, v61;
	_ =	sdelay $0x1  }
0x1ce: {  	v2 =	vadd.f32 v2, v3;
	_ =	sdelay $0x1  }
0x1cf: {  	[tilespmem:v56+s7+$0x0] =	vst.idx.msk $0xffff, v2  }
0x1d0: {  	v2 =	vld [tilespmem:$0x3680]  }
0x1d1: {  	v55 =	vld [tilespmem:$0x1FF20]  }
0x1d2: {  	v3 =	vld [tilespmem:$0x1680];
	_ =	sdelay $0x2  }
0x1d3: {  	v2 =	vmul.f32 v2, v62  }
0x1d4: {  	v57 =	vadd.s32 v55, v7  }
0x1d5: {  	v3 =	vmul.f32 v3, v60;
	v2 =	vmul.f32 v2, v61;
	_ =	sdelay $0x1  }
0x1d6: {  	v2 =	vadd.f32 v2, v3;
	_ =	sdelay $0x1  }
0x1d7: {  	[tilespmem:v57+s7+$0x0] =	vst.idx.msk $0xffff, v2  }
0x1d8: {  	v2 =	vld [tilespmem:$0x3700]  }
0x1d9: {  	v56 =	vld [tilespmem:$0x1FF30]  }
0x1da: {  	v3 =	vld [tilespmem:$0x1700];
	_ =	sdelay $0x2  }
0x1db: {  	v2 =	vmul.f32 v2, v62  }
0x1dc: {  	v58 =	vadd.s32 v56, v7  }
0x1dd: {  	v3 =	vmul.f32 v3, v60;
	v2 =	vmul.f32 v2, v61;
	_ =	sdelay $0x1  }
0x1de: {  	v2 =	vadd.f32 v2, v3;
	_ =	sdelay $0x1  }
0x1df: {  	[tilespmem:v58+s7+$0x0] =	vst.idx.msk $0xffff, v2  }
0x1e0: {  	v2 =	vld [tilespmem:$0x3780]  }
0x1e1: {  	v57 =	vld [tilespmem:$0x1FF40]  }
0x1e2: {  	v3 =	vld [tilespmem:$0x1780];
	_ =	sdelay $0x2  }
0x1e3: {  	v2 =	vmul.f32 v2, v62  }
0x1e4: {  	v59 =	vadd.s32 v57, v7  }
0x1e5: {  	v3 =	vmul.f32 v3, v60;
	v2 =	vmul.f32 v2, v61;
	_ =	sdelay $0x1  }
0x1e6: {  	v2 =	vadd.f32 v2, v3;
	_ =	sdelay $0x1  }
0x1e7: {  	[tilespmem:v59+s7+$0x0] =	vst.idx.msk $0xffff, v2  }
0x1e8: {  	v2 =	vld [tilespmem:$0x3800]  }
0x1e9: {  	v58 =	vld [tilespmem:$0x1FF50]  }
0x1ea: {  	v3 =	vld [tilespmem:$0x1800];
	_ =	sdelay $0x2  }
0x1eb: {  	v2 =	vmul.f32 v2, v62  }
0x1ec: {  	v8 =	vadd.s32 v58, v7  }
0x1ed: {  	v3 =	vmul.f32 v3, v60;
	v2 =	vmul.f32 v2, v61;
	_ =	sdelay $0x1  }
0x1ee: {  	v2 =	vadd.f32 v2, v3;
	_ =	sdelay $0x1  }
0x1ef: {  	[tilespmem:v8+s7+$0x0] =	vst.idx.msk $0xffff, v2  }
0x1f0: {  	v2 =	vld [tilespmem:$0x3880]  }
0x1f1: {  	v59 =	vld [tilespmem:$0x1FF60]  }
0x1f2: {  	v3 =	vld [tilespmem:$0x1880];
	_ =	sdelay $0x2  }
0x1f3: {  	v2 =	vmul.f32 v2, v62  }
0x1f4: {  	v9 =	vadd.s32 v59, v7  }
0x1f5: {  	v3 =	vmul.f32 v3, v60;
	v2 =	vmul.f32 v2, v61;
	_ =	sdelay $0x1  }
0x1f6: {  	v2 =	vadd.f32 v2, v3;
	_ =	sdelay $0x1  }
0x1f7: {  	[tilespmem:v9+s7+$0x0] =	vst.idx.msk $0xffff, v2  }
0x1f8: {  	v2 =	vld [tilespmem:$0x3900]  }
0x1f9: {  	v10 =	vld [tilespmem:$0x1FF70]  }
0x1fa: {  	v3 =	vld [tilespmem:$0x1900];
	_ =	sdelay $0x2  }
0x1fb: {  	v2 =	vmul.f32 v2, v62  }
0x1fc: {  	v4 =	vadd.s32 v10, v7  }
0x1fd: {  	v3 =	vmul.f32 v3, v60;
	v2 =	vmul.f32 v2, v61;
	_ =	sdelay $0x1  }
0x1fe: {  	v2 =	vadd.f32 v2, v3;
	_ =	sdelay $0x1  }
0x1ff: {  	[tilespmem:v4+s7+$0x0] =	vst.idx.msk $0xffff, v2  }
0x200: {  	v2 =	vld [tilespmem:$0x3980]  }
0x201: {  	v8 =	vld [tilespmem:$0x1FF80]  }
0x202: {  	v3 =	vld [tilespmem:$0x1980];
	_ =	sdelay $0x2  }
0x203: {  	v2 =	vmul.f32 v2, v62  }
0x204: {  	v4 =	vadd.s32 v8, v7  }
0x205: {  	v3 =	vmul.f32 v3, v60;
	v2 =	vmul.f32 v2, v61;
	_ =	sdelay $0x1  }
0x206: {  	v2 =	vadd.f32 v2, v3;
	_ =	sdelay $0x1  }
0x207: {  	[tilespmem:v4+s7+$0x0] =	vst.idx.msk $0xffff, v2  }
0x208: {  	v2 =	vld [tilespmem:$0x3A00]  }
0x209: {  	v9 =	vld [tilespmem:$0x1FF90]  }
0x20a: {  	v3 =	vld [tilespmem:$0x1A00];
	_ =	sdelay $0x2  }
0x20b: {  	v2 =	vmul.f32 v2, v62  }
0x20c: {  	v4 =	vadd.s32 v9, v7  }
0x20d: {  	v3 =	vmul.f32 v3, v60;
	v2 =	vmul.f32 v2, v61;
	_ =	sdelay $0x1  }
0x20e: {  	v2 =	vadd.f32 v2, v3;
	_ =	sdelay $0x1  }
0x20f: {  	[tilespmem:v4+s7+$0x0] =	vst.idx.msk $0xffff, v2  }
0x210: {  	v2 =	vld [tilespmem:$0x3A80]  }
0x211: {  	v10 =	vld [tilespmem:$0x1FFA0]  }
0x212: {  	v3 =	vld [tilespmem:$0x1A80];
	_ =	sdelay $0x2  }
0x213: {  	v2 =	vmul.f32 v2, v62  }
0x214: {  	v4 =	vadd.s32 v10, v7  }
0x215: {  	v3 =	vmul.f32 v3, v60;
	v2 =	vmul.f32 v2, v61;
	_ =	sdelay $0x1  }
0x216: {  	v2 =	vadd.f32 v2, v3;
	_ =	sdelay $0x1  }
0x217: {  	[tilespmem:v4+s7+$0x0] =	vst.idx.msk $0xffff, v2  }
0x218: {  	v2 =	vld [tilespmem:$0x3B00]  }
0x219: {  	v8 =	vld [tilespmem:$0x1FFB0]  }
0x21a: {  	v3 =	vld [tilespmem:$0x1B00];
	_ =	sdelay $0x2  }
0x21b: {  	v2 =	vmul.f32 v2, v62  }
0x21c: {  	v4 =	vadd.s32 v8, v7  }
0x21d: {  	v3 =	vmul.f32 v3, v60;
	v2 =	vmul.f32 v2, v61;
	_ =	sdelay $0x1  }
0x21e: {  	v2 =	vadd.f32 v2, v3;
	_ =	sdelay $0x1  }
0x21f: {  	[tilespmem:v4+s7+$0x0] =	vst.idx.msk $0xffff, v2  }
0x220: {  	v2 =	vld [tilespmem:$0x3B80]  }
0x221: {  	v9 =	vld [tilespmem:$0x1FFC0]  }
0x222: {  	v3 =	vld [tilespmem:$0x1B80];
	_ =	sdelay $0x2  }
0x223: {  	v2 =	vmul.f32 v2, v62  }
0x224: {  	v4 =	vadd.s32 v9, v7  }
0x225: {  	v3 =	vmul.f32 v3, v60;
	v2 =	vmul.f32 v2, v61;
	_ =	sdelay $0x1  }
0x226: {  	v2 =	vadd.f32 v2, v3;
	_ =	sdelay $0x1  }
0x227: {  	[tilespmem:v4+s7+$0x0] =	vst.idx.msk $0xffff, v2  }
0x228: {  	v2 =	vld [tilespmem:$0x3C00]  }
0x229: {  	v10 =	vld [tilespmem:$0x1FFD0]  }
0x22a: {  	v3 =	vld [tilespmem:$0x1C00];
	_ =	sdelay $0x2  }
0x22b: {  	v2 =	vmul.f32 v2, v62  }
0x22c: {  	v4 =	vadd.s32 v10, v7  }
0x22d: {  	v3 =	vmul.f32 v3, v60;
	v2 =	vmul.f32 v2, v61;
	_ =	sdelay $0x1  }
0x22e: {  	v2 =	vadd.f32 v2, v3;
	_ =	sdelay $0x1  }
0x22f: {  	[tilespmem:v4+s7+$0x0] =	vst.idx.msk $0xffff, v2  }
0x230: {  	v2 =	vld [tilespmem:$0x3C80]  }
0x231: {  	v8 =	vld [tilespmem:$0x1FFE0]  }
0x232: {  	v3 =	vld [tilespmem:$0x1C80];
	_ =	sdelay $0x2  }
0x233: {  	v2 =	vmul.f32 v2, v62  }
0x234: {  	v4 =	vadd.s32 v8, v7  }
0x235: {  	v3 =	vmul.f32 v3, v60;
	v2 =	vmul.f32 v2, v61;
	_ =	sdelay $0x1  }
0x236: {  	v2 =	vadd.f32 v2, v3;
	_ =	sdelay $0x1  }
0x237: {  	[tilespmem:v4+s7+$0x0] =	vst.idx.msk $0xffff, v2  }
0x238: {  	v2 =	vld [tilespmem:$0x3D00]  }
0x239: {  	v9 =	vld [tilespmem:$0x1FFF0]  }
0x23a: {  	v3 =	vld [tilespmem:$0x1D00];
	_ =	sdelay $0x2  }
0x23b: {  	v2 =	vmul.f32 v2, v62  }
0x23c: {  	v4 =	vadd.s32 v9, v7  }
0x23d: {  	v3 =	vmul.f32 v3, v60;
	v2 =	vmul.f32 v2, v61;
	_ =	sdelay $0x1  }
0x23e: {  	v2 =	vadd.f32 v2, v3;
	_ =	sdelay $0x1  }
0x23f: {  	[tilespmem:v4+s7+$0x0] =	vst.idx.msk $0xffff, v2  }
0x240: {  	v2 =	vld [tilespmem:$0x3D80];
	_ =	sdelay $0x1  }
0x241: {  	v3 =	vld [tilespmem:$0x1D80];
	_ =	sdelay $0x2  }
0x242: {  	v10 =	vmul.f32 v2, v62;
	v2 =	vor.u32 $0x3B, v0  }
0x243: {  	v8 =	vadd.s32 v2, v7  }
0x244: {  	v3 =	vmul.f32 v3, v60;
	v4 =	vmul.f32 v10, v61;
	_ =	sdelay $0x1  }
0x245: {  	v3 =	vadd.f32 v4, v3;
	_ =	sdelay $0x1  }
0x246: {  	[tilespmem:v8+s7+$0x0] =	vst.idx.msk $0xffff, v3  }
0x247: {  	v3 =	vld [tilespmem:$0x3E00];
	_ =	sdelay $0x1  }
0x248: {  	v9 =	vld [tilespmem:$0x1E00];
	_ =	sdelay $0x2  }
0x249: {  	v10 =	vmul.f32 v3, v62;
	v3 =	vor.u32 $0x3C, v0  }
0x24a: {  	v6 =	vadd.s32 v3, v7  }
0x24b: {  	v4 =	vmul.f32 v9, v60;
	v5 =	vmul.f32 v10, v61;
	_ =	sdelay $0x1  }
0x24c: {  	v4 =	vadd.f32 v5, v4;
	_ =	sdelay $0x1  }
0x24d: {  	[tilespmem:v6+s7+$0x0] =	vst.idx.msk $0xffff, v4  }
0x24e: {  	v4 =	vld [tilespmem:$0x3E80];
	_ =	sdelay $0x1  }
0x24f: {  	v5 =	vld [tilespmem:$0x1E80];
	_ =	sdelay $0x2  }
0x250: {  	v6 =	vmul.f32 v4, v62;
	v4 =	vor.u32 $0x3D, v0  }
0x251: {  	v8 =	vadd.s32 v4, v7  }
0x252: {  	v5 =	vmul.f32 v5, v60;
	v6 =	vmul.f32 v6, v61;
	_ =	sdelay $0x1  }
0x253: {  	v5 =	vadd.f32 v6, v5;
	_ =	sdelay $0x1  }
0x254: {  	[tilespmem:v8+s7+$0x0] =	vst.idx.msk $0xffff, v5  }
0x255: {  	v5 =	vld [tilespmem:$0x3F00];
	_ =	sdelay $0x1  }
0x256: {  	v6 =	vld [tilespmem:$0x1F00];
	_ =	sdelay $0x2  }
0x257: {  	v8 =	vmul.f32 v5, v62;
	v5 =	vor.u32 $0x3E, v0  }
0x258: {  	v9 =	vadd.s32 v5, v7  }
0x259: {  	v6 =	vmul.f32 v6, v60;
	v8 =	vmul.f32 v8, v61;
	_ =	sdelay $0x1  }
0x25a: {  	v6 =	vadd.f32 v8, v6;
	_ =	sdelay $0x1  }
0x25b: {  	[tilespmem:v9+s7+$0x0] =	vst.idx.msk $0xffff, v6  }
0x25c: {  	v6 =	vld [tilespmem:$0x3F80];
	_ =	sdelay $0x1  }
0x25d: {  	v8 =	vld [tilespmem:$0x1F80];
	_ =	sdelay $0x2  }
0x25e: {  	v9 =	vmul.f32 v6, v62;
	v6 =	vor.u32 $0x3F, v0  }
0x25f: {  	v7 =	vadd.s32 v6, v7  }
0x260: {  	v8 =	vmul.f32 v8, v60;
	v9 =	vmul.f32 v9, v61;
	_ =	sdelay $0x1  }
0x261: {  	v8 =	vadd.f32 v9, v8;
	_ =	sdelay $0x1  }
0x262: {  	[tilespmem:v7+s7+$0x0] =	vst.idx.msk $0xffff, v8  }
0x263: {  	v8 =	vld [tilespmem:$0x0];
	_ =	sdelay $0x1  }
0x264: {  	v9 =	vld [tilespmem:$0x2000]  }
0x265: {  	v7 =	vshll.u32 v63, $0x6  }
0x266: {  	v63 =	vadd.s32 v0, v7  }
0x267: {  	v10 =	vand.u32 $0x40, v7;
	v63 =	vand.u32 $0xFFFFFF80, v63;
	v8 =	vmul.f32 v8, v62  }
0x268: {  	v10 =	vor.u32 v10, v63  }
0x269: {  	v9 =	vmul.f32 v9, v61;
	v8 =	vmul.f32 v8, v60;
	_ =	sdelay $0x1  }
0x26a: {  	v8 =	vadd.f32 v8, v9;
	_ =	sdelay $0x1  }
0x26b: {  	[tilespmem:v10+s7+$0x0] =	vst.idx.msk $0xffff, v8  }
0x26c: {  	v8 =	vld [tilespmem:$0x80];
	_ =	sdelay $0x1  }
0x26d: {  	v9 =	vld [tilespmem:$0x2080];
	_ =	sdelay $0x2  }
0x26e: {  	v8 =	vmul.f32 v8, v62  }
0x26f: {  	v63 =	vadd.s32 v11, v7  }
0x270: {  	v9 =	vmul.f32 v9, v61;
	v8 =	vmul.f32 v8, v60;
	_ =	sdelay $0x1  }
0x271: {  	v8 =	vadd.f32 v8, v9;
	_ =	sdelay $0x1  }
0x272: {  	[tilespmem:v63+s7+$0x0] =	vst.idx.msk $0xffff, v8  }
0x273: {  	v8 =	vld [tilespmem:$0x100];
	_ =	sdelay $0x1  }
0x274: {  	v9 =	vld [tilespmem:$0x2100];
	_ =	sdelay $0x2  }
0x275: {  	v8 =	vmul.f32 v8, v62  }
0x276: {  	v63 =	vadd.s32 v12, v7  }
0x277: {  	v9 =	vmul.f32 v9, v61;
	v8 =	vmul.f32 v8, v60;
	_ =	sdelay $0x1  }
0x278: {  	v8 =	vadd.f32 v8, v9;
	_ =	sdelay $0x1  }
0x279: {  	[tilespmem:v63+s7+$0x0] =	vst.idx.msk $0xffff, v8  }
0x27a: {  	v8 =	vld [tilespmem:$0x180];
	_ =	sdelay $0x1  }
0x27b: {  	v12 =	vld [tilespmem:$0x2180];
	_ =	sdelay $0x2  }
0x27c: {  	v8 =	vmul.f32 v8, v62  }
0x27d: {  	v63 =	vadd.s32 v13, v7  }
0x27e: {  	v9 =	vmul.f32 v12, v61;
	v8 =	vmul.f32 v8, v60;
	_ =	sdelay $0x1  }
0x27f: {  	v8 =	vadd.f32 v8, v9;
	_ =	sdelay $0x1  }
0x280: {  	[tilespmem:v63+s7+$0x0] =	vst.idx.msk $0xffff, v8  }
0x281: {  	v8 =	vld [tilespmem:$0x200];
	_ =	sdelay $0x1  }
0x282: {  	v12 =	vld [tilespmem:$0x2200];
	_ =	sdelay $0x2  }
0x283: {  	v8 =	vmul.f32 v8, v62  }
0x284: {  	v13 =	vadd.s32 v14, v7  }
0x285: {  	v9 =	vmul.f32 v12, v61;
	v8 =	vmul.f32 v8, v60;
	_ =	sdelay $0x1  }
0x286: {  	v8 =	vadd.f32 v8, v9;
	_ =	sdelay $0x1  }
0x287: {  	[tilespmem:v13+s7+$0x0] =	vst.idx.msk $0xffff, v8  }
0x288: {  	v8 =	vld [tilespmem:$0x280];
	_ =	sdelay $0x1  }
0x289: {  	v14 =	vld [tilespmem:$0x2280];
	_ =	sdelay $0x2  }
0x28a: {  	v8 =	vmul.f32 v8, v62  }
0x28b: {  	v63 =	vadd.s32 v15, v7  }
0x28c: {  	v9 =	vmul.f32 v14, v61;
	v8 =	vmul.f32 v8, v60;
	_ =	sdelay $0x1  }
0x28d: {  	v8 =	vadd.f32 v8, v9;
	_ =	sdelay $0x1  }
0x28e: {  	[tilespmem:v63+s7+$0x0] =	vst.idx.msk $0xffff, v8  }
0x28f: {  	v8 =	vld [tilespmem:$0x300];
	_ =	sdelay $0x1  }
0x290: {  	v12 =	vld [tilespmem:$0x2300];
	_ =	sdelay $0x2  }
0x291: {  	v8 =	vmul.f32 v8, v62  }
0x292: {  	v13 =	vadd.s32 v16, v7  }
0x293: {  	v9 =	vmul.f32 v12, v61;
	v8 =	vmul.f32 v8, v60;
	_ =	sdelay $0x1  }
0x294: {  	v8 =	vadd.f32 v8, v9;
	_ =	sdelay $0x1  }
0x295: {  	[tilespmem:v13+s7+$0x0] =	vst.idx.msk $0xffff, v8  }
0x296: {  	v8 =	vld [tilespmem:$0x380];
	_ =	sdelay $0x1  }
0x297: {  	v14 =	vld [tilespmem:$0x2380];
	_ =	sdelay $0x2  }
0x298: {  	v8 =	vmul.f32 v8, v62  }
0x299: {  	v15 =	vadd.s32 v17, v7  }
0x29a: {  	v9 =	vmul.f32 v14, v61;
	v8 =	vmul.f32 v8, v60;
	_ =	sdelay $0x1  }
0x29b: {  	v8 =	vadd.f32 v8, v9;
	_ =	sdelay $0x1  }
0x29c: {  	[tilespmem:v15+s7+$0x0] =	vst.idx.msk $0xffff, v8  }
0x29d: {  	v8 =	vld [tilespmem:$0x400];
	_ =	sdelay $0x1  }
0x29e: {  	v16 =	vld [tilespmem:$0x2400];
	_ =	sdelay $0x2  }
0x29f: {  	v8 =	vmul.f32 v8, v62  }
0x2a0: {  	v17 =	vadd.s32 v18, v7  }
0x2a1: {  	v9 =	vmul.f32 v16, v61;
	v8 =	vmul.f32 v8, v60;
	_ =	sdelay $0x1  }
0x2a2: {  	v8 =	vadd.f32 v8, v9;
	_ =	sdelay $0x1  }
0x2a3: {  	[tilespmem:v17+s7+$0x0] =	vst.idx.msk $0xffff, v8  }
0x2a4: {  	v8 =	vld [tilespmem:$0x480];
	_ =	sdelay $0x1  }
0x2a5: {  	v18 =	vld [tilespmem:$0x2480];
	_ =	sdelay $0x2  }
0x2a6: {  	v8 =	vmul.f32 v8, v62  }
0x2a7: {  	v19 =	vadd.s32 v19, v7  }
0x2a8: {  	v9 =	vmul.f32 v18, v61;
	v8 =	vmul.f32 v8, v60;
	_ =	sdelay $0x1  }
0x2a9: {  	v8 =	vadd.f32 v8, v9;
	_ =	sdelay $0x1  }
0x2aa: {  	[tilespmem:v19+s7+$0x0] =	vst.idx.msk $0xffff, v8  }
0x2ab: {  	v8 =	vld [tilespmem:$0x500];
	_ =	sdelay $0x1  }
0x2ac: {  	v63 =	vld [tilespmem:$0x2500];
	_ =	sdelay $0x2  }
0x2ad: {  	v8 =	vmul.f32 v8, v62  }
0x2ae: {  	v12 =	vadd.s32 v20, v7  }
0x2af: {  	v9 =	vmul.f32 v63, v61;
	v8 =	vmul.f32 v8, v60;
	_ =	sdelay $0x1  }
0x2b0: {  	v8 =	vadd.f32 v8, v9;
	_ =	sdelay $0x1  }
0x2b1: {  	[tilespmem:v12+s7+$0x0] =	vst.idx.msk $0xffff, v8  }
0x2b2: {  	v8 =	vld [tilespmem:$0x580];
	_ =	sdelay $0x1  }
0x2b3: {  	v13 =	vld [tilespmem:$0x2580];
	_ =	sdelay $0x2  }
0x2b4: {  	v8 =	vmul.f32 v8, v62  }
0x2b5: {  	v14 =	vadd.s32 v21, v7  }
0x2b6: {  	v9 =	vmul.f32 v13, v61;
	v8 =	vmul.f32 v8, v60;
	_ =	sdelay $0x1  }
0x2b7: {  	v8 =	vadd.f32 v8, v9;
	_ =	sdelay $0x1  }
0x2b8: {  	[tilespmem:v14+s7+$0x0] =	vst.idx.msk $0xffff, v8  }
0x2b9: {  	v8 =	vld [tilespmem:$0x600];
	_ =	sdelay $0x1  }
0x2ba: {  	v15 =	vld [tilespmem:$0x2600];
	_ =	sdelay $0x2  }
0x2bb: {  	v8 =	vmul.f32 v8, v62  }
0x2bc: {  	v16 =	vadd.s32 v22, v7  }
0x2bd: {  	v9 =	vmul.f32 v15, v61;
	v8 =	vmul.f32 v8, v60;
	_ =	sdelay $0x1  }
0x2be: {  	v8 =	vadd.f32 v8, v9;
	_ =	sdelay $0x1  }
0x2bf: {  	[tilespmem:v16+s7+$0x0] =	vst.idx.msk $0xffff, v8  }
0x2c0: {  	v8 =	vld [tilespmem:$0x680];
	_ =	sdelay $0x1  }
0x2c1: {  	v17 =	vld [tilespmem:$0x2680];
	_ =	sdelay $0x2  }
0x2c2: {  	v8 =	vmul.f32 v8, v62  }
0x2c3: {  	v18 =	vadd.s32 v23, v7  }
0x2c4: {  	v9 =	vmul.f32 v17, v61;
	v8 =	vmul.f32 v8, v60;
	_ =	sdelay $0x1  }
0x2c5: {  	v8 =	vadd.f32 v8, v9;
	_ =	sdelay $0x1  }
0x2c6: {  	[tilespmem:v18+s7+$0x0] =	vst.idx.msk $0xffff, v8  }
0x2c7: {  	v8 =	vld [tilespmem:$0x700];
	_ =	sdelay $0x1  }
0x2c8: {  	v19 =	vld [tilespmem:$0x2700];
	_ =	sdelay $0x2  }
0x2c9: {  	v8 =	vmul.f32 v8, v62  }
0x2ca: {  	v20 =	vadd.s32 v24, v7  }
0x2cb: {  	v9 =	vmul.f32 v19, v61;
	v8 =	vmul.f32 v8, v60;
	_ =	sdelay $0x1  }
0x2cc: {  	v8 =	vadd.f32 v8, v9;
	_ =	sdelay $0x1  }
0x2cd: {  	[tilespmem:v20+s7+$0x0] =	vst.idx.msk $0xffff, v8  }
0x2ce: {  	v8 =	vld [tilespmem:$0x780];
	_ =	sdelay $0x1  }
0x2cf: {  	v21 =	vld [tilespmem:$0x2780];
	_ =	sdelay $0x2  }
0x2d0: {  	v8 =	vmul.f32 v8, v62  }
0x2d1: {  	v22 =	vadd.s32 v25, v7  }
0x2d2: {  	v9 =	vmul.f32 v21, v61;
	v8 =	vmul.f32 v8, v60;
	_ =	sdelay $0x1  }
0x2d3: {  	v8 =	vadd.f32 v8, v9;
	_ =	sdelay $0x1  }
0x2d4: {  	[tilespmem:v22+s7+$0x0] =	vst.idx.msk $0xffff, v8  }
0x2d5: {  	v8 =	vld [tilespmem:$0x800];
	_ =	sdelay $0x1  }
0x2d6: {  	v23 =	vld [tilespmem:$0x2800];
	_ =	sdelay $0x2  }
0x2d7: {  	v8 =	vmul.f32 v8, v62  }
0x2d8: {  	v24 =	vadd.s32 v26, v7  }
0x2d9: {  	v9 =	vmul.f32 v23, v61;
	v8 =	vmul.f32 v8, v60;
	_ =	sdelay $0x1  }
0x2da: {  	v8 =	vadd.f32 v8, v9;
	_ =	sdelay $0x1  }
0x2db: {  	[tilespmem:v24+s7+$0x0] =	vst.idx.msk $0xffff, v8  }
0x2dc: {  	v8 =	vld [tilespmem:$0x880];
	_ =	sdelay $0x1  }
0x2dd: {  	v25 =	vld [tilespmem:$0x2880];
	_ =	sdelay $0x2  }
0x2de: {  	v8 =	vmul.f32 v8, v62  }
0x2df: {  	v26 =	vadd.s32 v27, v7  }
0x2e0: {  	v9 =	vmul.f32 v25, v61;
	v8 =	vmul.f32 v8, v60;
	_ =	sdelay $0x1  }
0x2e1: {  	v8 =	vadd.f32 v8, v9;
	_ =	sdelay $0x1  }
0x2e2: {  	[tilespmem:v26+s7+$0x0] =	vst.idx.msk $0xffff, v8  }
0x2e3: {  	v8 =	vld [tilespmem:$0x900];
	_ =	sdelay $0x1  }
0x2e4: {  	v27 =	vld [tilespmem:$0x2900];
	_ =	sdelay $0x2  }
0x2e5: {  	v8 =	vmul.f32 v8, v62  }
0x2e6: {  	v63 =	vadd.s32 v28, v7  }
0x2e7: {  	v9 =	vmul.f32 v27, v61;
	v8 =	vmul.f32 v8, v60;
	_ =	sdelay $0x1  }
0x2e8: {  	v8 =	vadd.f32 v8, v9;
	_ =	sdelay $0x1  }
0x2e9: {  	[tilespmem:v63+s7+$0x0] =	vst.idx.msk $0xffff, v8  }
0x2ea: {  	v8 =	vld [tilespmem:$0x980];
	_ =	sdelay $0x1  }
0x2eb: {  	v12 =	vld [tilespmem:$0x2980];
	_ =	sdelay $0x2  }
0x2ec: {  	v8 =	vmul.f32 v8, v62  }
0x2ed: {  	v13 =	vadd.s32 v29, v7  }
0x2ee: {  	v9 =	vmul.f32 v12, v61;
	v8 =	vmul.f32 v8, v60;
	_ =	sdelay $0x1  }
0x2ef: {  	v8 =	vadd.f32 v8, v9;
	_ =	sdelay $0x1  }
0x2f0: {  	[tilespmem:v13+s7+$0x0] =	vst.idx.msk $0xffff, v8  }
0x2f1: {  	v8 =	vld [tilespmem:$0xA00];
	_ =	sdelay $0x1  }
0x2f2: {  	v14 =	vld [tilespmem:$0x2A00];
	_ =	sdelay $0x2  }
0x2f3: {  	v8 =	vmul.f32 v8, v62  }
0x2f4: {  	v15 =	vadd.s32 v30, v7  }
0x2f5: {  	v9 =	vmul.f32 v14, v61;
	v8 =	vmul.f32 v8, v60;
	_ =	sdelay $0x1  }
0x2f6: {  	v8 =	vadd.f32 v8, v9;
	_ =	sdelay $0x1  }
0x2f7: {  	[tilespmem:v15+s7+$0x0] =	vst.idx.msk $0xffff, v8  }
0x2f8: {  	v8 =	vld [tilespmem:$0xA80];
	_ =	sdelay $0x1  }
0x2f9: {  	v16 =	vld [tilespmem:$0x2A80];
	_ =	sdelay $0x2  }
0x2fa: {  	v8 =	vmul.f32 v8, v62  }
0x2fb: {  	v17 =	vadd.s32 v31, v7  }
0x2fc: {  	v9 =	vmul.f32 v16, v61;
	v8 =	vmul.f32 v8, v60;
	_ =	sdelay $0x1  }
0x2fd: {  	v8 =	vadd.f32 v8, v9;
	_ =	sdelay $0x1  }
0x2fe: {  	[tilespmem:v17+s7+$0x0] =	vst.idx.msk $0xffff, v8  }
0x2ff: {  	v8 =	vld [tilespmem:$0xB00];
	_ =	sdelay $0x1  }
0x300: {  	v18 =	vld [tilespmem:$0x2B00];
	_ =	sdelay $0x2  }
0x301: {  	v8 =	vmul.f32 v8, v62  }
0x302: {  	v19 =	vadd.s32 v32, v7  }
0x303: {  	v9 =	vmul.f32 v18, v61;
	v8 =	vmul.f32 v8, v60;
	_ =	sdelay $0x1  }
0x304: {  	v8 =	vadd.f32 v8, v9;
	_ =	sdelay $0x1  }
0x305: {  	[tilespmem:v19+s7+$0x0] =	vst.idx.msk $0xffff, v8  }
0x306: {  	v8 =	vld [tilespmem:$0xB80];
	_ =	sdelay $0x1  }
0x307: {  	v20 =	vld [tilespmem:$0x2B80];
	_ =	sdelay $0x2  }
0x308: {  	v8 =	vmul.f32 v8, v62  }
0x309: {  	v21 =	vadd.s32 v33, v7  }
0x30a: {  	v9 =	vmul.f32 v20, v61;
	v8 =	vmul.f32 v8, v60;
	_ =	sdelay $0x1  }
0x30b: {  	v8 =	vadd.f32 v8, v9;
	_ =	sdelay $0x1  }
0x30c: {  	[tilespmem:v21+s7+$0x0] =	vst.idx.msk $0xffff, v8  }
0x30d: {  	v8 =	vld [tilespmem:$0xC00];
	_ =	sdelay $0x1  }
0x30e: {  	v22 =	vld [tilespmem:$0x2C00];
	_ =	sdelay $0x2  }
0x30f: {  	v8 =	vmul.f32 v8, v62  }
0x310: {  	v23 =	vadd.s32 v34, v7  }
0x311: {  	v9 =	vmul.f32 v22, v61;
	v8 =	vmul.f32 v8, v60;
	_ =	sdelay $0x1  }
0x312: {  	v8 =	vadd.f32 v8, v9;
	_ =	sdelay $0x1  }
0x313: {  	[tilespmem:v23+s7+$0x0] =	vst.idx.msk $0xffff, v8  }
0x314: {  	v8 =	vld [tilespmem:$0xC80];
	_ =	sdelay $0x1  }
0x315: {  	v24 =	vld [tilespmem:$0x2C80];
	_ =	sdelay $0x2  }
0x316: {  	v8 =	vmul.f32 v8, v62  }
0x317: {  	v25 =	vadd.s32 v35, v7  }
0x318: {  	v9 =	vmul.f32 v24, v61;
	v8 =	vmul.f32 v8, v60;
	_ =	sdelay $0x1  }
0x319: {  	v8 =	vadd.f32 v8, v9;
	_ =	sdelay $0x1  }
0x31a: {  	[tilespmem:v25+s7+$0x0] =	vst.idx.msk $0xffff, v8  }
0x31b: {  	v8 =	vld [tilespmem:$0xD00];
	_ =	sdelay $0x1  }
0x31c: {  	v26 =	vld [tilespmem:$0x2D00];
	_ =	sdelay $0x2  }
0x31d: {  	v8 =	vmul.f32 v8, v62  }
0x31e: {  	v27 =	vadd.s32 v36, v7  }
0x31f: {  	v9 =	vmul.f32 v26, v61;
	v8 =	vmul.f32 v8, v60;
	_ =	sdelay $0x1  }
0x320: {  	v8 =	vadd.f32 v8, v9;
	_ =	sdelay $0x1  }
0x321: {  	[tilespmem:v27+s7+$0x0] =	vst.idx.msk $0xffff, v8  }
0x322: {  	v8 =	vld [tilespmem:$0xD80];
	_ =	sdelay $0x1  }
0x323: {  	v28 =	vld [tilespmem:$0x2D80];
	_ =	sdelay $0x2  }
0x324: {  	v8 =	vmul.f32 v8, v62  }
0x325: {  	v29 =	vadd.s32 v37, v7  }
0x326: {  	v9 =	vmul.f32 v28, v61;
	v8 =	vmul.f32 v8, v60;
	_ =	sdelay $0x1  }
0x327: {  	v8 =	vadd.f32 v8, v9;
	_ =	sdelay $0x1  }
0x328: {  	[tilespmem:v29+s7+$0x0] =	vst.idx.msk $0xffff, v8  }
0x329: {  	v8 =	vld [tilespmem:$0xE00];
	_ =	sdelay $0x1  }
0x32a: {  	v30 =	vld [tilespmem:$0x2E00];
	_ =	sdelay $0x2  }
0x32b: {  	v8 =	vmul.f32 v8, v62  }
0x32c: {  	v31 =	vadd.s32 v38, v7  }
0x32d: {  	v9 =	vmul.f32 v30, v61;
	v8 =	vmul.f32 v8, v60;
	_ =	sdelay $0x1  }
0x32e: {  	v8 =	vadd.f32 v8, v9;
	_ =	sdelay $0x1  }
0x32f: {  	[tilespmem:v31+s7+$0x0] =	vst.idx.msk $0xffff, v8  }
0x330: {  	v8 =	vld [tilespmem:$0xE80];
	_ =	sdelay $0x1  }
0x331: {  	v32 =	vld [tilespmem:$0x2E80];
	_ =	sdelay $0x2  }
0x332: {  	v8 =	vmul.f32 v8, v62  }
0x333: {  	v33 =	vadd.s32 v39, v7  }
0x334: {  	v9 =	vmul.f32 v32, v61;
	v8 =	vmul.f32 v8, v60;
	_ =	sdelay $0x1  }
0x335: {  	v8 =	vadd.f32 v8, v9;
	_ =	sdelay $0x1  }
0x336: {  	[tilespmem:v33+s7+$0x0] =	vst.idx.msk $0xffff, v8  }
0x337: {  	v8 =	vld [tilespmem:$0xF00];
	_ =	sdelay $0x1  }
0x338: {  	v34 =	vld [tilespmem:$0x2F00];
	_ =	sdelay $0x2  }
0x339: {  	v8 =	vmul.f32 v8, v62  }
0x33a: {  	v35 =	vadd.s32 v40, v7  }
0x33b: {  	v9 =	vmul.f32 v34, v61;
	v8 =	vmul.f32 v8, v60;
	_ =	sdelay $0x1  }
0x33c: {  	v8 =	vadd.f32 v8, v9;
	_ =	sdelay $0x1  }
0x33d: {  	[tilespmem:v35+s7+$0x0] =	vst.idx.msk $0xffff, v8  }
0x33e: {  	v8 =	vld [tilespmem:$0xF80];
	_ =	sdelay $0x1  }
0x33f: {  	v36 =	vld [tilespmem:$0x2F80];
	_ =	sdelay $0x2  }
0x340: {  	v8 =	vmul.f32 v8, v62  }
0x341: {  	v37 =	vadd.s32 v41, v7  }
0x342: {  	v9 =	vmul.f32 v36, v61;
	v8 =	vmul.f32 v8, v60;
	_ =	sdelay $0x1  }
0x343: {  	v8 =	vadd.f32 v8, v9;
	_ =	sdelay $0x1  }
0x344: {  	[tilespmem:v37+s7+$0x0] =	vst.idx.msk $0xffff, v8  }
0x345: {  	v8 =	vld [tilespmem:$0x1000];
	_ =	sdelay $0x1  }
0x346: {  	v38 =	vld [tilespmem:$0x3000];
	_ =	sdelay $0x2  }
0x347: {  	v8 =	vmul.f32 v8, v62  }
0x348: {  	v39 =	vadd.s32 v42, v7  }
0x349: {  	v9 =	vmul.f32 v38, v61;
	v8 =	vmul.f32 v8, v60;
	_ =	sdelay $0x1  }
0x34a: {  	v8 =	vadd.f32 v8, v9;
	_ =	sdelay $0x1  }
0x34b: {  	[tilespmem:v39+s7+$0x0] =	vst.idx.msk $0xffff, v8  }
0x34c: {  	v8 =	vld [tilespmem:$0x1080];
	_ =	sdelay $0x1  }
0x34d: {  	v40 =	vld [tilespmem:$0x3080];
	_ =	sdelay $0x2  }
0x34e: {  	v8 =	vmul.f32 v8, v62  }
0x34f: {  	v41 =	vadd.s32 v43, v7  }
0x350: {  	v9 =	vmul.f32 v40, v61;
	v8 =	vmul.f32 v8, v60;
	_ =	sdelay $0x1  }
0x351: {  	v8 =	vadd.f32 v8, v9;
	_ =	sdelay $0x1  }
0x352: {  	[tilespmem:v41+s7+$0x0] =	vst.idx.msk $0xffff, v8  }
0x353: {  	v8 =	vld [tilespmem:$0x1100];
	_ =	sdelay $0x1  }
0x354: {  	v42 =	vld [tilespmem:$0x3100];
	_ =	sdelay $0x2  }
0x355: {  	v8 =	vmul.f32 v8, v62  }
0x356: {  	v43 =	vadd.s32 v44, v7  }
0x357: {  	v9 =	vmul.f32 v42, v61;
	v8 =	vmul.f32 v8, v60;
	_ =	sdelay $0x1  }
0x358: {  	v8 =	vadd.f32 v8, v9;
	_ =	sdelay $0x1  }
0x359: {  	[tilespmem:v43+s7+$0x0] =	vst.idx.msk $0xffff, v8  }
0x35a: {  	v8 =	vld [tilespmem:$0x1180];
	_ =	sdelay $0x1  }
0x35b: {  	v44 =	vld [tilespmem:$0x3180];
	_ =	sdelay $0x2  }
0x35c: {  	v8 =	vmul.f32 v8, v62  }
0x35d: {  	v63 =	vadd.s32 v45, v7  }
0x35e: {  	v9 =	vmul.f32 v44, v61;
	v8 =	vmul.f32 v8, v60;
	_ =	sdelay $0x1  }
0x35f: {  	v8 =	vadd.f32 v8, v9;
	_ =	sdelay $0x1  }
0x360: {  	[tilespmem:v63+s7+$0x0] =	vst.idx.msk $0xffff, v8  }
0x361: {  	v8 =	vld [tilespmem:$0x1200];
	_ =	sdelay $0x1  }
0x362: {  	v12 =	vld [tilespmem:$0x3200];
	_ =	sdelay $0x2  }
0x363: {  	v8 =	vmul.f32 v8, v62  }
0x364: {  	v13 =	vadd.s32 v46, v7  }
0x365: {  	v9 =	vmul.f32 v12, v61;
	v8 =	vmul.f32 v8, v60;
	_ =	sdelay $0x1  }
0x366: {  	v8 =	vadd.f32 v8, v9;
	_ =	sdelay $0x1  }
0x367: {  	[tilespmem:v13+s7+$0x0] =	vst.idx.msk $0xffff, v8  }
0x368: {  	v8 =	vld [tilespmem:$0x1280];
	_ =	sdelay $0x1  }
0x369: {  	v14 =	vld [tilespmem:$0x3280];
	_ =	sdelay $0x2  }
0x36a: {  	v8 =	vmul.f32 v8, v62  }
0x36b: {  	v15 =	vadd.s32 v47, v7  }
0x36c: {  	v9 =	vmul.f32 v14, v61;
	v8 =	vmul.f32 v8, v60;
	_ =	sdelay $0x1  }
0x36d: {  	v8 =	vadd.f32 v8, v9;
	_ =	sdelay $0x1  }
0x36e: {  	[tilespmem:v15+s7+$0x0] =	vst.idx.msk $0xffff, v8  }
0x36f: {  	v8 =	vld [tilespmem:$0x1300];
	_ =	sdelay $0x1  }
0x370: {  	v16 =	vld [tilespmem:$0x3300];
	_ =	sdelay $0x2  }
0x371: {  	v8 =	vmul.f32 v8, v62  }
0x372: {  	v17 =	vadd.s32 v48, v7  }
0x373: {  	v9 =	vmul.f32 v16, v61;
	v8 =	vmul.f32 v8, v60;
	_ =	sdelay $0x1  }
0x374: {  	v8 =	vadd.f32 v8, v9;
	_ =	sdelay $0x1  }
0x375: {  	[tilespmem:v17+s7+$0x0] =	vst.idx.msk $0xffff, v8  }
0x376: {  	v8 =	vld [tilespmem:$0x1380];
	_ =	sdelay $0x1  }
0x377: {  	v18 =	vld [tilespmem:$0x3380];
	_ =	sdelay $0x2  }
0x378: {  	v8 =	vmul.f32 v8, v62  }
0x379: {  	v19 =	vadd.s32 v49, v7  }
0x37a: {  	v9 =	vmul.f32 v18, v61;
	v8 =	vmul.f32 v8, v60;
	_ =	sdelay $0x1  }
0x37b: {  	v8 =	vadd.f32 v8, v9;
	_ =	sdelay $0x1  }
0x37c: {  	[tilespmem:v19+s7+$0x0] =	vst.idx.msk $0xffff, v8  }
0x37d: {  	v8 =	vld [tilespmem:$0x1400];
	_ =	sdelay $0x1  }
0x37e: {  	v20 =	vld [tilespmem:$0x3400];
	_ =	sdelay $0x2  }
0x37f: {  	v8 =	vmul.f32 v8, v62  }
0x380: {  	v21 =	vadd.s32 v50, v7  }
0x381: {  	v9 =	vmul.f32 v20, v61;
	v8 =	vmul.f32 v8, v60;
	_ =	sdelay $0x1  }
0x382: {  	v8 =	vadd.f32 v8, v9;
	_ =	sdelay $0x1  }
0x383: {  	[tilespmem:v21+s7+$0x0] =	vst.idx.msk $0xffff, v8  }
0x384: {  	v8 =	vld [tilespmem:$0x1480];
	_ =	sdelay $0x1  }
0x385: {  	v22 =	vld [tilespmem:$0x3480];
	_ =	sdelay $0x2  }
0x386: {  	v8 =	vmul.f32 v8, v62  }
0x387: {  	v23 =	vadd.s32 v51, v7  }
0x388: {  	v9 =	vmul.f32 v22, v61;
	v8 =	vmul.f32 v8, v60;
	_ =	sdelay $0x1  }
0x389: {  	v8 =	vadd.f32 v8, v9;
	_ =	sdelay $0x1  }
0x38a: {  	[tilespmem:v23+s7+$0x0] =	vst.idx.msk $0xffff, v8  }
0x38b: {  	v8 =	vld [tilespmem:$0x1500];
	_ =	sdelay $0x1  }
0x38c: {  	v24 =	vld [tilespmem:$0x3500];
	_ =	sdelay $0x2  }
0x38d: {  	v8 =	vmul.f32 v8, v62  }
0x38e: {  	v25 =	vadd.s32 v52, v7  }
0x38f: {  	v9 =	vmul.f32 v24, v61;
	v8 =	vmul.f32 v8, v60;
	_ =	sdelay $0x1  }
0x390: {  	v8 =	vadd.f32 v8, v9;
	_ =	sdelay $0x1  }
0x391: {  	[tilespmem:v25+s7+$0x0] =	vst.idx.msk $0xffff, v8  }
0x392: {  	v8 =	vld [tilespmem:$0x1580];
	_ =	sdelay $0x1  }
0x393: {  	v26 =	vld [tilespmem:$0x3580];
	_ =	sdelay $0x2  }
0x394: {  	v8 =	vmul.f32 v8, v62  }
0x395: {  	v27 =	vadd.s32 v53, v7  }
0x396: {  	v9 =	vmul.f32 v26, v61;
	v8 =	vmul.f32 v8, v60;
	_ =	sdelay $0x1  }
0x397: {  	v8 =	vadd.f32 v8, v9;
	_ =	sdelay $0x1  }
0x398: {  	[tilespmem:v27+s7+$0x0] =	vst.idx.msk $0xffff, v8  }
0x399: {  	v8 =	vld [tilespmem:$0x1600];
	_ =	sdelay $0x1  }
0x39a: {  	v28 =	vld [tilespmem:$0x3600];
	_ =	sdelay $0x2  }
0x39b: {  	v8 =	vmul.f32 v8, v62  }
0x39c: {  	v29 =	vadd.s32 v54, v7  }
0x39d: {  	v9 =	vmul.f32 v28, v61;
	v8 =	vmul.f32 v8, v60;
	_ =	sdelay $0x1  }
0x39e: {  	v8 =	vadd.f32 v8, v9;
	_ =	sdelay $0x1  }
0x39f: {  	[tilespmem:v29+s7+$0x0] =	vst.idx.msk $0xffff, v8  }
0x3a0: {  	v8 =	vld [tilespmem:$0x1680];
	_ =	sdelay $0x1  }
0x3a1: {  	v30 =	vld [tilespmem:$0x3680];
	_ =	sdelay $0x2  }
0x3a2: {  	v8 =	vmul.f32 v8, v62  }
0x3a3: {  	v31 =	vadd.s32 v55, v7  }
0x3a4: {  	v9 =	vmul.f32 v30, v61;
	v8 =	vmul.f32 v8, v60;
	_ =	sdelay $0x1  }
0x3a5: {  	v8 =	vadd.f32 v8, v9;
	_ =	sdelay $0x1  }
0x3a6: {  	[tilespmem:v31+s7+$0x0] =	vst.idx.msk $0xffff, v8  }
0x3a7: {  	v8 =	vld [tilespmem:$0x1700];
	_ =	sdelay $0x1  }
0x3a8: {  	v32 =	vld [tilespmem:$0x3700];
	_ =	sdelay $0x2  }
0x3a9: {  	v8 =	vmul.f32 v8, v62  }
0x3aa: {  	v33 =	vadd.s32 v56, v7  }
0x3ab: {  	v9 =	vmul.f32 v32, v61;
	v8 =	vmul.f32 v8, v60;
	_ =	sdelay $0x1  }
0x3ac: {  	v8 =	vadd.f32 v8, v9;
	_ =	sdelay $0x1  }
0x3ad: {  	[tilespmem:v33+s7+$0x0] =	vst.idx.msk $0xffff, v8  }
0x3ae: {  	v8 =	vld [tilespmem:$0x1780];
	_ =	sdelay $0x1  }
0x3af: {  	v34 =	vld [tilespmem:$0x3780];
	_ =	sdelay $0x2  }
0x3b0: {  	v8 =	vmul.f32 v8, v62  }
0x3b1: {  	v35 =	vadd.s32 v57, v7  }
0x3b2: {  	v9 =	vmul.f32 v34, v61;
	v8 =	vmul.f32 v8, v60;
	_ =	sdelay $0x1  }
0x3b3: {  	v8 =	vadd.f32 v8, v9;
	_ =	sdelay $0x1  }
0x3b4: {  	[tilespmem:v35+s7+$0x0] =	vst.idx.msk $0xffff, v8  }
0x3b5: {  	v8 =	vld [tilespmem:$0x1800];
	_ =	sdelay $0x1  }
0x3b6: {  	v36 =	vld [tilespmem:$0x3800];
	_ =	sdelay $0x2  }
0x3b7: {  	v8 =	vmul.f32 v8, v62  }
0x3b8: {  	v37 =	vadd.s32 v58, v7  }
0x3b9: {  	v9 =	vmul.f32 v36, v61;
	v8 =	vmul.f32 v8, v60;
	_ =	sdelay $0x1  }
0x3ba: {  	v8 =	vadd.f32 v8, v9;
	_ =	sdelay $0x1  }
0x3bb: {  	[tilespmem:v37+s7+$0x0] =	vst.idx.msk $0xffff, v8  }
0x3bc: {  	v8 =	vld [tilespmem:$0x1880];
	_ =	sdelay $0x1  }
0x3bd: {  	v38 =	vld [tilespmem:$0x3880];
	_ =	sdelay $0x2  }
0x3be: {  	v8 =	vmul.f32 v8, v62  }
0x3bf: {  	v39 =	vadd.s32 v59, v7  }
0x3c0: {  	v9 =	vmul.f32 v38, v61;
	v8 =	vmul.f32 v8, v60;
	_ =	sdelay $0x1  }
0x3c1: {  	v8 =	vadd.f32 v8, v9;
	_ =	sdelay $0x1  }
0x3c2: {  	[tilespmem:v39+s7+$0x0] =	vst.idx.msk $0xffff, v8  }
0x3c3: {  	v8 =	vld [tilespmem:$0x1900]  }
0x3c4: {  	v41 =	vld [tilespmem:$0x1FF70]  }
0x3c5: {  	v40 =	vld [tilespmem:$0x3900];
	_ =	sdelay $0x2  }
0x3c6: {  	v8 =	vmul.f32 v8, v62  }
0x3c7: {  	v10 =	vadd.s32 v41, v7  }
0x3c8: {  	v9 =	vmul.f32 v40, v61;
	v8 =	vmul.f32 v8, v60;
	_ =	sdelay $0x1  }
0x3c9: {  	v8 =	vadd.f32 v8, v9;
	_ =	sdelay $0x1  }
0x3ca: {  	[tilespmem:v10+s7+$0x0] =	vst.idx.msk $0xffff, v8  }
0x3cb: {  	v8 =	vld [tilespmem:$0x1980]  }
0x3cc: {  	v43 =	vld [tilespmem:$0x1FF80]  }
0x3cd: {  	v42 =	vld [tilespmem:$0x3980];
	_ =	sdelay $0x2  }
0x3ce: {  	v8 =	vmul.f32 v8, v62  }
0x3cf: {  	v10 =	vadd.s32 v43, v7  }
0x3d0: {  	v9 =	vmul.f32 v42, v61;
	v8 =	vmul.f32 v8, v60;
	_ =	sdelay $0x1  }
0x3d1: {  	v8 =	vadd.f32 v8, v9;
	_ =	sdelay $0x1  }
0x3d2: {  	[tilespmem:v10+s7+$0x0] =	vst.idx.msk $0xffff, v8  }
0x3d3: {  	v8 =	vld [tilespmem:$0x1A00]  }
0x3d4: {  	v45 =	vld [tilespmem:$0x1FF90]  }
0x3d5: {  	v44 =	vld [tilespmem:$0x3A00];
	_ =	sdelay $0x2  }
0x3d6: {  	v8 =	vmul.f32 v8, v62  }
0x3d7: {  	v10 =	vadd.s32 v45, v7  }
0x3d8: {  	v9 =	vmul.f32 v44, v61;
	v8 =	vmul.f32 v8, v60;
	_ =	sdelay $0x1  }
0x3d9: {  	v8 =	vadd.f32 v8, v9;
	_ =	sdelay $0x1  }
0x3da: {  	[tilespmem:v10+s7+$0x0] =	vst.idx.msk $0xffff, v8  }
0x3db: {  	v8 =	vld [tilespmem:$0x1A80]  }
0x3dc: {  	v47 =	vld [tilespmem:$0x1FFA0]  }
0x3dd: {  	v46 =	vld [tilespmem:$0x3A80];
	_ =	sdelay $0x2  }
0x3de: {  	v8 =	vmul.f32 v8, v62  }
0x3df: {  	v10 =	vadd.s32 v47, v7  }
0x3e0: {  	v9 =	vmul.f32 v46, v61;
	v8 =	vmul.f32 v8, v60;
	_ =	sdelay $0x1  }
0x3e1: {  	v8 =	vadd.f32 v8, v9;
	_ =	sdelay $0x1  }
0x3e2: {  	[tilespmem:v10+s7+$0x0] =	vst.idx.msk $0xffff, v8  }
0x3e3: {  	v8 =	vld [tilespmem:$0x1B00]  }
0x3e4: {  	v49 =	vld [tilespmem:$0x1FFB0]  }
0x3e5: {  	v48 =	vld [tilespmem:$0x3B00];
	_ =	sdelay $0x2  }
0x3e6: {  	v8 =	vmul.f32 v8, v62  }
0x3e7: {  	v10 =	vadd.s32 v49, v7  }
0x3e8: {  	v9 =	vmul.f32 v48, v61;
	v8 =	vmul.f32 v8, v60;
	_ =	sdelay $0x1  }
0x3e9: {  	v8 =	vadd.f32 v8, v9;
	_ =	sdelay $0x1  }
0x3ea: {  	[tilespmem:v10+s7+$0x0] =	vst.idx.msk $0xffff, v8  }
0x3eb: {  	v8 =	vld [tilespmem:$0x1B80]  }
0x3ec: {  	v51 =	vld [tilespmem:$0x1FFC0]  }
0x3ed: {  	v50 =	vld [tilespmem:$0x3B80];
	_ =	sdelay $0x2  }
0x3ee: {  	v8 =	vmul.f32 v8, v62  }
0x3ef: {  	v10 =	vadd.s32 v51, v7  }
0x3f0: {  	v9 =	vmul.f32 v50, v61;
	v8 =	vmul.f32 v8, v60;
	_ =	sdelay $0x1  }
0x3f1: {  	v8 =	vadd.f32 v8, v9;
	_ =	sdelay $0x1  }
0x3f2: {  	[tilespmem:v10+s7+$0x0] =	vst.idx.msk $0xffff, v8  }
0x3f3: {  	v8 =	vld [tilespmem:$0x1C00]  }
0x3f4: {  	v53 =	vld [tilespmem:$0x1FFD0]  }
0x3f5: {  	v52 =	vld [tilespmem:$0x3C00];
	_ =	sdelay $0x2  }
0x3f6: {  	v8 =	vmul.f32 v8, v62  }
0x3f7: {  	v10 =	vadd.s32 v53, v7  }
0x3f8: {  	v9 =	vmul.f32 v52, v61;
	v8 =	vmul.f32 v8, v60;
	_ =	sdelay $0x1  }
0x3f9: {  	v8 =	vadd.f32 v8, v9;
	_ =	sdelay $0x1  }
0x3fa: {  	[tilespmem:v10+s7+$0x0] =	vst.idx.msk $0xffff, v8  }
0x3fb: {  	v8 =	vld [tilespmem:$0x1C80]  }
0x3fc: {  	v55 =	vld [tilespmem:$0x1FFE0]  }
0x3fd: {  	v54 =	vld [tilespmem:$0x3C80];
	_ =	sdelay $0x2  }
0x3fe: {  	v8 =	vmul.f32 v8, v62  }
0x3ff: {  	v10 =	vadd.s32 v55, v7  }
0x400: {  	v9 =	vmul.f32 v54, v61;
	v8 =	vmul.f32 v8, v60;
	_ =	sdelay $0x1  }
0x401: {  	v8 =	vadd.f32 v8, v9;
	_ =	sdelay $0x1  }
0x402: {  	[tilespmem:v10+s7+$0x0] =	vst.idx.msk $0xffff, v8  }
0x403: {  	v8 =	vld [tilespmem:$0x1D00]  }
0x404: {  	v57 =	vld [tilespmem:$0x1FFF0]  }
0x405: {  	v56 =	vld [tilespmem:$0x3D00];
	_ =	sdelay $0x2  }
0x406: {  	v8 =	vmul.f32 v8, v62  }
0x407: {  	v10 =	vadd.s32 v57, v7  }
0x408: {  	v9 =	vmul.f32 v56, v61;
	v8 =	vmul.f32 v8, v60;
	_ =	sdelay $0x1  }
0x409: {  	v8 =	vadd.f32 v8, v9;
	_ =	sdelay $0x1  }
0x40a: {  	[tilespmem:v10+s7+$0x0] =	vst.idx.msk $0xffff, v8  }
0x40b: {  	v8 =	vld [tilespmem:$0x1D80];
	_ =	sdelay $0x1  }
0x40c: {  	v58 =	vld [tilespmem:$0x3D80];
	_ =	sdelay $0x2  }
0x40d: {  	v8 =	vmul.f32 v8, v62  }
0x40e: {  	v2 =	vadd.s32 v2, v7  }
0x40f: {  	v9 =	vmul.f32 v58, v61;
	v8 =	vmul.f32 v8, v60;
	_ =	sdelay $0x1  }
0x410: {  	v8 =	vadd.f32 v8, v9;
	_ =	sdelay $0x1  }
0x411: {  	[tilespmem:v2+s7+$0x0] =	vst.idx.msk $0xffff, v8  }
0x412: {  	v2 =	vld [tilespmem:$0x1E00];
	_ =	sdelay $0x1  }
0x413: {  	v8 =	vld [tilespmem:$0x3E00];
	_ =	sdelay $0x2  }
0x414: {  	v2 =	vmul.f32 v2, v62  }
0x415: {  	v3 =	vadd.s32 v3, v7  }
0x416: {  	v8 =	vmul.f32 v8, v61;
	v2 =	vmul.f32 v2, v60;
	_ =	sdelay $0x1  }
0x417: {  	v2 =	vadd.f32 v2, v8;
	_ =	sdelay $0x1  }
0x418: {  	[tilespmem:v3+s7+$0x0] =	vst.idx.msk $0xffff, v2  }
0x419: {  	v2 =	vld [tilespmem:$0x1E80];
	_ =	sdelay $0x1  }
0x41a: {  	v3 =	vld [tilespmem:$0x3E80];
	_ =	sdelay $0x2  }
0x41b: {  	v2 =	vmul.f32 v2, v62  }
0x41c: {  	v4 =	vadd.s32 v4, v7  }
0x41d: {  	v3 =	vmul.f32 v3, v61;
	v2 =	vmul.f32 v2, v60;
	_ =	sdelay $0x1  }
0x41e: {  	v2 =	vadd.f32 v2, v3;
	_ =	sdelay $0x1  }
0x41f: {  	[tilespmem:v4+s7+$0x0] =	vst.idx.msk $0xffff, v2  }
0x420: {  	v2 =	vld [tilespmem:$0x1F00];
	_ =	sdelay $0x1  }
0x421: {  	v3 =	vld [tilespmem:$0x3F00];
	_ =	sdelay $0x2  }
0x422: {  	v2 =	vmul.f32 v2, v62  }
0x423: {  	v59 =	vadd.s32 v5, v7  }
0x424: {  	v3 =	vmul.f32 v3, v61;
	v2 =	vmul.f32 v2, v60;
	_ =	sdelay $0x1  }
0x425: {  	v2 =	vadd.f32 v2, v3;
	_ =	sdelay $0x1  }
0x426: {  	[tilespmem:v59+s7+$0x0] =	vst.idx.msk $0xffff, v2  }
0x427: {  	v2 =	vld [tilespmem:$0x1F80];
	_ =	sdelay $0x1  }
0x428: {  	v3 =	vld [tilespmem:$0x3F80];
	_ =	sdelay $0x2  }
0x429: {  	v2 =	vmul.f32 v2, v62  }
0x42a: {  	v63 =	vadd.s32 v6, v7  }
0x42b: {  	v3 =	vmul.f32 v3, v61;
	v2 =	vmul.f32 v2, v60;
	_ =	sdelay $0x1  }
0x42c: {  	s8 =	sadd.s32 $0x1, s8;
	v2 =	vadd.f32 v2, v3  }
0x42d: {  	p0 =	sne.s32 s8, s5  }
.Ltmp1:
0x42e: {  	[tilespmem:v63+s7+$0x0] =	vst.idx.msk $0xffff, v2;
	(pc) =	sbr.rel @p0 .LBB2_1-.Ltmp1, $4  }
0x42f: {  	[hbm4b:s4+s2] =	stream.linear.scatter [tilespmem:s7], [sflag:$0x1], $0x10000, $0x38;
	[tilespmem:$0x14400] =	vst v63  }
0x430: {  	_ =	swait.ge [sflag:s6], $0x10000  }
0x431: {  	[sflag:s6] =	ssyncset.done $0x0  }
0x432: {  	[sflag:s6] =	ssyncadd.s32 $0xFFFF0000  }
0x433: {  	_ =	sfence.sel $0x180000  }
0x434: {  	[bflag:$0x0] =	sbarrier.arrive $0xFFFF  }
0x435: {  	p0 =	sne.s32 s0, $0x0;
	_ =	strace $0x90000047  }
0x436: {  	s0 =	sadd.s32 @!p0 $0x100000, s1;
	[bflag:$0x2] =	sbarrier.arrive $0xFFFF  }
0x437: {  	[sflag:s0] =	ssyncadd.tile.s32 @!p0 $0x1;
	_ =	shalt  }
.Lfunc_end2:
_tile_overlayer_lowered:
.L_overlay_start_2:
0x438: {  	(tag) =	ssettag $0x2  }
0x439: {  	s0 =	rddreg [dreg:$0x0];
	s2 =	stileid.u32  }
0x43a: {  	s1 =	rddreg [dreg:$0x1];
	p0 =	sne.s32 s2, $0x0  }
0x43b: {  	s3 =	rddreg [dreg:$0x2];
	[bflag:$0x3] =	sbarrier.arrive $0xFFFF;
	s2 =	simm.s32 @!p0 $0x1C01  }
0x43c: {  	[timem:s3], [sflag:s2] =	dma.local @!p0 [hbm:s0], s1  }
0x43d: {  	s0 =	simm.s32 @!p0 $0x1  }
0x43e: {  	_ =	swait.ge @!p0 [sflag:s0], s1  }
0x43f: {  	s1 =	ssub.s32 @!p0 $0x0, s1;
	[sflag:s0] =	ssyncset.done @!p0 $0x0  }
0x440: {  	[sflag:s0] =	ssyncadd.s32 @!p0 s1  }
0x441: {  	[bflag:$0x3] =	sbarrier.arrive $0xFFFF  }
0x442: {  	_ =	shalt  }

</sc_bundles>
